<compile_context>
chip_gen: v7x
topology: tpu7x:2x2x1
jax: 0.10.2.dev20260603
libtpu: 0.0.44.dev20260713+nightly
codegen_flags: <defaults>
</compile_context>

<pallas_src>
import functools

import jax
import jax.numpy as jnp
from jax import lax
from jax.experimental import pallas as pl
from jax.experimental.pallas import tpu as pltpu
from jax.experimental.pallas import tpu_sc as plsc

_B, _N, _C, _M = 8, 16384, 16, 128
_NSP = 512
_D = 3 + _C
_LANES = 16
_CHUNKS = _N // _LANES
_NW = 32
_BOXES_PER_W = (_B * _M) // _NW
_ZROW = _B * _N
_TROWS = _B * _N + 8
_GCH = _NSP // 128
_GRP = 32
_ROWW = _NSP * _D
_DP = 128


def _sc_pool(pts_t, table, boxp):
    mesh = plsc.VectorSubcoreMesh(core_axis_name="c", subcore_axis_name="s")

    @functools.partial(
        pl.kernel,
        out_type=[
            jax.ShapeDtypeStruct((_B * _M * _NSP, _DP), jnp.float32),
            jax.ShapeDtypeStruct((_B * _M,), jnp.int32),
        ],
        mesh=mesh,
        compiler_params=pltpu.CompilerParams(needs_layout_passes=False,
                                             use_tc_tiling_on_sc=False),
        scratch_types=[
            pltpu.VMEM((3 * _N,), jnp.float32),
            pltpu.VMEM((_BOXES_PER_W * _LANES,), jnp.float32),
            pltpu.VMEM((_NSP + 2 * _LANES,), jnp.int32),
            pltpu.VMEM((2, _GCH, 128), jnp.int32),
            pltpu.VMEM((_NSP, _DP), jnp.float32),
            pltpu.VMEM((_BOXES_PER_W,), jnp.int32),
            pltpu.SemaphoreType.DMA,
        ],
    )
    def body(pts_hbm, table_hbm, boxp_hbm, out_hbm, flags_hbm,
             pts_v, boxp_v, idxbuf, g_v, rows_v, flags_v, sem):
        wid = lax.axis_index("s") * 2 + lax.axis_index("c")
        base_box = wid * _BOXES_PER_W
        b = base_box // _M

        pltpu.sync_copy(pts_hbm.at[pl.ds(b * 3 * _N, 3 * _N)], pts_v)
        pltpu.sync_copy(
            boxp_hbm.at[pl.ds(base_box * _LANES, _BOXES_PER_W * _LANES)],
            boxp_v)

        bn = b * _N
        tab2 = table_hbm
        rows2 = rows_v

        def box_body(i, _):
            pv = boxp_v[pl.ds(i * _LANES, _LANES)]
            cxv = jnp.broadcast_to(pv[0], (_LANES,))
            cyv = jnp.broadcast_to(pv[1], (_LANES,))
            czv = jnp.broadcast_to(pv[2], (_LANES,))
            hxv = jnp.broadcast_to(pv[3], (_LANES,))
            hyv = jnp.broadcast_to(pv[4], (_LANES,))
            hzv = jnp.broadcast_to(pv[5], (_LANES,))
            cav = jnp.broadcast_to(pv[6], (_LANES,))
            sav = jnp.broadcast_to(pv[7], (_LANES,))

            idxbuf[pl.ds(0, _LANES)] = jnp.full((_LANES,), _ZROW - bn,
                                                jnp.int32)

            def scan_body(gi, cnt):
                goff = gi * (_LANES * _GRP)
                ms = []
                for u in range(_GRP):
                    off = goff + u * _LANES
                    x = pts_v[pl.ds(off, _LANES)]
                    y = pts_v[pl.ds(_N + off, _LANES)]
                    z = pts_v[pl.ds(2 * _N + off, _LANES)]
                    sx = x - cxv
                    sy = y - cyv
                    lx = sx * cav - sy * sav
                    ly = sx * sav + sy * cav
                    ms.append((jnp.abs(z - czv) <= hzv)
                              & (jnp.abs(lx) < hxv)
                              & (jnp.abs(ly) < hyv))

                mo = ms[0]
                for u in range(1, _GRP):
                    mo = mo | ms[u]
                anyp = plsc.all_reduce_population_count(mo)[0]

                def do_append(c):
                    nps = [plsc.all_reduce_population_count(ms[u])[0]
                           for u in range(_GRP)]
                    offs = []
                    for u in range(_GRP):
                        offs.append(c)
                        c = c + nps[u]
                    for u in range(_GRP):
                        idxv = (jnp.arange(_LANES, dtype=jnp.int32)
                                + (goff + u * _LANES))
                        plsc.store_compressed(
                            idxbuf.at[pl.ds(jnp.minimum(offs[u], _NSP),
                                            _LANES)],
                            idxv, mask=ms[u])
                    return c

                return lax.cond(anyp > 0, do_append, lambda c: c, cnt)

            cnt = lax.fori_loop(0, _CHUNKS // _GRP, scan_body, jnp.int32(0))

            empty = cnt == jnp.int32(0)
            lane0 = jnp.arange(_LANES, dtype=jnp.int32) == 0
            plsc.store_scatter(flags_v, [jnp.broadcast_to(i, (_LANES,))],
                               jnp.broadcast_to(empty.astype(jnp.int32),
                                                (_LANES,)),
                               mask=lane0)
            kc = jnp.maximum(jnp.minimum(cnt, _NSP), 1)
            bnv = jnp.broadcast_to(bn, (_LANES,))

            ib = i % 2
            tstep = jnp.broadcast_to(jnp.int32(_LANES) % kc, (_LANES,))
            kcv = jnp.broadcast_to(kc, (_LANES,))
            jm = jnp.arange(_LANES, dtype=jnp.int32) % kcv
            for cj in range(_NSP // _LANES):
                vals = plsc.load_gather(idxbuf, [jm])
                gidx = vals + bnv
                g_v[ib, cj * _LANES // 128,
                    pl.ds((cj * _LANES) % 128, _LANES)] = gidx
                jmn = jm + tstep
                jm = jnp.where(jmn >= kcv, jmn - kcv, jmn)

            @pl.when(i > 0)
            def _():
                for q in range(_GCH):
                    pltpu.make_async_copy(
                        tab2.at[pl.ds(0, 128)],
                        rows2.at[pl.ds(q * 128, 128)], sem).wait()
                pltpu.sync_copy(
                    rows_v.at[:, pl.ds(0, 24)],
                    out_hbm.at[pl.ds((base_box + i - 1) * _NSP, _NSP),
                               pl.ds(0, 24)])

            for q in range(_GCH):
                pltpu.async_copy(tab2.at[g_v.at[ib, q]],
                                 rows2.at[pl.ds(q * 128, 128)], sem)
            return 0

        lax.fori_loop(0, _BOXES_PER_W, box_body, 0)
        for q in range(_GCH):
            pltpu.make_async_copy(tab2.at[pl.ds(0, 128)],
                                  rows2.at[pl.ds(q * 128, 128)], sem).wait()
        pltpu.sync_copy(
            rows_v.at[:, pl.ds(0, 24)],
            out_hbm.at[pl.ds((base_box + _BOXES_PER_W - 1) * _NSP, _NSP),
                       pl.ds(0, 24)])
        pltpu.sync_copy(flags_v, flags_hbm.at[pl.ds(base_box, _BOXES_PER_W)])

    return body(pts_t, table, boxp)


def kernel(points, point_features, boxes3d, num_sampled_points):
    del num_sampled_points
    pts_t = jnp.transpose(points, (0, 2, 1))
    table = jnp.concatenate([points, point_features], axis=-1)
    table = table.reshape(_B * _N, _D)
    table = jnp.pad(table, ((0, 8), (0, _DP - _D)))

    cx = boxes3d[..., 0]
    cy = boxes3d[..., 1]
    czc = boxes3d[..., 2] + 0.5 * boxes3d[..., 5]
    hx = 0.5 * boxes3d[..., 3]
    hy = 0.5 * boxes3d[..., 4]
    hz = 0.5 * boxes3d[..., 5]
    ca = jnp.cos(boxes3d[..., 6])
    sa = -jnp.sin(boxes3d[..., 6])
    zpad = jnp.zeros_like(cx)
    boxp = jnp.stack([cx, cy, czc, hx, hy, hz, ca, sa] + [zpad] * 8, axis=-1)
    boxp = boxp.reshape(_B * _M, _LANES)

    pooled_flat, flags = _sc_pool(
        pts_t.reshape(-1), table, boxp.reshape(-1))
    pooled = pooled_flat.reshape(_B, _M, _NSP, _DP)[..., :_D]
    return pooled, flags.reshape(_B, _M)

# --- scband reference (transcript-rebuilt; emitter-appended) ---
"""Pipeline reference for scband-ro-ipoint-pool3d-73091753443761 (READ-ONLY COPY).

The authoritative reference and input builder live on the scoring server;
editing this copy changes nothing except your own understanding.
"""

import jax, jax.numpy as jnp
import numpy as np

B, N, C, M = 8, 16384, 16, 128
NSP = 512


def setup_inputs(seed: int = 0):
    key = jax.random.key(seed)
    k1, k2, k3 = jax.random.split(key, 3)
    # LiDAR-like point cloud: xy in [-50, 50], z in [-2, 2]
    pxy = jax.random.uniform(k1, (B, N, 2), dtype=jnp.float32, minval=-50.0, maxval=50.0)
    pz = jax.random.uniform(jax.random.fold_in(k1, 1), (B, N, 1), dtype=jnp.float32, minval=-2.0, maxval=2.0)
    points = jnp.concatenate([pxy, pz], axis=-1)
    point_features = jax.random.normal(k2, (B, N, C), dtype=jnp.float32)
    # boxes3d: (cx, cy, cz(bottom), dx, dy, dz, rz)
    u = jax.random.uniform(k3, (B, M, 7), dtype=jnp.float32)
    cx = u[..., 0:1] * 100.0 - 50.0
    cy = u[..., 1:2] * 100.0 - 50.0
    cz = u[..., 2:3] * 2.0 - 2.0
    dx = u[..., 3:4] * 4.0 + 2.0
    dy = u[..., 4:5] * 4.0 + 2.0
    dz = u[..., 5:6] * 2.0 + 1.0
    rz = u[..., 6:7] * 2.0 * np.pi - np.pi
    boxes3d = jnp.concatenate([cx, cy, cz, dx, dy, dz, rz], axis=-1)
    return {
        "points": points,
        "point_features": point_features,
        "boxes3d": boxes3d,
        "num_sampled_points": jnp.int32(NSP),
    }


def _in_box(pts, box):
    # pts: [N, 3], box: [7] = (cx, cy, cz_bottom, dx, dy, dz, rz)
    cx, cy, cz, dx, dy, dz, rz = (box[0], box[1], box[2], box[3], box[4], box[5], box[6])
    cz = cz + dz / 2.0  # cz given at bottom center -> shift to geometric center
    sx = pts[:, 0] - cx
    sy = pts[:, 1] - cy
    cosa = jnp.cos(-rz)
    sina = jnp.sin(-rz)
    local_x = sx * cosa - sy * sina
    local_y = sx * sina + sy * cosa
    in_z = jnp.abs(pts[:, 2] - cz) <= dz / 2.0
    in_xy = (local_x > -dx / 2.0) & (local_x < dx / 2.0) & (local_y > -dy / 2.0) & (local_y < dy / 2.0)
    return in_z & in_xy


def _pool_one(pts, feats, box, nsp):
    # Mimics mmcv roipoint_pool3d: take first `nsp` in-box points (original order),
    # cyclically duplicate if fewer than nsp, zeros + empty flag if none.
    n = pts.shape[0]
    flag = _in_box(pts, box)
    ar = jnp.arange(n)
    sort_key = jnp.where(flag, ar, ar + n)
    order = jnp.argsort(sort_key)  # in-box point indices first, in original order
    cnt = jnp.sum(flag.astype(jnp.int32))
    j = jnp.arange(NSP)
    j = j % jnp.maximum(nsp, 1)
    j_eff = j % jnp.maximum(cnt, 1)
    idx = order[j_eff]
    pooled = jnp.concatenate([pts[idx], feats[idx]], axis=-1)  # [nsp, 3 + C]
    empty = (cnt == 0)
    pooled = jnp.where(empty, jnp.zeros_like(pooled), pooled)
    return pooled, empty.astype(jnp.int32)


def reference(points, point_features, boxes3d, num_sampled_points=NSP):
    per_box = jax.vmap(lambda pts, feats, box: _pool_one(pts, feats, box, num_sampled_points), in_axes=(None, None, 0))
    per_batch = jax.vmap(per_box, in_axes=(0, 0, 0))
    pooled_features, pooled_empty_flag = per_batch(points, point_features, boxes3d)
    # pooled_features: [B, M, num_sampled_points, 3 + C]; pooled_empty_flag: [B, M] int32
    return pooled_features, pooled_empty_flag

if __name__ == "__main__":
    import jax
    _d = setup_inputs()
    print(jax.jit(kernel)(*tuple(_d.values())))

</pallas_src>

<mosaic_0001>
#map = affine_map<(d0, d1) -> (0)>
#map1 = affine_map<(d0, d1) -> (0, 0)>
module attributes {stable_mosaic.version = 14 : i64} {
  func.func @body(%arg0: i32, %arg1: i32, %arg2: memref<393216xf32, #tpu.memory_space<hbm>>, %arg3: memref<131080x128xf32, #tpu.memory_space<hbm>>, %arg4: memref<16384xf32, #tpu.memory_space<hbm>>, %arg5: memref<524288x128xf32, #tpu.memory_space<hbm>>, %arg6: memref<1024xi32, #tpu.memory_space<hbm>>, %arg7: memref<49152xf32, #tpu.memory_space<vmem>>, %arg8: memref<512xf32, #tpu.memory_space<vmem>>, %arg9: memref<544xi32, #tpu.memory_space<vmem>>, %arg10: memref<2x4x128xi32, #tpu.memory_space<vmem>>, %arg11: memref<512x128xf32, #tpu.memory_space<vmem>>, %arg12: memref<32xi32, #tpu.memory_space<vmem>>, %arg13: memref<!tpu.dma_semaphore, #tpu.memory_space<semaphore_mem>>) attributes {dimension_semantics = [#tpu.dimension_semantics<core_parallel>, #tpu.dimension_semantics<subcore_parallel>], iteration_bounds = array<i64: 2, 16>, scalar_prefetch = 0 : i64, scratch_operands = 7 : i64, tpu.core_type = #tpu.core_type<sc_vector_subcore>, window_params = [{transform_indices = #map}, {transform_indices = #map1}, {transform_indices = #map}, {transform_indices = #map1}, {transform_indices = #map}]} {
    %mul3A = arith.constant 2 : i32
    %mul3A_0 = arith.muli %arg1, %mul3A : i32
    %add3A = arith.addi %mul3A_0, %arg0 : i32
    %mul3A_1 = arith.constant 32 : i32
    %mul3A_2 = arith.muli %add3A, %mul3A_1 : i32
    %jit3A = arith.constant 128 : i32
    %div3A = arith.divsi %mul3A_2, %jit3A : i32
    %sign3A = arith.constant 0 : i32
    %sign3A_3 = arith.cmpi sgt, %mul3A_2, %sign3A : i32
    %sign3A_4 = arith.extui %sign3A_3 : i1 to i32
    %sign3A_5 = arith.constant 0 : i32
    %sign3A_6 = arith.cmpi slt, %mul3A_2, %sign3A_5 : i32
    %sign3A_7 = arith.extui %sign3A_6 : i1 to i32
    %sign3A_8 = arith.subi %sign3A_4, %sign3A_7 : i32
    %sign3A_9 = arith.constant 0 : i32
    %sign3A_10 = arith.cmpi sgt, %jit3A, %sign3A_9 : i32
    %sign3A_11 = arith.extui %sign3A_10 : i1 to i32
    %sign3A_12 = arith.constant 0 : i32
    %sign3A_13 = arith.cmpi slt, %jit3A, %sign3A_12 : i32
    %sign3A_14 = arith.extui %sign3A_13 : i1 to i32
    %sign3A_15 = arith.subi %sign3A_11, %sign3A_14 : i32
    %ne3A = arith.cmpi ne, %sign3A_8, %sign3A_15 : i32
    %rem3A = arith.remsi %mul3A_2, %jit3A : i32
    %ne3A_16 = arith.constant 0 : i32
    %ne3A_17 = arith.cmpi ne, %rem3A, %ne3A_16 : i32
    %and3A = arith.andi %ne3A, %ne3A_17 : i1
    %sub3A = arith.constant 1 : i32
    %sub3A_18 = arith.subi %div3A, %sub3A : i32
    %select_n3A = arith.select %and3A, %sub3A_18, %div3A : i32
    %mul3A_19 = arith.constant 3 : i32
    %mul3A_20 = arith.muli %select_n3A, %mul3A_19 : i32
    %mul3A_21 = arith.constant 16384 : i32
    %mul3A_22 = arith.muli %mul3A_20, %mul3A_21 : i32
    "tpu.region"() ({
      %run_scoped3A = tpu.sem_alloc : memref<!tpu.dma_semaphore, #tpu.memory_space<semaphore_mem>>
      %dma_start3A = tpu.memref_slice %arg2[%mul3A_22] : memref<393216xf32, #tpu.memory_space<hbm>> -> memref<49152xf32, #tpu.memory_space<hbm>>
      %dma_start3A_86 = tpu.memref_slice %arg2[%mul3A_22] : memref<393216xf32, #tpu.memory_space<hbm>> -> memref<49152xf32, #tpu.memory_space<hbm>>
      tpu.enqueue_dma source(%dma_start3A_86 : memref<49152xf32, #tpu.memory_space<hbm>>) target(%arg7 : memref<49152xf32, #tpu.memory_space<vmem>>) target_semaphore(%run_scoped3A : memref<!tpu.dma_semaphore, #tpu.memory_space<semaphore_mem>>)
      %dma_wait3A_87 = tpu.memref_slice %arg2[%mul3A_22] : memref<393216xf32, #tpu.memory_space<hbm>> -> memref<49152xf32, #tpu.memory_space<hbm>>
      %dma_wait3A_88 = tpu.memref_slice %arg2[%mul3A_22] : memref<393216xf32, #tpu.memory_space<hbm>> -> memref<49152xf32, #tpu.memory_space<hbm>>
      tpu.wait_dma2 semaphore(%run_scoped3A : memref<!tpu.dma_semaphore, #tpu.memory_space<semaphore_mem>>) src(%dma_wait3A_88 : memref<49152xf32, #tpu.memory_space<hbm>>) dst(%arg7 : memref<49152xf32, #tpu.memory_space<vmem>>)
      tpu.yield
    }) : () -> ()
    %mul3A_23 = arith.constant 16 : i32
    %mul3A_24 = arith.muli %mul3A_2, %mul3A_23 : i32
    "tpu.region"() ({
      %run_scoped3A = tpu.sem_alloc : memref<!tpu.dma_semaphore, #tpu.memory_space<semaphore_mem>>
      %dma_start3A = tpu.memref_slice %arg4[%mul3A_24] : memref<16384xf32, #tpu.memory_space<hbm>> -> memref<512xf32, #tpu.memory_space<hbm>>
      %dma_start3A_86 = tpu.memref_slice %arg4[%mul3A_24] : memref<16384xf32, #tpu.memory_space<hbm>> -> memref<512xf32, #tpu.memory_space<hbm>>
      tpu.enqueue_dma source(%dma_start3A_86 : memref<512xf32, #tpu.memory_space<hbm>>) target(%arg8 : memref<512xf32, #tpu.memory_space<vmem>>) target_semaphore(%run_scoped3A : memref<!tpu.dma_semaphore, #tpu.memory_space<semaphore_mem>>)
      %dma_wait3A_87 = tpu.memref_slice %arg4[%mul3A_24] : memref<16384xf32, #tpu.memory_space<hbm>> -> memref<512xf32, #tpu.memory_space<hbm>>
      %dma_wait3A_88 = tpu.memref_slice %arg4[%mul3A_24] : memref<16384xf32, #tpu.memory_space<hbm>> -> memref<512xf32, #tpu.memory_space<hbm>>
      tpu.wait_dma2 semaphore(%run_scoped3A : memref<!tpu.dma_semaphore, #tpu.memory_space<semaphore_mem>>) src(%dma_wait3A_88 : memref<512xf32, #tpu.memory_space<hbm>>) dst(%arg8 : memref<512xf32, #tpu.memory_space<vmem>>)
      tpu.yield
    }) : () -> ()
    %mul3A_25 = arith.constant 16384 : i32
    %mul3A_26 = arith.muli %select_n3A, %mul3A_25 : i32
    %scan3A = arith.constant 0 : i32
    %scan3A_27 = arith.constant 0 : i32
    %scan3A_28 = arith.constant 32 : i32
    %scan3A_29 = arith.addi %scan3A_27, %scan3A_28 : i32
    %scan3A_30 = arith.constant 1 : i32
    %scan3A_31 = scf.for %scan3A_86 = %scan3A_27 to %scan3A_29 step %scan3A_30 iter_args(%scan3A_87 = %scan3A) -> (i32)  : i32 {
      %mul3A_88 = arith.constant 16 : i32
      %mul3A_89 = arith.muli %scan3A_86, %mul3A_88 : i32
      %get3A = arith.index_cast %mul3A_89 : i32 to index
      %get3A_90 = tpu.vector_load %arg8[%get3A] {strides = array<i32>} : memref<512xf32, #tpu.memory_space<vmem>>, vector<16xf32>,
      %slice3A = vector.extract_strided_slice %get3A_90 {offsets = [0], sizes = [1], strides = [1]} : vector<16xf32> to vector<1xf32>
      %squeeze3A = vector.extract %slice3A[0] : f32 from vector<1xf32>
      %broadcast_in_dim3A = vector.broadcast %squeeze3A : f32 to vector<16xf32>
      %slice3A_91 = vector.extract_strided_slice %get3A_90 {offsets = [1], sizes = [1], strides = [1]} : vector<16xf32> to vector<1xf32>
      %squeeze3A_92 = vector.extract %slice3A_91[0] : f32 from vector<1xf32>
      %broadcast_in_dim3A_93 = vector.broadcast %squeeze3A_92 : f32 to vector<16xf32>
      %slice3A_94 = vector.extract_strided_slice %get3A_90 {offsets = [2], sizes = [1], strides = [1]} : vector<16xf32> to vector<1xf32>
      %squeeze3A_95 = vector.extract %slice3A_94[0] : f32 from vector<1xf32>
      %broadcast_in_dim3A_96 = vector.broadcast %squeeze3A_95 : f32 to vector<16xf32>
      %slice3A_97 = vector.extract_strided_slice %get3A_90 {offsets = [3], sizes = [1], strides = [1]} : vector<16xf32> to vector<1xf32>
      %squeeze3A_98 = vector.extract %slice3A_97[0] : f32 from vector<1xf32>
      %broadcast_in_dim3A_99 = vector.broadcast %squeeze3A_98 : f32 to vector<16xf32>
      %slice3A_100 = vector.extract_strided_slice %get3A_90 {offsets = [4], sizes = [1], strides = [1]} : vector<16xf32> to vector<1xf32>
      %squeeze3A_101 = vector.extract %slice3A_100[0] : f32 from vector<1xf32>
      %broadcast_in_dim3A_102 = vector.broadcast %squeeze3A_101 : f32 to vector<16xf32>
      %slice3A_103 = vector.extract_strided_slice %get3A_90 {offsets = [5], sizes = [1], strides = [1]} : vector<16xf32> to vector<1xf32>
      %squeeze3A_104 = vector.extract %slice3A_103[0] : f32 from vector<1xf32>
      %broadcast_in_dim3A_105 = vector.broadcast %squeeze3A_104 : f32 to vector<16xf32>
      %slice3A_106 = vector.extract_strided_slice %get3A_90 {offsets = [6], sizes = [1], strides = [1]} : vector<16xf32> to vector<1xf32>
      %squeeze3A_107 = vector.extract %slice3A_106[0] : f32 from vector<1xf32>
      %broadcast_in_dim3A_108 = vector.broadcast %squeeze3A_107 : f32 to vector<16xf32>
      %slice3A_109 = vector.extract_strided_slice %get3A_90 {offsets = [7], sizes = [1], strides = [1]} : vector<16xf32> to vector<1xf32>
      %squeeze3A_110 = vector.extract %slice3A_109[0] : f32 from vector<1xf32>
      %broadcast_in_dim3A_111 = vector.broadcast %squeeze3A_110 : f32 to vector<16xf32>
      %sub3A_112 = arith.constant 131072 : i32
      %sub3A_113 = arith.subi %sub3A_112, %mul3A_26 : i32
      %broadcast_in_dim3A_114 = vector.broadcast %sub3A_113 : i32 to vector<16xi32>
      %swap3A = arith.constant 0 : index
      %swap3A_115 = tpu.vector_load %arg9[%swap3A] {strides = array<i32>} : memref<544xi32, #tpu.memory_space<vmem>>, vector<16xi32>,
      tpu.vector_store %arg9[%swap3A], %broadcast_in_dim3A_114 {strides = array<i32>} : memref<544xi32, #tpu.memory_space<vmem>>, vector<16xi32>,
      %scan3A_116 = arith.constant 0 : i32
      %scan3A_117 = arith.constant 0 : i32
      %scan3A_118 = arith.constant 32 : i32
      %scan3A_119 = arith.addi %scan3A_117, %scan3A_118 : i32
      %scan3A_120 = arith.constant 1 : i32
      %scan3A_121 = scf.for %scan3A_579 = %scan3A_117 to %scan3A_119 step %scan3A_120 iter_args(%scan3A_580 = %scan3A_116) -> (i32)  : i32 {
        %mul3A_581 = arith.constant 512 : i32
        %mul3A_582 = arith.muli %scan3A_579, %mul3A_581 : i32
        %add3A_583 = arith.constant 0 : i32
        %add3A_584 = arith.addi %mul3A_582, %add3A_583 : i32
        %get3A_585 = arith.index_cast %add3A_584 : i32 to index
        %get3A_586 = tpu.vector_load %arg7[%get3A_585] {strides = array<i32>} : memref<49152xf32, #tpu.memory_space<vmem>>, vector<16xf32>,
        %add3A_587 = arith.constant 16384 : i32
        %add3A_588 = arith.addi %add3A_587, %add3A_584 : i32
        %get3A_589 = arith.index_cast %add3A_588 : i32 to index
        %get3A_590 = tpu.vector_load %arg7[%get3A_589] {strides = array<i32>} : memref<49152xf32, #tpu.memory_space<vmem>>, vector<16xf32>,
        %add3A_591 = arith.constant 32768 : i32
        %add3A_592 = arith.addi %add3A_591, %add3A_584 : i32
        %get3A_593 = arith.index_cast %add3A_592 : i32 to index
        %get3A_594 = tpu.vector_load %arg7[%get3A_593] {strides = array<i32>} : memref<49152xf32, #tpu.memory_space<vmem>>, vector<16xf32>,
        %sub3A_595 = arith.subf %get3A_586, %broadcast_in_dim3A : vector<16xf32>
        %sub3A_596 = arith.subf %get3A_590, %broadcast_in_dim3A_93 : vector<16xf32>
        %mul3A_597 = arith.mulf %sub3A_595, %broadcast_in_dim3A_108 : vector<16xf32>
        %mul3A_598 = arith.mulf %sub3A_596, %broadcast_in_dim3A_111 : vector<16xf32>
        %sub3A_599 = arith.subf %mul3A_597, %mul3A_598 : vector<16xf32>
        %mul3A_600 = arith.mulf %sub3A_595, %broadcast_in_dim3A_111 : vector<16xf32>
        %mul3A_601 = arith.mulf %sub3A_596, %broadcast_in_dim3A_108 : vector<16xf32>
        %add3A_602 = arith.addf %mul3A_600, %mul3A_601 : vector<16xf32>
        %sub3A_603 = arith.subf %get3A_594, %broadcast_in_dim3A_96 : vector<16xf32>
        %abs3A = math.absf %sub3A_603 : vector<16xf32>
        %le3A = arith.cmpf ole, %abs3A, %broadcast_in_dim3A_105 : vector<16xf32>
        %abs3A_604 = math.absf %sub3A_599 : vector<16xf32>
        %lt3A_605 = arith.cmpf olt, %abs3A_604, %broadcast_in_dim3A_99 : vector<16xf32>
        %and3A_606 = arith.andi %le3A, %lt3A_605 : vector<16xi1>
        %abs3A_607 = math.absf %add3A_602 : vector<16xf32>
        %lt3A_608 = arith.cmpf olt, %abs3A_607, %broadcast_in_dim3A_102 : vector<16xf32>
        %and3A_609 = arith.andi %and3A_606, %lt3A_608 : vector<16xi1>
        %add3A_610 = arith.constant 16 : i32
        %add3A_611 = arith.addi %mul3A_582, %add3A_610 : i32
        %get3A_612 = arith.index_cast %add3A_611 : i32 to index
        %get3A_613 = tpu.vector_load %arg7[%get3A_612] {strides = array<i32>} : memref<49152xf32, #tpu.memory_space<vmem>>, vector<16xf32>,
        %add3A_614 = arith.constant 16384 : i32
        %add3A_615 = arith.addi %add3A_614, %add3A_611 : i32
        %get3A_616 = arith.index_cast %add3A_615 : i32 to index
        %get3A_617 = tpu.vector_load %arg7[%get3A_616] {strides = array<i32>} : memref<49152xf32, #tpu.memory_space<vmem>>, vector<16xf32>,
        %add3A_618 = arith.constant 32768 : i32
        %add3A_619 = arith.addi %add3A_618, %add3A_611 : i32
        %get3A_620 = arith.index_cast %add3A_619 : i32 to index
        %get3A_621 = tpu.vector_load %arg7[%get3A_620] {strides = array<i32>} : memref<49152xf32, #tpu.memory_space<vmem>>, vector<16xf32>,
        %sub3A_622 = arith.subf %get3A_613, %broadcast_in_dim3A : vector<16xf32>
        %sub3A_623 = arith.subf %get3A_617, %broadcast_in_dim3A_93 : vector<16xf32>
        %mul3A_624 = arith.mulf %sub3A_622, %broadcast_in_dim3A_108 : vector<16xf32>
        %mul3A_625 = arith.mulf %sub3A_623, %broadcast_in_dim3A_111 : vector<16xf32>
        %sub3A_626 = arith.subf %mul3A_624, %mul3A_625 : vector<16xf32>
        %mul3A_627 = arith.mulf %sub3A_622, %broadcast_in_dim3A_111 : vector<16xf32>
        %mul3A_628 = arith.mulf %sub3A_623, %broadcast_in_dim3A_108 : vector<16xf32>
        %add3A_629 = arith.addf %mul3A_627, %mul3A_628 : vector<16xf32>
        %sub3A_630 = arith.subf %get3A_621, %broadcast_in_dim3A_96 : vector<16xf32>
        %abs3A_631 = math.absf %sub3A_630 : vector<16xf32>
        %le3A_632 = arith.cmpf ole, %abs3A_631, %broadcast_in_dim3A_105 : vector<16xf32>
        %abs3A_633 = math.absf %sub3A_626 : vector<16xf32>
        %lt3A_634 = arith.cmpf olt, %abs3A_633, %broadcast_in_dim3A_99 : vector<16xf32>
        %and3A_635 = arith.andi %le3A_632, %lt3A_634 : vector<16xi1>
        %abs3A_636 = math.absf %add3A_629 : vector<16xf32>
        %lt3A_637 = arith.cmpf olt, %abs3A_636, %broadcast_in_dim3A_102 : vector<16xf32>
        %and3A_638 = arith.andi %and3A_635, %lt3A_637 : vector<16xi1>
        %add3A_639 = arith.constant 32 : i32
        %add3A_640 = arith.addi %mul3A_582, %add3A_639 : i32
        %get3A_641 = arith.index_cast %add3A_640 : i32 to index
        %get3A_642 = tpu.vector_load %arg7[%get3A_641] {strides = array<i32>} : memref<49152xf32, #tpu.memory_space<vmem>>, vector<16xf32>,
        %add3A_643 = arith.constant 16384 : i32
        %add3A_644 = arith.addi %add3A_643, %add3A_640 : i32
        %get3A_645 = arith.index_cast %add3A_644 : i32 to index
        %get3A_646 = tpu.vector_load %arg7[%get3A_645] {strides = array<i32>} : memref<49152xf32, #tpu.memory_space<vmem>>, vector<16xf32>,
        %add3A_647 = arith.constant 32768 : i32
        %add3A_648 = arith.addi %add3A_647, %add3A_640 : i32
        %get3A_649 = arith.index_cast %add3A_648 : i32 to index
        %get3A_650 = tpu.vector_load %arg7[%get3A_649] {strides = array<i32>} : memref<49152xf32, #tpu.memory_space<vmem>>, vector<16xf32>,
        %sub3A_651 = arith.subf %get3A_642, %broadcast_in_dim3A : vector<16xf32>
        %sub3A_652 = arith.subf %get3A_646, %broadcast_in_dim3A_93 : vector<16xf32>
        %mul3A_653 = arith.mulf %sub3A_651, %broadcast_in_dim3A_108 : vector<16xf32>
        %mul3A_654 = arith.mulf %sub3A_652, %broadcast_in_dim3A_111 : vector<16xf32>
        %sub3A_655 = arith.subf %mul3A_653, %mul3A_654 : vector<16xf32>
        %mul3A_656 = arith.mulf %sub3A_651, %broadcast_in_dim3A_111 : vector<16xf32>
        %mul3A_657 = arith.mulf %sub3A_652, %broadcast_in_dim3A_108 : vector<16xf32>
        %add3A_658 = arith.addf %mul3A_656, %mul3A_657 : vector<16xf32>
        %sub3A_659 = arith.subf %get3A_650, %broadcast_in_dim3A_96 : vector<16xf32>
        %abs3A_660 = math.absf %sub3A_659 : vector<16xf32>
        %le3A_661 = arith.cmpf ole, %abs3A_660, %broadcast_in_dim3A_105 : vector<16xf32>
        %abs3A_662 = math.absf %sub3A_655 : vector<16xf32>
        %lt3A_663 = arith.cmpf olt, %abs3A_662, %broadcast_in_dim3A_99 : vector<16xf32>
        %and3A_664 = arith.andi %le3A_661, %lt3A_663 : vector<16xi1>
        %abs3A_665 = math.absf %add3A_658 : vector<16xf32>
        %lt3A_666 = arith.cmpf olt, %abs3A_665, %broadcast_in_dim3A_102 : vector<16xf32>
        %and3A_667 = arith.andi %and3A_664, %lt3A_666 : vector<16xi1>
        %add3A_668 = arith.constant 48 : i32
        %add3A_669 = arith.addi %mul3A_582, %add3A_668 : i32
        %get3A_670 = arith.index_cast %add3A_669 : i32 to index
        %get3A_671 = tpu.vector_load %arg7[%get3A_670] {strides = array<i32>} : memref<49152xf32, #tpu.memory_space<vmem>>, vector<16xf32>,
        %add3A_672 = arith.constant 16384 : i32
        %add3A_673 = arith.addi %add3A_672, %add3A_669 : i32
        %get3A_674 = arith.index_cast %add3A_673 : i32 to index
        %get3A_675 = tpu.vector_load %arg7[%get3A_674] {strides = array<i32>} : memref<49152xf32, #tpu.memory_space<vmem>>, vector<16xf32>,
        %add3A_676 = arith.constant 32768 : i32
        %add3A_677 = arith.addi %add3A_676, %add3A_669 : i32
        %get3A_678 = arith.index_cast %add3A_677 : i32 to index
        %get3A_679 = tpu.vector_load %arg7[%get3A_678] {strides = array<i32>} : memref<49152xf32, #tpu.memory_space<vmem>>, vector<16xf32>,
        %sub3A_680 = arith.subf %get3A_671, %broadcast_in_dim3A : vector<16xf32>
        %sub3A_681 = arith.subf %get3A_675, %broadcast_in_dim3A_93 : vector<16xf32>
        %mul3A_682 = arith.mulf %sub3A_680, %broadcast_in_dim3A_108 : vector<16xf32>
        %mul3A_683 = arith.mulf %sub3A_681, %broadcast_in_dim3A_111 : vector<16xf32>
        %sub3A_684 = arith.subf %mul3A_682, %mul3A_683 : vector<16xf32>
        %mul3A_685 = arith.mulf %sub3A_680, %broadcast_in_dim3A_111 : vector<16xf32>
        %mul3A_686 = arith.mulf %sub3A_681, %broadcast_in_dim3A_108 : vector<16xf32>
        %add3A_687 = arith.addf %mul3A_685, %mul3A_686 : vector<16xf32>
        %sub3A_688 = arith.subf %get3A_679, %broadcast_in_dim3A_96 : vector<16xf32>
        %abs3A_689 = math.absf %sub3A_688 : vector<16xf32>
        %le3A_690 = arith.cmpf ole, %abs3A_689, %broadcast_in_dim3A_105 : vector<16xf32>
        %abs3A_691 = math.absf %sub3A_684 : vector<16xf32>
        %lt3A_692 = arith.cmpf olt, %abs3A_691, %broadcast_in_dim3A_99 : vector<16xf32>
        %and3A_693 = arith.andi %le3A_690, %lt3A_692 : vector<16xi1>
        %abs3A_694 = math.absf %add3A_687 : vector<16xf32>
        %lt3A_695 = arith.cmpf olt, %abs3A_694, %broadcast_in_dim3A_102 : vector<16xf32>
        %and3A_696 = arith.andi %and3A_693, %lt3A_695 : vector<16xi1>
        %add3A_697 = arith.constant 64 : i32
        %add3A_698 = arith.addi %mul3A_582, %add3A_697 : i32
        %get3A_699 = arith.index_cast %add3A_698 : i32 to index
        %get3A_700 = tpu.vector_load %arg7[%get3A_699] {strides = array<i32>} : memref<49152xf32, #tpu.memory_space<vmem>>, vector<16xf32>,
        %add3A_701 = arith.constant 16384 : i32
        %add3A_702 = arith.addi %add3A_701, %add3A_698 : i32
        %get3A_703 = arith.index_cast %add3A_702 : i32 to index
        %get3A_704 = tpu.vector_load %arg7[%get3A_703] {strides = array<i32>} : memref<49152xf32, #tpu.memory_space<vmem>>, vector<16xf32>,
        %add3A_705 = arith.constant 32768 : i32
        %add3A_706 = arith.addi %add3A_705, %add3A_698 : i32
        %get3A_707 = arith.index_cast %add3A_706 : i32 to index
        %get3A_708 = tpu.vector_load %arg7[%get3A_707] {strides = array<i32>} : memref<49152xf32, #tpu.memory_space<vmem>>, vector<16xf32>,
        %sub3A_709 = arith.subf %get3A_700, %broadcast_in_dim3A : vector<16xf32>
        %sub3A_710 = arith.subf %get3A_704, %broadcast_in_dim3A_93 : vector<16xf32>
        %mul3A_711 = arith.mulf %sub3A_709, %broadcast_in_dim3A_108 : vector<16xf32>
        %mul3A_712 = arith.mulf %sub3A_710, %broadcast_in_dim3A_111 : vector<16xf32>
        %sub3A_713 = arith.subf %mul3A_711, %mul3A_712 : vector<16xf32>
        %mul3A_714 = arith.mulf %sub3A_709, %broadcast_in_dim3A_111 : vector<16xf32>
        %mul3A_715 = arith.mulf %sub3A_710, %broadcast_in_dim3A_108 : vector<16xf32>
        %add3A_716 = arith.addf %mul3A_714, %mul3A_715 : vector<16xf32>
        %sub3A_717 = arith.subf %get3A_708, %broadcast_in_dim3A_96 : vector<16xf32>
        %abs3A_718 = math.absf %sub3A_717 : vector<16xf32>
        %le3A_719 = arith.cmpf ole, %abs3A_718, %broadcast_in_dim3A_105 : vector<16xf32>
        %abs3A_720 = math.absf %sub3A_713 : vector<16xf32>
        %lt3A_721 = arith.cmpf olt, %abs3A_720, %broadcast_in_dim3A_99 : vector<16xf32>
        %and3A_722 = arith.andi %le3A_719, %lt3A_721 : vector<16xi1>
        %abs3A_723 = math.absf %add3A_716 : vector<16xf32>
        %lt3A_724 = arith.cmpf olt, %abs3A_723, %broadcast_in_dim3A_102 : vector<16xf32>
        %and3A_725 = arith.andi %and3A_722, %lt3A_724 : vector<16xi1>
        %add3A_726 = arith.constant 80 : i32
        %add3A_727 = arith.addi %mul3A_582, %add3A_726 : i32
        %get3A_728 = arith.index_cast %add3A_727 : i32 to index
        %get3A_729 = tpu.vector_load %arg7[%get3A_728] {strides = array<i32>} : memref<49152xf32, #tpu.memory_space<vmem>>, vector<16xf32>,
        %add3A_730 = arith.constant 16384 : i32
        %add3A_731 = arith.addi %add3A_730, %add3A_727 : i32
        %get3A_732 = arith.index_cast %add3A_731 : i32 to index
        %get3A_733 = tpu.vector_load %arg7[%get3A_732] {strides = array<i32>} : memref<49152xf32, #tpu.memory_space<vmem>>, vector<16xf32>,
        %add3A_734 = arith.constant 32768 : i32
        %add3A_735 = arith.addi %add3A_734, %add3A_727 : i32
        %get3A_736 = arith.index_cast %add3A_735 : i32 to index
        %get3A_737 = tpu.vector_load %arg7[%get3A_736] {strides = array<i32>} : memref<49152xf32, #tpu.memory_space<vmem>>, vector<16xf32>,
        %sub3A_738 = arith.subf %get3A_729, %broadcast_in_dim3A : vector<16xf32>
        %sub3A_739 = arith.subf %get3A_733, %broadcast_in_dim3A_93 : vector<16xf32>
        %mul3A_740 = arith.mulf %sub3A_738, %broadcast_in_dim3A_108 : vector<16xf32>
        %mul3A_741 = arith.mulf %sub3A_739, %broadcast_in_dim3A_111 : vector<16xf32>
        %sub3A_742 = arith.subf %mul3A_740, %mul3A_741 : vector<16xf32>
        %mul3A_743 = arith.mulf %sub3A_738, %broadcast_in_dim3A_111 : vector<16xf32>
        %mul3A_744 = arith.mulf %sub3A_739, %broadcast_in_dim3A_108 : vector<16xf32>
        %add3A_745 = arith.addf %mul3A_743, %mul3A_744 : vector<16xf32>
        %sub3A_746 = arith.subf %get3A_737, %broadcast_in_dim3A_96 : vector<16xf32>
        %abs3A_747 = math.absf %sub3A_746 : vector<16xf32>
        %le3A_748 = arith.cmpf ole, %abs3A_747, %broadcast_in_dim3A_105 : vector<16xf32>
        %abs3A_749 = math.absf %sub3A_742 : vector<16xf32>
        %lt3A_750 = arith.cmpf olt, %abs3A_749, %broadcast_in_dim3A_99 : vector<16xf32>
        %and3A_751 = arith.andi %le3A_748, %lt3A_750 : vector<16xi1>
        %abs3A_752 = math.absf %add3A_745 : vector<16xf32>
        %lt3A_753 = arith.cmpf olt, %abs3A_752, %broadcast_in_dim3A_102 : vector<16xf32>
        %and3A_754 = arith.andi %and3A_751, %lt3A_753 : vector<16xi1>
        %add3A_755 = arith.constant 96 : i32
        %add3A_756 = arith.addi %mul3A_582, %add3A_755 : i32
        %get3A_757 = arith.index_cast %add3A_756 : i32 to index
        %get3A_758 = tpu.vector_load %arg7[%get3A_757] {strides = array<i32>} : memref<49152xf32, #tpu.memory_space<vmem>>, vector<16xf32>,
        %add3A_759 = arith.constant 16384 : i32
        %add3A_760 = arith.addi %add3A_759, %add3A_756 : i32
        %get3A_761 = arith.index_cast %add3A_760 : i32 to index
        %get3A_762 = tpu.vector_load %arg7[%get3A_761] {strides = array<i32>} : memref<49152xf32, #tpu.memory_space<vmem>>, vector<16xf32>,
        %add3A_763 = arith.constant 32768 : i32
        %add3A_764 = arith.addi %add3A_763, %add3A_756 : i32
        %get3A_765 = arith.index_cast %add3A_764 : i32 to index
        %get3A_766 = tpu.vector_load %arg7[%get3A_765] {strides = array<i32>} : memref<49152xf32, #tpu.memory_space<vmem>>, vector<16xf32>,
        %sub3A_767 = arith.subf %get3A_758, %broadcast_in_dim3A : vector<16xf32>
        %sub3A_768 = arith.subf %get3A_762, %broadcast_in_dim3A_93 : vector<16xf32>
        %mul3A_769 = arith.mulf %sub3A_767, %broadcast_in_dim3A_108 : vector<16xf32>
        %mul3A_770 = arith.mulf %sub3A_768, %broadcast_in_dim3A_111 : vector<16xf32>
        %sub3A_771 = arith.subf %mul3A_769, %mul3A_770 : vector<16xf32>
        %mul3A_772 = arith.mulf %sub3A_767, %broadcast_in_dim3A_111 : vector<16xf32>
        %mul3A_773 = arith.mulf %sub3A_768, %broadcast_in_dim3A_108 : vector<16xf32>
        %add3A_774 = arith.addf %mul3A_772, %mul3A_773 : vector<16xf32>
        %sub3A_775 = arith.subf %get3A_766, %broadcast_in_dim3A_96 : vector<16xf32>
        %abs3A_776 = math.absf %sub3A_775 : vector<16xf32>
        %le3A_777 = arith.cmpf ole, %abs3A_776, %broadcast_in_dim3A_105 : vector<16xf32>
        %abs3A_778 = math.absf %sub3A_771 : vector<16xf32>
        %lt3A_779 = arith.cmpf olt, %abs3A_778, %broadcast_in_dim3A_99 : vector<16xf32>
        %and3A_780 = arith.andi %le3A_777, %lt3A_779 : vector<16xi1>
        %abs3A_781 = math.absf %add3A_774 : vector<16xf32>
        %lt3A_782 = arith.cmpf olt, %abs3A_781, %broadcast_in_dim3A_102 : vector<16xf32>
        %and3A_783 = arith.andi %and3A_780, %lt3A_782 : vector<16xi1>
        %add3A_784 = arith.constant 112 : i32
        %add3A_785 = arith.addi %mul3A_582, %add3A_784 : i32
        %get3A_786 = arith.index_cast %add3A_785 : i32 to index
        %get3A_787 = tpu.vector_load %arg7[%get3A_786] {strides = array<i32>} : memref<49152xf32, #tpu.memory_space<vmem>>, vector<16xf32>,
        %add3A_788 = arith.constant 16384 : i32
        %add3A_789 = arith.addi %add3A_788, %add3A_785 : i32
        %get3A_790 = arith.index_cast %add3A_789 : i32 to index
        %get3A_791 = tpu.vector_load %arg7[%get3A_790] {strides = array<i32>} : memref<49152xf32, #tpu.memory_space<vmem>>, vector<16xf32>,
        %add3A_792 = arith.constant 32768 : i32
        %add3A_793 = arith.addi %add3A_792, %add3A_785 : i32
        %get3A_794 = arith.index_cast %add3A_793 : i32 to index
        %get3A_795 = tpu.vector_load %arg7[%get3A_794] {strides = array<i32>} : memref<49152xf32, #tpu.memory_space<vmem>>, vector<16xf32>,
        %sub3A_796 = arith.subf %get3A_787, %broadcast_in_dim3A : vector<16xf32>
        %sub3A_797 = arith.subf %get3A_791, %broadcast_in_dim3A_93 : vector<16xf32>
        %mul3A_798 = arith.mulf %sub3A_796, %broadcast_in_dim3A_108 : vector<16xf32>
        %mul3A_799 = arith.mulf %sub3A_797, %broadcast_in_dim3A_111 : vector<16xf32>
        %sub3A_800 = arith.subf %mul3A_798, %mul3A_799 : vector<16xf32>
        %mul3A_801 = arith.mulf %sub3A_796, %broadcast_in_dim3A_111 : vector<16xf32>
        %mul3A_802 = arith.mulf %sub3A_797, %broadcast_in_dim3A_108 : vector<16xf32>
        %add3A_803 = arith.addf %mul3A_801, %mul3A_802 : vector<16xf32>
        %sub3A_804 = arith.subf %get3A_795, %broadcast_in_dim3A_96 : vector<16xf32>
        %abs3A_805 = math.absf %sub3A_804 : vector<16xf32>
        %le3A_806 = arith.cmpf ole, %abs3A_805, %broadcast_in_dim3A_105 : vector<16xf32>
        %abs3A_807 = math.absf %sub3A_800 : vector<16xf32>
        %lt3A_808 = arith.cmpf olt, %abs3A_807, %broadcast_in_dim3A_99 : vector<16xf32>
        %and3A_809 = arith.andi %le3A_806, %lt3A_808 : vector<16xi1>
        %abs3A_810 = math.absf %add3A_803 : vector<16xf32>
        %lt3A_811 = arith.cmpf olt, %abs3A_810, %broadcast_in_dim3A_102 : vector<16xf32>
        %and3A_812 = arith.andi %and3A_809, %lt3A_811 : vector<16xi1>
        %add3A_813 = arith.constant 128 : i32
        %add3A_814 = arith.addi %mul3A_582, %add3A_813 : i32
        %get3A_815 = arith.index_cast %add3A_814 : i32 to index
        %get3A_816 = tpu.vector_load %arg7[%get3A_815] {strides = array<i32>} : memref<49152xf32, #tpu.memory_space<vmem>>, vector<16xf32>,
        %add3A_817 = arith.constant 16384 : i32
        %add3A_818 = arith.addi %add3A_817, %add3A_814 : i32
        %get3A_819 = arith.index_cast %add3A_818 : i32 to index
        %get3A_820 = tpu.vector_load %arg7[%get3A_819] {strides = array<i32>} : memref<49152xf32, #tpu.memory_space<vmem>>, vector<16xf32>,
        %add3A_821 = arith.constant 32768 : i32
        %add3A_822 = arith.addi %add3A_821, %add3A_814 : i32
        %get3A_823 = arith.index_cast %add3A_822 : i32 to index
        %get3A_824 = tpu.vector_load %arg7[%get3A_823] {strides = array<i32>} : memref<49152xf32, #tpu.memory_space<vmem>>, vector<16xf32>,
        %sub3A_825 = arith.subf %get3A_816, %broadcast_in_dim3A : vector<16xf32>
        %sub3A_826 = arith.subf %get3A_820, %broadcast_in_dim3A_93 : vector<16xf32>
        %mul3A_827 = arith.mulf %sub3A_825, %broadcast_in_dim3A_108 : vector<16xf32>
        %mul3A_828 = arith.mulf %sub3A_826, %broadcast_in_dim3A_111 : vector<16xf32>
        %sub3A_829 = arith.subf %mul3A_827, %mul3A_828 : vector<16xf32>
        %mul3A_830 = arith.mulf %sub3A_825, %broadcast_in_dim3A_111 : vector<16xf32>
        %mul3A_831 = arith.mulf %sub3A_826, %broadcast_in_dim3A_108 : vector<16xf32>
        %add3A_832 = arith.addf %mul3A_830, %mul3A_831 : vector<16xf32>
        %sub3A_833 = arith.subf %get3A_824, %broadcast_in_dim3A_96 : vector<16xf32>
        %abs3A_834 = math.absf %sub3A_833 : vector<16xf32>
        %le3A_835 = arith.cmpf ole, %abs3A_834, %broadcast_in_dim3A_105 : vector<16xf32>
        %abs3A_836 = math.absf %sub3A_829 : vector<16xf32>
        %lt3A_837 = arith.cmpf olt, %abs3A_836, %broadcast_in_dim3A_99 : vector<16xf32>
        %and3A_838 = arith.andi %le3A_835, %lt3A_837 : vector<16xi1>
        %abs3A_839 = math.absf %add3A_832 : vector<16xf32>
        %lt3A_840 = arith.cmpf olt, %abs3A_839, %broadcast_in_dim3A_102 : vector<16xf32>
        %and3A_841 = arith.andi %and3A_838, %lt3A_840 : vector<16xi1>
        %add3A_842 = arith.constant 144 : i32
        %add3A_843 = arith.addi %mul3A_582, %add3A_842 : i32
        %get3A_844 = arith.index_cast %add3A_843 : i32 to index
        %get3A_845 = tpu.vector_load %arg7[%get3A_844] {strides = array<i32>} : memref<49152xf32, #tpu.memory_space<vmem>>, vector<16xf32>,
        %add3A_846 = arith.constant 16384 : i32
        %add3A_847 = arith.addi %add3A_846, %add3A_843 : i32
        %get3A_848 = arith.index_cast %add3A_847 : i32 to index
        %get3A_849 = tpu.vector_load %arg7[%get3A_848] {strides = array<i32>} : memref<49152xf32, #tpu.memory_space<vmem>>, vector<16xf32>,
        %add3A_850 = arith.constant 32768 : i32
        %add3A_851 = arith.addi %add3A_850, %add3A_843 : i32
        %get3A_852 = arith.index_cast %add3A_851 : i32 to index
        %get3A_853 = tpu.vector_load %arg7[%get3A_852] {strides = array<i32>} : memref<49152xf32, #tpu.memory_space<vmem>>, vector<16xf32>,
        %sub3A_854 = arith.subf %get3A_845, %broadcast_in_dim3A : vector<16xf32>
        %sub3A_855 = arith.subf %get3A_849, %broadcast_in_dim3A_93 : vector<16xf32>
        %mul3A_856 = arith.mulf %sub3A_854, %broadcast_in_dim3A_108 : vector<16xf32>
        %mul3A_857 = arith.mulf %sub3A_855, %broadcast_in_dim3A_111 : vector<16xf32>
        %sub3A_858 = arith.subf %mul3A_856, %mul3A_857 : vector<16xf32>
        %mul3A_859 = arith.mulf %sub3A_854, %broadcast_in_dim3A_111 : vector<16xf32>
        %mul3A_860 = arith.mulf %sub3A_855, %broadcast_in_dim3A_108 : vector<16xf32>
        %add3A_861 = arith.addf %mul3A_859, %mul3A_860 : vector<16xf32>
        %sub3A_862 = arith.subf %get3A_853, %broadcast_in_dim3A_96 : vector<16xf32>
        %abs3A_863 = math.absf %sub3A_862 : vector<16xf32>
        %le3A_864 = arith.cmpf ole, %abs3A_863, %broadcast_in_dim3A_105 : vector<16xf32>
        %abs3A_865 = math.absf %sub3A_858 : vector<16xf32>
        %lt3A_866 = arith.cmpf olt, %abs3A_865, %broadcast_in_dim3A_99 : vector<16xf32>
        %and3A_867 = arith.andi %le3A_864, %lt3A_866 : vector<16xi1>
        %abs3A_868 = math.absf %add3A_861 : vector<16xf32>
        %lt3A_869 = arith.cmpf olt, %abs3A_868, %broadcast_in_dim3A_102 : vector<16xf32>
        %and3A_870 = arith.andi %and3A_867, %lt3A_869 : vector<16xi1>
        %add3A_871 = arith.constant 160 : i32
        %add3A_872 = arith.addi %mul3A_582, %add3A_871 : i32
        %get3A_873 = arith.index_cast %add3A_872 : i32 to index
        %get3A_874 = tpu.vector_load %arg7[%get3A_873] {strides = array<i32>} : memref<49152xf32, #tpu.memory_space<vmem>>, vector<16xf32>,
        %add3A_875 = arith.constant 16384 : i32
        %add3A_876 = arith.addi %add3A_875, %add3A_872 : i32
        %get3A_877 = arith.index_cast %add3A_876 : i32 to index
        %get3A_878 = tpu.vector_load %arg7[%get3A_877] {strides = array<i32>} : memref<49152xf32, #tpu.memory_space<vmem>>, vector<16xf32>,
        %add3A_879 = arith.constant 32768 : i32
        %add3A_880 = arith.addi %add3A_879, %add3A_872 : i32
        %get3A_881 = arith.index_cast %add3A_880 : i32 to index
        %get3A_882 = tpu.vector_load %arg7[%get3A_881] {strides = array<i32>} : memref<49152xf32, #tpu.memory_space<vmem>>, vector<16xf32>,
        %sub3A_883 = arith.subf %get3A_874, %broadcast_in_dim3A : vector<16xf32>
        %sub3A_884 = arith.subf %get3A_878, %broadcast_in_dim3A_93 : vector<16xf32>
        %mul3A_885 = arith.mulf %sub3A_883, %broadcast_in_dim3A_108 : vector<16xf32>
        %mul3A_886 = arith.mulf %sub3A_884, %broadcast_in_dim3A_111 : vector<16xf32>
        %sub3A_887 = arith.subf %mul3A_885, %mul3A_886 : vector<16xf32>
        %mul3A_888 = arith.mulf %sub3A_883, %broadcast_in_dim3A_111 : vector<16xf32>
        %mul3A_889 = arith.mulf %sub3A_884, %broadcast_in_dim3A_108 : vector<16xf32>
        %add3A_890 = arith.addf %mul3A_888, %mul3A_889 : vector<16xf32>
        %sub3A_891 = arith.subf %get3A_882, %broadcast_in_dim3A_96 : vector<16xf32>
        %abs3A_892 = math.absf %sub3A_891 : vector<16xf32>
        %le3A_893 = arith.cmpf ole, %abs3A_892, %broadcast_in_dim3A_105 : vector<16xf32>
        %abs3A_894 = math.absf %sub3A_887 : vector<16xf32>
        %lt3A_895 = arith.cmpf olt, %abs3A_894, %broadcast_in_dim3A_99 : vector<16xf32>
        %and3A_896 = arith.andi %le3A_893, %lt3A_895 : vector<16xi1>
        %abs3A_897 = math.absf %add3A_890 : vector<16xf32>
        %lt3A_898 = arith.cmpf olt, %abs3A_897, %broadcast_in_dim3A_102 : vector<16xf32>
        %and3A_899 = arith.andi %and3A_896, %lt3A_898 : vector<16xi1>
        %add3A_900 = arith.constant 176 : i32
        %add3A_901 = arith.addi %mul3A_582, %add3A_900 : i32
        %get3A_902 = arith.index_cast %add3A_901 : i32 to index
        %get3A_903 = tpu.vector_load %arg7[%get3A_902] {strides = array<i32>} : memref<49152xf32, #tpu.memory_space<vmem>>, vector<16xf32>,
        %add3A_904 = arith.constant 16384 : i32
        %add3A_905 = arith.addi %add3A_904, %add3A_901 : i32
        %get3A_906 = arith.index_cast %add3A_905 : i32 to index
        %get3A_907 = tpu.vector_load %arg7[%get3A_906] {strides = array<i32>} : memref<49152xf32, #tpu.memory_space<vmem>>, vector<16xf32>,
        %add3A_908 = arith.constant 32768 : i32
        %add3A_909 = arith.addi %add3A_908, %add3A_901 : i32
        %get3A_910 = arith.index_cast %add3A_909 : i32 to index
        %get3A_911 = tpu.vector_load %arg7[%get3A_910] {strides = array<i32>} : memref<49152xf32, #tpu.memory_space<vmem>>, vector<16xf32>,
        %sub3A_912 = arith.subf %get3A_903, %broadcast_in_dim3A : vector<16xf32>
        %sub3A_913 = arith.subf %get3A_907, %broadcast_in_dim3A_93 : vector<16xf32>
        %mul3A_914 = arith.mulf %sub3A_912, %broadcast_in_dim3A_108 : vector<16xf32>
        %mul3A_915 = arith.mulf %sub3A_913, %broadcast_in_dim3A_111 : vector<16xf32>
        %sub3A_916 = arith.subf %mul3A_914, %mul3A_915 : vector<16xf32>
        %mul3A_917 = arith.mulf %sub3A_912, %broadcast_in_dim3A_111 : vector<16xf32>
        %mul3A_918 = arith.mulf %sub3A_913, %broadcast_in_dim3A_108 : vector<16xf32>
        %add3A_919 = arith.addf %mul3A_917, %mul3A_918 : vector<16xf32>
        %sub3A_920 = arith.subf %get3A_911, %broadcast_in_dim3A_96 : vector<16xf32>
        %abs3A_921 = math.absf %sub3A_920 : vector<16xf32>
        %le3A_922 = arith.cmpf ole, %abs3A_921, %broadcast_in_dim3A_105 : vector<16xf32>
        %abs3A_923 = math.absf %sub3A_916 : vector<16xf32>
        %lt3A_924 = arith.cmpf olt, %abs3A_923, %broadcast_in_dim3A_99 : vector<16xf32>
        %and3A_925 = arith.andi %le3A_922, %lt3A_924 : vector<16xi1>
        %abs3A_926 = math.absf %add3A_919 : vector<16xf32>
        %lt3A_927 = arith.cmpf olt, %abs3A_926, %broadcast_in_dim3A_102 : vector<16xf32>
        %and3A_928 = arith.andi %and3A_925, %lt3A_927 : vector<16xi1>
        %add3A_929 = arith.constant 192 : i32
        %add3A_930 = arith.addi %mul3A_582, %add3A_929 : i32
        %get3A_931 = arith.index_cast %add3A_930 : i32 to index
        %get3A_932 = tpu.vector_load %arg7[%get3A_931] {strides = array<i32>} : memref<49152xf32, #tpu.memory_space<vmem>>, vector<16xf32>,
        %add3A_933 = arith.constant 16384 : i32
        %add3A_934 = arith.addi %add3A_933, %add3A_930 : i32
        %get3A_935 = arith.index_cast %add3A_934 : i32 to index
        %get3A_936 = tpu.vector_load %arg7[%get3A_935] {strides = array<i32>} : memref<49152xf32, #tpu.memory_space<vmem>>, vector<16xf32>,
        %add3A_937 = arith.constant 32768 : i32
        %add3A_938 = arith.addi %add3A_937, %add3A_930 : i32
        %get3A_939 = arith.index_cast %add3A_938 : i32 to index
        %get3A_940 = tpu.vector_load %arg7[%get3A_939] {strides = array<i32>} : memref<49152xf32, #tpu.memory_space<vmem>>, vector<16xf32>,
        %sub3A_941 = arith.subf %get3A_932, %broadcast_in_dim3A : vector<16xf32>
        %sub3A_942 = arith.subf %get3A_936, %broadcast_in_dim3A_93 : vector<16xf32>
        %mul3A_943 = arith.mulf %sub3A_941, %broadcast_in_dim3A_108 : vector<16xf32>
        %mul3A_944 = arith.mulf %sub3A_942, %broadcast_in_dim3A_111 : vector<16xf32>
        %sub3A_945 = arith.subf %mul3A_943, %mul3A_944 : vector<16xf32>
        %mul3A_946 = arith.mulf %sub3A_941, %broadcast_in_dim3A_111 : vector<16xf32>
        %mul3A_947 = arith.mulf %sub3A_942, %broadcast_in_dim3A_108 : vector<16xf32>
        %add3A_948 = arith.addf %mul3A_946, %mul3A_947 : vector<16xf32>
        %sub3A_949 = arith.subf %get3A_940, %broadcast_in_dim3A_96 : vector<16xf32>
        %abs3A_950 = math.absf %sub3A_949 : vector<16xf32>
        %le3A_951 = arith.cmpf ole, %abs3A_950, %broadcast_in_dim3A_105 : vector<16xf32>
        %abs3A_952 = math.absf %sub3A_945 : vector<16xf32>
        %lt3A_953 = arith.cmpf olt, %abs3A_952, %broadcast_in_dim3A_99 : vector<16xf32>
        %and3A_954 = arith.andi %le3A_951, %lt3A_953 : vector<16xi1>
        %abs3A_955 = math.absf %add3A_948 : vector<16xf32>
        %lt3A_956 = arith.cmpf olt, %abs3A_955, %broadcast_in_dim3A_102 : vector<16xf32>
        %and3A_957 = arith.andi %and3A_954, %lt3A_956 : vector<16xi1>
        %add3A_958 = arith.constant 208 : i32
        %add3A_959 = arith.addi %mul3A_582, %add3A_958 : i32
        %get3A_960 = arith.index_cast %add3A_959 : i32 to index
        %get3A_961 = tpu.vector_load %arg7[%get3A_960] {strides = array<i32>} : memref<49152xf32, #tpu.memory_space<vmem>>, vector<16xf32>,
        %add3A_962 = arith.constant 16384 : i32
        %add3A_963 = arith.addi %add3A_962, %add3A_959 : i32
        %get3A_964 = arith.index_cast %add3A_963 : i32 to index
        %get3A_965 = tpu.vector_load %arg7[%get3A_964] {strides = array<i32>} : memref<49152xf32, #tpu.memory_space<vmem>>, vector<16xf32>,
        %add3A_966 = arith.constant 32768 : i32
        %add3A_967 = arith.addi %add3A_966, %add3A_959 : i32
        %get3A_968 = arith.index_cast %add3A_967 : i32 to index
        %get3A_969 = tpu.vector_load %arg7[%get3A_968] {strides = array<i32>} : memref<49152xf32, #tpu.memory_space<vmem>>, vector<16xf32>,
        %sub3A_970 = arith.subf %get3A_961, %broadcast_in_dim3A : vector<16xf32>
        %sub3A_971 = arith.subf %get3A_965, %broadcast_in_dim3A_93 : vector<16xf32>
        %mul3A_972 = arith.mulf %sub3A_970, %broadcast_in_dim3A_108 : vector<16xf32>
        %mul3A_973 = arith.mulf %sub3A_971, %broadcast_in_dim3A_111 : vector<16xf32>
        %sub3A_974 = arith.subf %mul3A_972, %mul3A_973 : vector<16xf32>
        %mul3A_975 = arith.mulf %sub3A_970, %broadcast_in_dim3A_111 : vector<16xf32>
        %mul3A_976 = arith.mulf %sub3A_971, %broadcast_in_dim3A_108 : vector<16xf32>
        %add3A_977 = arith.addf %mul3A_975, %mul3A_976 : vector<16xf32>
        %sub3A_978 = arith.subf %get3A_969, %broadcast_in_dim3A_96 : vector<16xf32>
        %abs3A_979 = math.absf %sub3A_978 : vector<16xf32>
        %le3A_980 = arith.cmpf ole, %abs3A_979, %broadcast_in_dim3A_105 : vector<16xf32>
        %abs3A_981 = math.absf %sub3A_974 : vector<16xf32>
        %lt3A_982 = arith.cmpf olt, %abs3A_981, %broadcast_in_dim3A_99 : vector<16xf32>
        %and3A_983 = arith.andi %le3A_980, %lt3A_982 : vector<16xi1>
        %abs3A_984 = math.absf %add3A_977 : vector<16xf32>
        %lt3A_985 = arith.cmpf olt, %abs3A_984, %broadcast_in_dim3A_102 : vector<16xf32>
        %and3A_986 = arith.andi %and3A_983, %lt3A_985 : vector<16xi1>
        %add3A_987 = arith.constant 224 : i32
        %add3A_988 = arith.addi %mul3A_582, %add3A_987 : i32
        %get3A_989 = arith.index_cast %add3A_988 : i32 to index
        %get3A_990 = tpu.vector_load %arg7[%get3A_989] {strides = array<i32>} : memref<49152xf32, #tpu.memory_space<vmem>>, vector<16xf32>,
        %add3A_991 = arith.constant 16384 : i32
        %add3A_992 = arith.addi %add3A_991, %add3A_988 : i32
        %get3A_993 = arith.index_cast %add3A_992 : i32 to index
        %get3A_994 = tpu.vector_load %arg7[%get3A_993] {strides = array<i32>} : memref<49152xf32, #tpu.memory_space<vmem>>, vector<16xf32>,
        %add3A_995 = arith.constant 32768 : i32
        %add3A_996 = arith.addi %add3A_995, %add3A_988 : i32
        %get3A_997 = arith.index_cast %add3A_996 : i32 to index
        %get3A_998 = tpu.vector_load %arg7[%get3A_997] {strides = array<i32>} : memref<49152xf32, #tpu.memory_space<vmem>>, vector<16xf32>,
        %sub3A_999 = arith.subf %get3A_990, %broadcast_in_dim3A : vector<16xf32>
        %sub3A_1000 = arith.subf %get3A_994, %broadcast_in_dim3A_93 : vector<16xf32>
        %mul3A_1001 = arith.mulf %sub3A_999, %broadcast_in_dim3A_108 : vector<16xf32>
        %mul3A_1002 = arith.mulf %sub3A_1000, %broadcast_in_dim3A_111 : vector<16xf32>
        %sub3A_1003 = arith.subf %mul3A_1001, %mul3A_1002 : vector<16xf32>
        %mul3A_1004 = arith.mulf %sub3A_999, %broadcast_in_dim3A_111 : vector<16xf32>
        %mul3A_1005 = arith.mulf %sub3A_1000, %broadcast_in_dim3A_108 : vector<16xf32>
        %add3A_1006 = arith.addf %mul3A_1004, %mul3A_1005 : vector<16xf32>
        %sub3A_1007 = arith.subf %get3A_998, %broadcast_in_dim3A_96 : vector<16xf32>
        %abs3A_1008 = math.absf %sub3A_1007 : vector<16xf32>
        %le3A_1009 = arith.cmpf ole, %abs3A_1008, %broadcast_in_dim3A_105 : vector<16xf32>
        %abs3A_1010 = math.absf %sub3A_1003 : vector<16xf32>
        %lt3A_1011 = arith.cmpf olt, %abs3A_1010, %broadcast_in_dim3A_99 : vector<16xf32>
        %and3A_1012 = arith.andi %le3A_1009, %lt3A_1011 : vector<16xi1>
        %abs3A_1013 = math.absf %add3A_1006 : vector<16xf32>
        %lt3A_1014 = arith.cmpf olt, %abs3A_1013, %broadcast_in_dim3A_102 : vector<16xf32>
        %and3A_1015 = arith.andi %and3A_1012, %lt3A_1014 : vector<16xi1>
        %add3A_1016 = arith.constant 240 : i32
        %add3A_1017 = arith.addi %mul3A_582, %add3A_1016 : i32
        %get3A_1018 = arith.index_cast %add3A_1017 : i32 to index
        %get3A_1019 = tpu.vector_load %arg7[%get3A_1018] {strides = array<i32>} : memref<49152xf32, #tpu.memory_space<vmem>>, vector<16xf32>,
        %add3A_1020 = arith.constant 16384 : i32
        %add3A_1021 = arith.addi %add3A_1020, %add3A_1017 : i32
        %get3A_1022 = arith.index_cast %add3A_1021 : i32 to index
        %get3A_1023 = tpu.vector_load %arg7[%get3A_1022] {strides = array<i32>} : memref<49152xf32, #tpu.memory_space<vmem>>, vector<16xf32>,
        %add3A_1024 = arith.constant 32768 : i32
        %add3A_1025 = arith.addi %add3A_1024, %add3A_1017 : i32
        %get3A_1026 = arith.index_cast %add3A_1025 : i32 to index
        %get3A_1027 = tpu.vector_load %arg7[%get3A_1026] {strides = array<i32>} : memref<49152xf32, #tpu.memory_space<vmem>>, vector<16xf32>,
        %sub3A_1028 = arith.subf %get3A_1019, %broadcast_in_dim3A : vector<16xf32>
        %sub3A_1029 = arith.subf %get3A_1023, %broadcast_in_dim3A_93 : vector<16xf32>
        %mul3A_1030 = arith.mulf %sub3A_1028, %broadcast_in_dim3A_108 : vector<16xf32>
        %mul3A_1031 = arith.mulf %sub3A_1029, %broadcast_in_dim3A_111 : vector<16xf32>
        %sub3A_1032 = arith.subf %mul3A_1030, %mul3A_1031 : vector<16xf32>
        %mul3A_1033 = arith.mulf %sub3A_1028, %broadcast_in_dim3A_111 : vector<16xf32>
        %mul3A_1034 = arith.mulf %sub3A_1029, %broadcast_in_dim3A_108 : vector<16xf32>
        %add3A_1035 = arith.addf %mul3A_1033, %mul3A_1034 : vector<16xf32>
        %sub3A_1036 = arith.subf %get3A_1027, %broadcast_in_dim3A_96 : vector<16xf32>
        %abs3A_1037 = math.absf %sub3A_1036 : vector<16xf32>
        %le3A_1038 = arith.cmpf ole, %abs3A_1037, %broadcast_in_dim3A_105 : vector<16xf32>
        %abs3A_1039 = math.absf %sub3A_1032 : vector<16xf32>
        %lt3A_1040 = arith.cmpf olt, %abs3A_1039, %broadcast_in_dim3A_99 : vector<16xf32>
        %and3A_1041 = arith.andi %le3A_1038, %lt3A_1040 : vector<16xi1>
        %abs3A_1042 = math.absf %add3A_1035 : vector<16xf32>
        %lt3A_1043 = arith.cmpf olt, %abs3A_1042, %broadcast_in_dim3A_102 : vector<16xf32>
        %and3A_1044 = arith.andi %and3A_1041, %lt3A_1043 : vector<16xi1>
        %add3A_1045 = arith.constant 256 : i32
        %add3A_1046 = arith.addi %mul3A_582, %add3A_1045 : i32
        %get3A_1047 = arith.index_cast %add3A_1046 : i32 to index
        %get3A_1048 = tpu.vector_load %arg7[%get3A_1047] {strides = array<i32>} : memref<49152xf32, #tpu.memory_space<vmem>>, vector<16xf32>,
        %add3A_1049 = arith.constant 16384 : i32
        %add3A_1050 = arith.addi %add3A_1049, %add3A_1046 : i32
        %get3A_1051 = arith.index_cast %add3A_1050 : i32 to index
        %get3A_1052 = tpu.vector_load %arg7[%get3A_1051] {strides = array<i32>} : memref<49152xf32, #tpu.memory_space<vmem>>, vector<16xf32>,
        %add3A_1053 = arith.constant 32768 : i32
        %add3A_1054 = arith.addi %add3A_1053, %add3A_1046 : i32
        %get3A_1055 = arith.index_cast %add3A_1054 : i32 to index
        %get3A_1056 = tpu.vector_load %arg7[%get3A_1055] {strides = array<i32>} : memref<49152xf32, #tpu.memory_space<vmem>>, vector<16xf32>,
        %sub3A_1057 = arith.subf %get3A_1048, %broadcast_in_dim3A : vector<16xf32>
        %sub3A_1058 = arith.subf %get3A_1052, %broadcast_in_dim3A_93 : vector<16xf32>
        %mul3A_1059 = arith.mulf %sub3A_1057, %broadcast_in_dim3A_108 : vector<16xf32>
        %mul3A_1060 = arith.mulf %sub3A_1058, %broadcast_in_dim3A_111 : vector<16xf32>
        %sub3A_1061 = arith.subf %mul3A_1059, %mul3A_1060 : vector<16xf32>
        %mul3A_1062 = arith.mulf %sub3A_1057, %broadcast_in_dim3A_111 : vector<16xf32>
        %mul3A_1063 = arith.mulf %sub3A_1058, %broadcast_in_dim3A_108 : vector<16xf32>
        %add3A_1064 = arith.addf %mul3A_1062, %mul3A_1063 : vector<16xf32>
        %sub3A_1065 = arith.subf %get3A_1056, %broadcast_in_dim3A_96 : vector<16xf32>
        %abs3A_1066 = math.absf %sub3A_1065 : vector<16xf32>
        %le3A_1067 = arith.cmpf ole, %abs3A_1066, %broadcast_in_dim3A_105 : vector<16xf32>
        %abs3A_1068 = math.absf %sub3A_1061 : vector<16xf32>
        %lt3A_1069 = arith.cmpf olt, %abs3A_1068, %broadcast_in_dim3A_99 : vector<16xf32>
        %and3A_1070 = arith.andi %le3A_1067, %lt3A_1069 : vector<16xi1>
        %abs3A_1071 = math.absf %add3A_1064 : vector<16xf32>
        %lt3A_1072 = arith.cmpf olt, %abs3A_1071, %broadcast_in_dim3A_102 : vector<16xf32>
        %and3A_1073 = arith.andi %and3A_1070, %lt3A_1072 : vector<16xi1>
        %add3A_1074 = arith.constant 272 : i32
        %add3A_1075 = arith.addi %mul3A_582, %add3A_1074 : i32
        %get3A_1076 = arith.index_cast %add3A_1075 : i32 to index
        %get3A_1077 = tpu.vector_load %arg7[%get3A_1076] {strides = array<i32>} : memref<49152xf32, #tpu.memory_space<vmem>>, vector<16xf32>,
        %add3A_1078 = arith.constant 16384 : i32
        %add3A_1079 = arith.addi %add3A_1078, %add3A_1075 : i32
        %get3A_1080 = arith.index_cast %add3A_1079 : i32 to index
        %get3A_1081 = tpu.vector_load %arg7[%get3A_1080] {strides = array<i32>} : memref<49152xf32, #tpu.memory_space<vmem>>, vector<16xf32>,
        %add3A_1082 = arith.constant 32768 : i32
        %add3A_1083 = arith.addi %add3A_1082, %add3A_1075 : i32
        %get3A_1084 = arith.index_cast %add3A_1083 : i32 to index
        %get3A_1085 = tpu.vector_load %arg7[%get3A_1084] {strides = array<i32>} : memref<49152xf32, #tpu.memory_space<vmem>>, vector<16xf32>,
        %sub3A_1086 = arith.subf %get3A_1077, %broadcast_in_dim3A : vector<16xf32>
        %sub3A_1087 = arith.subf %get3A_1081, %broadcast_in_dim3A_93 : vector<16xf32>
        %mul3A_1088 = arith.mulf %sub3A_1086, %broadcast_in_dim3A_108 : vector<16xf32>
        %mul3A_1089 = arith.mulf %sub3A_1087, %broadcast_in_dim3A_111 : vector<16xf32>
        %sub3A_1090 = arith.subf %mul3A_1088, %mul3A_1089 : vector<16xf32>
        %mul3A_1091 = arith.mulf %sub3A_1086, %broadcast_in_dim3A_111 : vector<16xf32>
        %mul3A_1092 = arith.mulf %sub3A_1087, %broadcast_in_dim3A_108 : vector<16xf32>
        %add3A_1093 = arith.addf %mul3A_1091, %mul3A_1092 : vector<16xf32>
        %sub3A_1094 = arith.subf %get3A_1085, %broadcast_in_dim3A_96 : vector<16xf32>
        %abs3A_1095 = math.absf %sub3A_1094 : vector<16xf32>
        %le3A_1096 = arith.cmpf ole, %abs3A_1095, %broadcast_in_dim3A_105 : vector<16xf32>
        %abs3A_1097 = math.absf %sub3A_1090 : vector<16xf32>
        %lt3A_1098 = arith.cmpf olt, %abs3A_1097, %broadcast_in_dim3A_99 : vector<16xf32>
        %and3A_1099 = arith.andi %le3A_1096, %lt3A_1098 : vector<16xi1>
        %abs3A_1100 = math.absf %add3A_1093 : vector<16xf32>
        %lt3A_1101 = arith.cmpf olt, %abs3A_1100, %broadcast_in_dim3A_102 : vector<16xf32>
        %and3A_1102 = arith.andi %and3A_1099, %lt3A_1101 : vector<16xi1>
        %add3A_1103 = arith.constant 288 : i32
        %add3A_1104 = arith.addi %mul3A_582, %add3A_1103 : i32
        %get3A_1105 = arith.index_cast %add3A_1104 : i32 to index
        %get3A_1106 = tpu.vector_load %arg7[%get3A_1105] {strides = array<i32>} : memref<49152xf32, #tpu.memory_space<vmem>>, vector<16xf32>,
        %add3A_1107 = arith.constant 16384 : i32
        %add3A_1108 = arith.addi %add3A_1107, %add3A_1104 : i32
        %get3A_1109 = arith.index_cast %add3A_1108 : i32 to index
        %get3A_1110 = tpu.vector_load %arg7[%get3A_1109] {strides = array<i32>} : memref<49152xf32, #tpu.memory_space<vmem>>, vector<16xf32>,
        %add3A_1111 = arith.constant 32768 : i32
        %add3A_1112 = arith.addi %add3A_1111, %add3A_1104 : i32
        %get3A_1113 = arith.index_cast %add3A_1112 : i32 to index
        %get3A_1114 = tpu.vector_load %arg7[%get3A_1113] {strides = array<i32>} : memref<49152xf32, #tpu.memory_space<vmem>>, vector<16xf32>,
        %sub3A_1115 = arith.subf %get3A_1106, %broadcast_in_dim3A : vector<16xf32>
        %sub3A_1116 = arith.subf %get3A_1110, %broadcast_in_dim3A_93 : vector<16xf32>
        %mul3A_1117 = arith.mulf %sub3A_1115, %broadcast_in_dim3A_108 : vector<16xf32>
        %mul3A_1118 = arith.mulf %sub3A_1116, %broadcast_in_dim3A_111 : vector<16xf32>
        %sub3A_1119 = arith.subf %mul3A_1117, %mul3A_1118 : vector<16xf32>
        %mul3A_1120 = arith.mulf %sub3A_1115, %broadcast_in_dim3A_111 : vector<16xf32>
        %mul3A_1121 = arith.mulf %sub3A_1116, %broadcast_in_dim3A_108 : vector<16xf32>
        %add3A_1122 = arith.addf %mul3A_1120, %mul3A_1121 : vector<16xf32>
        %sub3A_1123 = arith.subf %get3A_1114, %broadcast_in_dim3A_96 : vector<16xf32>
        %abs3A_1124 = math.absf %sub3A_1123 : vector<16xf32>
        %le3A_1125 = arith.cmpf ole, %abs3A_1124, %broadcast_in_dim3A_105 : vector<16xf32>
        %abs3A_1126 = math.absf %sub3A_1119 : vector<16xf32>
        %lt3A_1127 = arith.cmpf olt, %abs3A_1126, %broadcast_in_dim3A_99 : vector<16xf32>
        %and3A_1128 = arith.andi %le3A_1125, %lt3A_1127 : vector<16xi1>
        %abs3A_1129 = math.absf %add3A_1122 : vector<16xf32>
        %lt3A_1130 = arith.cmpf olt, %abs3A_1129, %broadcast_in_dim3A_102 : vector<16xf32>
        %and3A_1131 = arith.andi %and3A_1128, %lt3A_1130 : vector<16xi1>
        %add3A_1132 = arith.constant 304 : i32
        %add3A_1133 = arith.addi %mul3A_582, %add3A_1132 : i32
        %get3A_1134 = arith.index_cast %add3A_1133 : i32 to index
        %get3A_1135 = tpu.vector_load %arg7[%get3A_1134] {strides = array<i32>} : memref<49152xf32, #tpu.memory_space<vmem>>, vector<16xf32>,
        %add3A_1136 = arith.constant 16384 : i32
        %add3A_1137 = arith.addi %add3A_1136, %add3A_1133 : i32
        %get3A_1138 = arith.index_cast %add3A_1137 : i32 to index
        %get3A_1139 = tpu.vector_load %arg7[%get3A_1138] {strides = array<i32>} : memref<49152xf32, #tpu.memory_space<vmem>>, vector<16xf32>,
        %add3A_1140 = arith.constant 32768 : i32
        %add3A_1141 = arith.addi %add3A_1140, %add3A_1133 : i32
        %get3A_1142 = arith.index_cast %add3A_1141 : i32 to index
        %get3A_1143 = tpu.vector_load %arg7[%get3A_1142] {strides = array<i32>} : memref<49152xf32, #tpu.memory_space<vmem>>, vector<16xf32>,
        %sub3A_1144 = arith.subf %get3A_1135, %broadcast_in_dim3A : vector<16xf32>
        %sub3A_1145 = arith.subf %get3A_1139, %broadcast_in_dim3A_93 : vector<16xf32>
        %mul3A_1146 = arith.mulf %sub3A_1144, %broadcast_in_dim3A_108 : vector<16xf32>
        %mul3A_1147 = arith.mulf %sub3A_1145, %broadcast_in_dim3A_111 : vector<16xf32>
        %sub3A_1148 = arith.subf %mul3A_1146, %mul3A_1147 : vector<16xf32>
        %mul3A_1149 = arith.mulf %sub3A_1144, %broadcast_in_dim3A_111 : vector<16xf32>
        %mul3A_1150 = arith.mulf %sub3A_1145, %broadcast_in_dim3A_108 : vector<16xf32>
        %add3A_1151 = arith.addf %mul3A_1149, %mul3A_1150 : vector<16xf32>
        %sub3A_1152 = arith.subf %get3A_1143, %broadcast_in_dim3A_96 : vector<16xf32>
        %abs3A_1153 = math.absf %sub3A_1152 : vector<16xf32>
        %le3A_1154 = arith.cmpf ole, %abs3A_1153, %broadcast_in_dim3A_105 : vector<16xf32>
        %abs3A_1155 = math.absf %sub3A_1148 : vector<16xf32>
        %lt3A_1156 = arith.cmpf olt, %abs3A_1155, %broadcast_in_dim3A_99 : vector<16xf32>
        %and3A_1157 = arith.andi %le3A_1154, %lt3A_1156 : vector<16xi1>
        %abs3A_1158 = math.absf %add3A_1151 : vector<16xf32>
        %lt3A_1159 = arith.cmpf olt, %abs3A_1158, %broadcast_in_dim3A_102 : vector<16xf32>
        %and3A_1160 = arith.andi %and3A_1157, %lt3A_1159 : vector<16xi1>
        %add3A_1161 = arith.constant 320 : i32
        %add3A_1162 = arith.addi %mul3A_582, %add3A_1161 : i32
        %get3A_1163 = arith.index_cast %add3A_1162 : i32 to index
        %get3A_1164 = tpu.vector_load %arg7[%get3A_1163] {strides = array<i32>} : memref<49152xf32, #tpu.memory_space<vmem>>, vector<16xf32>,
        %add3A_1165 = arith.constant 16384 : i32
        %add3A_1166 = arith.addi %add3A_1165, %add3A_1162 : i32
        %get3A_1167 = arith.index_cast %add3A_1166 : i32 to index
        %get3A_1168 = tpu.vector_load %arg7[%get3A_1167] {strides = array<i32>} : memref<49152xf32, #tpu.memory_space<vmem>>, vector<16xf32>,
        %add3A_1169 = arith.constant 32768 : i32
        %add3A_1170 = arith.addi %add3A_1169, %add3A_1162 : i32
        %get3A_1171 = arith.index_cast %add3A_1170 : i32 to index
        %get3A_1172 = tpu.vector_load %arg7[%get3A_1171] {strides = array<i32>} : memref<49152xf32, #tpu.memory_space<vmem>>, vector<16xf32>,
        %sub3A_1173 = arith.subf %get3A_1164, %broadcast_in_dim3A : vector<16xf32>
        %sub3A_1174 = arith.subf %get3A_1168, %broadcast_in_dim3A_93 : vector<16xf32>
        %mul3A_1175 = arith.mulf %sub3A_1173, %broadcast_in_dim3A_108 : vector<16xf32>
        %mul3A_1176 = arith.mulf %sub3A_1174, %broadcast_in_dim3A_111 : vector<16xf32>
        %sub3A_1177 = arith.subf %mul3A_1175, %mul3A_1176 : vector<16xf32>
        %mul3A_1178 = arith.mulf %sub3A_1173, %broadcast_in_dim3A_111 : vector<16xf32>
        %mul3A_1179 = arith.mulf %sub3A_1174, %broadcast_in_dim3A_108 : vector<16xf32>
        %add3A_1180 = arith.addf %mul3A_1178, %mul3A_1179 : vector<16xf32>
        %sub3A_1181 = arith.subf %get3A_1172, %broadcast_in_dim3A_96 : vector<16xf32>
        %abs3A_1182 = math.absf %sub3A_1181 : vector<16xf32>
        %le3A_1183 = arith.cmpf ole, %abs3A_1182, %broadcast_in_dim3A_105 : vector<16xf32>
        %abs3A_1184 = math.absf %sub3A_1177 : vector<16xf32>
        %lt3A_1185 = arith.cmpf olt, %abs3A_1184, %broadcast_in_dim3A_99 : vector<16xf32>
        %and3A_1186 = arith.andi %le3A_1183, %lt3A_1185 : vector<16xi1>
        %abs3A_1187 = math.absf %add3A_1180 : vector<16xf32>
        %lt3A_1188 = arith.cmpf olt, %abs3A_1187, %broadcast_in_dim3A_102 : vector<16xf32>
        %and3A_1189 = arith.andi %and3A_1186, %lt3A_1188 : vector<16xi1>
        %add3A_1190 = arith.constant 336 : i32
        %add3A_1191 = arith.addi %mul3A_582, %add3A_1190 : i32
        %get3A_1192 = arith.index_cast %add3A_1191 : i32 to index
        %get3A_1193 = tpu.vector_load %arg7[%get3A_1192] {strides = array<i32>} : memref<49152xf32, #tpu.memory_space<vmem>>, vector<16xf32>,
        %add3A_1194 = arith.constant 16384 : i32
        %add3A_1195 = arith.addi %add3A_1194, %add3A_1191 : i32
        %get3A_1196 = arith.index_cast %add3A_1195 : i32 to index
        %get3A_1197 = tpu.vector_load %arg7[%get3A_1196] {strides = array<i32>} : memref<49152xf32, #tpu.memory_space<vmem>>, vector<16xf32>,
        %add3A_1198 = arith.constant 32768 : i32
        %add3A_1199 = arith.addi %add3A_1198, %add3A_1191 : i32
        %get3A_1200 = arith.index_cast %add3A_1199 : i32 to index
        %get3A_1201 = tpu.vector_load %arg7[%get3A_1200] {strides = array<i32>} : memref<49152xf32, #tpu.memory_space<vmem>>, vector<16xf32>,
        %sub3A_1202 = arith.subf %get3A_1193, %broadcast_in_dim3A : vector<16xf32>
        %sub3A_1203 = arith.subf %get3A_1197, %broadcast_in_dim3A_93 : vector<16xf32>
        %mul3A_1204 = arith.mulf %sub3A_1202, %broadcast_in_dim3A_108 : vector<16xf32>
        %mul3A_1205 = arith.mulf %sub3A_1203, %broadcast_in_dim3A_111 : vector<16xf32>
        %sub3A_1206 = arith.subf %mul3A_1204, %mul3A_1205 : vector<16xf32>
        %mul3A_1207 = arith.mulf %sub3A_1202, %broadcast_in_dim3A_111 : vector<16xf32>
        %mul3A_1208 = arith.mulf %sub3A_1203, %broadcast_in_dim3A_108 : vector<16xf32>
        %add3A_1209 = arith.addf %mul3A_1207, %mul3A_1208 : vector<16xf32>
        %sub3A_1210 = arith.subf %get3A_1201, %broadcast_in_dim3A_96 : vector<16xf32>
        %abs3A_1211 = math.absf %sub3A_1210 : vector<16xf32>
        %le3A_1212 = arith.cmpf ole, %abs3A_1211, %broadcast_in_dim3A_105 : vector<16xf32>
        %abs3A_1213 = math.absf %sub3A_1206 : vector<16xf32>
        %lt3A_1214 = arith.cmpf olt, %abs3A_1213, %broadcast_in_dim3A_99 : vector<16xf32>
        %and3A_1215 = arith.andi %le3A_1212, %lt3A_1214 : vector<16xi1>
        %abs3A_1216 = math.absf %add3A_1209 : vector<16xf32>
        %lt3A_1217 = arith.cmpf olt, %abs3A_1216, %broadcast_in_dim3A_102 : vector<16xf32>
        %and3A_1218 = arith.andi %and3A_1215, %lt3A_1217 : vector<16xi1>
        %add3A_1219 = arith.constant 352 : i32
        %add3A_1220 = arith.addi %mul3A_582, %add3A_1219 : i32
        %get3A_1221 = arith.index_cast %add3A_1220 : i32 to index
        %get3A_1222 = tpu.vector_load %arg7[%get3A_1221] {strides = array<i32>} : memref<49152xf32, #tpu.memory_space<vmem>>, vector<16xf32>,
        %add3A_1223 = arith.constant 16384 : i32
        %add3A_1224 = arith.addi %add3A_1223, %add3A_1220 : i32
        %get3A_1225 = arith.index_cast %add3A_1224 : i32 to index
        %get3A_1226 = tpu.vector_load %arg7[%get3A_1225] {strides = array<i32>} : memref<49152xf32, #tpu.memory_space<vmem>>, vector<16xf32>,
        %add3A_1227 = arith.constant 32768 : i32
        %add3A_1228 = arith.addi %add3A_1227, %add3A_1220 : i32
        %get3A_1229 = arith.index_cast %add3A_1228 : i32 to index
        %get3A_1230 = tpu.vector_load %arg7[%get3A_1229] {strides = array<i32>} : memref<49152xf32, #tpu.memory_space<vmem>>, vector<16xf32>,
        %sub3A_1231 = arith.subf %get3A_1222, %broadcast_in_dim3A : vector<16xf32>
        %sub3A_1232 = arith.subf %get3A_1226, %broadcast_in_dim3A_93 : vector<16xf32>
        %mul3A_1233 = arith.mulf %sub3A_1231, %broadcast_in_dim3A_108 : vector<16xf32>
        %mul3A_1234 = arith.mulf %sub3A_1232, %broadcast_in_dim3A_111 : vector<16xf32>
        %sub3A_1235 = arith.subf %mul3A_1233, %mul3A_1234 : vector<16xf32>
        %mul3A_1236 = arith.mulf %sub3A_1231, %broadcast_in_dim3A_111 : vector<16xf32>
        %mul3A_1237 = arith.mulf %sub3A_1232, %broadcast_in_dim3A_108 : vector<16xf32>
        %add3A_1238 = arith.addf %mul3A_1236, %mul3A_1237 : vector<16xf32>
        %sub3A_1239 = arith.subf %get3A_1230, %broadcast_in_dim3A_96 : vector<16xf32>
        %abs3A_1240 = math.absf %sub3A_1239 : vector<16xf32>
        %le3A_1241 = arith.cmpf ole, %abs3A_1240, %broadcast_in_dim3A_105 : vector<16xf32>
        %abs3A_1242 = math.absf %sub3A_1235 : vector<16xf32>
        %lt3A_1243 = arith.cmpf olt, %abs3A_1242, %broadcast_in_dim3A_99 : vector<16xf32>
        %and3A_1244 = arith.andi %le3A_1241, %lt3A_1243 : vector<16xi1>
        %abs3A_1245 = math.absf %add3A_1238 : vector<16xf32>
        %lt3A_1246 = arith.cmpf olt, %abs3A_1245, %broadcast_in_dim3A_102 : vector<16xf32>
        %and3A_1247 = arith.andi %and3A_1244, %lt3A_1246 : vector<16xi1>
        %add3A_1248 = arith.constant 368 : i32
        %add3A_1249 = arith.addi %mul3A_582, %add3A_1248 : i32
        %get3A_1250 = arith.index_cast %add3A_1249 : i32 to index
        %get3A_1251 = tpu.vector_load %arg7[%get3A_1250] {strides = array<i32>} : memref<49152xf32, #tpu.memory_space<vmem>>, vector<16xf32>,
        %add3A_1252 = arith.constant 16384 : i32
        %add3A_1253 = arith.addi %add3A_1252, %add3A_1249 : i32
        %get3A_1254 = arith.index_cast %add3A_1253 : i32 to index
        %get3A_1255 = tpu.vector_load %arg7[%get3A_1254] {strides = array<i32>} : memref<49152xf32, #tpu.memory_space<vmem>>, vector<16xf32>,
        %add3A_1256 = arith.constant 32768 : i32
        %add3A_1257 = arith.addi %add3A_1256, %add3A_1249 : i32
        %get3A_1258 = arith.index_cast %add3A_1257 : i32 to index
        %get3A_1259 = tpu.vector_load %arg7[%get3A_1258] {strides = array<i32>} : memref<49152xf32, #tpu.memory_space<vmem>>, vector<16xf32>,
        %sub3A_1260 = arith.subf %get3A_1251, %broadcast_in_dim3A : vector<16xf32>
        %sub3A_1261 = arith.subf %get3A_1255, %broadcast_in_dim3A_93 : vector<16xf32>
        %mul3A_1262 = arith.mulf %sub3A_1260, %broadcast_in_dim3A_108 : vector<16xf32>
        %mul3A_1263 = arith.mulf %sub3A_1261, %broadcast_in_dim3A_111 : vector<16xf32>
        %sub3A_1264 = arith.subf %mul3A_1262, %mul3A_1263 : vector<16xf32>
        %mul3A_1265 = arith.mulf %sub3A_1260, %broadcast_in_dim3A_111 : vector<16xf32>
        %mul3A_1266 = arith.mulf %sub3A_1261, %broadcast_in_dim3A_108 : vector<16xf32>
        %add3A_1267 = arith.addf %mul3A_1265, %mul3A_1266 : vector<16xf32>
        %sub3A_1268 = arith.subf %get3A_1259, %broadcast_in_dim3A_96 : vector<16xf32>
        %abs3A_1269 = math.absf %sub3A_1268 : vector<16xf32>
        %le3A_1270 = arith.cmpf ole, %abs3A_1269, %broadcast_in_dim3A_105 : vector<16xf32>
        %abs3A_1271 = math.absf %sub3A_1264 : vector<16xf32>
        %lt3A_1272 = arith.cmpf olt, %abs3A_1271, %broadcast_in_dim3A_99 : vector<16xf32>
        %and3A_1273 = arith.andi %le3A_1270, %lt3A_1272 : vector<16xi1>
        %abs3A_1274 = math.absf %add3A_1267 : vector<16xf32>
        %lt3A_1275 = arith.cmpf olt, %abs3A_1274, %broadcast_in_dim3A_102 : vector<16xf32>
        %and3A_1276 = arith.andi %and3A_1273, %lt3A_1275 : vector<16xi1>
        %add3A_1277 = arith.constant 384 : i32
        %add3A_1278 = arith.addi %mul3A_582, %add3A_1277 : i32
        %get3A_1279 = arith.index_cast %add3A_1278 : i32 to index
        %get3A_1280 = tpu.vector_load %arg7[%get3A_1279] {strides = array<i32>} : memref<49152xf32, #tpu.memory_space<vmem>>, vector<16xf32>,
        %add3A_1281 = arith.constant 16384 : i32
        %add3A_1282 = arith.addi %add3A_1281, %add3A_1278 : i32
        %get3A_1283 = arith.index_cast %add3A_1282 : i32 to index
        %get3A_1284 = tpu.vector_load %arg7[%get3A_1283] {strides = array<i32>} : memref<49152xf32, #tpu.memory_space<vmem>>, vector<16xf32>,
        %add3A_1285 = arith.constant 32768 : i32
        %add3A_1286 = arith.addi %add3A_1285, %add3A_1278 : i32
        %get3A_1287 = arith.index_cast %add3A_1286 : i32 to index
        %get3A_1288 = tpu.vector_load %arg7[%get3A_1287] {strides = array<i32>} : memref<49152xf32, #tpu.memory_space<vmem>>, vector<16xf32>,
        %sub3A_1289 = arith.subf %get3A_1280, %broadcast_in_dim3A : vector<16xf32>
        %sub3A_1290 = arith.subf %get3A_1284, %broadcast_in_dim3A_93 : vector<16xf32>
        %mul3A_1291 = arith.mulf %sub3A_1289, %broadcast_in_dim3A_108 : vector<16xf32>
        %mul3A_1292 = arith.mulf %sub3A_1290, %broadcast_in_dim3A_111 : vector<16xf32>
        %sub3A_1293 = arith.subf %mul3A_1291, %mul3A_1292 : vector<16xf32>
        %mul3A_1294 = arith.mulf %sub3A_1289, %broadcast_in_dim3A_111 : vector<16xf32>
        %mul3A_1295 = arith.mulf %sub3A_1290, %broadcast_in_dim3A_108 : vector<16xf32>
        %add3A_1296 = arith.addf %mul3A_1294, %mul3A_1295 : vector<16xf32>
        %sub3A_1297 = arith.subf %get3A_1288, %broadcast_in_dim3A_96 : vector<16xf32>
        %abs3A_1298 = math.absf %sub3A_1297 : vector<16xf32>
        %le3A_1299 = arith.cmpf ole, %abs3A_1298, %broadcast_in_dim3A_105 : vector<16xf32>
        %abs3A_1300 = math.absf %sub3A_1293 : vector<16xf32>
        %lt3A_1301 = arith.cmpf olt, %abs3A_1300, %broadcast_in_dim3A_99 : vector<16xf32>
        %and3A_1302 = arith.andi %le3A_1299, %lt3A_1301 : vector<16xi1>
        %abs3A_1303 = math.absf %add3A_1296 : vector<16xf32>
        %lt3A_1304 = arith.cmpf olt, %abs3A_1303, %broadcast_in_dim3A_102 : vector<16xf32>
        %and3A_1305 = arith.andi %and3A_1302, %lt3A_1304 : vector<16xi1>
        %add3A_1306 = arith.constant 400 : i32
        %add3A_1307 = arith.addi %mul3A_582, %add3A_1306 : i32
        %get3A_1308 = arith.index_cast %add3A_1307 : i32 to index
        %get3A_1309 = tpu.vector_load %arg7[%get3A_1308] {strides = array<i32>} : memref<49152xf32, #tpu.memory_space<vmem>>, vector<16xf32>,
        %add3A_1310 = arith.constant 16384 : i32
        %add3A_1311 = arith.addi %add3A_1310, %add3A_1307 : i32
        %get3A_1312 = arith.index_cast %add3A_1311 : i32 to index
        %get3A_1313 = tpu.vector_load %arg7[%get3A_1312] {strides = array<i32>} : memref<49152xf32, #tpu.memory_space<vmem>>, vector<16xf32>,
        %add3A_1314 = arith.constant 32768 : i32
        %add3A_1315 = arith.addi %add3A_1314, %add3A_1307 : i32
        %get3A_1316 = arith.index_cast %add3A_1315 : i32 to index
        %get3A_1317 = tpu.vector_load %arg7[%get3A_1316] {strides = array<i32>} : memref<49152xf32, #tpu.memory_space<vmem>>, vector<16xf32>,
        %sub3A_1318 = arith.subf %get3A_1309, %broadcast_in_dim3A : vector<16xf32>
        %sub3A_1319 = arith.subf %get3A_1313, %broadcast_in_dim3A_93 : vector<16xf32>
        %mul3A_1320 = arith.mulf %sub3A_1318, %broadcast_in_dim3A_108 : vector<16xf32>
        %mul3A_1321 = arith.mulf %sub3A_1319, %broadcast_in_dim3A_111 : vector<16xf32>
        %sub3A_1322 = arith.subf %mul3A_1320, %mul3A_1321 : vector<16xf32>
        %mul3A_1323 = arith.mulf %sub3A_1318, %broadcast_in_dim3A_111 : vector<16xf32>
        %mul3A_1324 = arith.mulf %sub3A_1319, %broadcast_in_dim3A_108 : vector<16xf32>
        %add3A_1325 = arith.addf %mul3A_1323, %mul3A_1324 : vector<16xf32>
        %sub3A_1326 = arith.subf %get3A_1317, %broadcast_in_dim3A_96 : vector<16xf32>
        %abs3A_1327 = math.absf %sub3A_1326 : vector<16xf32>
        %le3A_1328 = arith.cmpf ole, %abs3A_1327, %broadcast_in_dim3A_105 : vector<16xf32>
        %abs3A_1329 = math.absf %sub3A_1322 : vector<16xf32>
        %lt3A_1330 = arith.cmpf olt, %abs3A_1329, %broadcast_in_dim3A_99 : vector<16xf32>
        %and3A_1331 = arith.andi %le3A_1328, %lt3A_1330 : vector<16xi1>
        %abs3A_1332 = math.absf %add3A_1325 : vector<16xf32>
        %lt3A_1333 = arith.cmpf olt, %abs3A_1332, %broadcast_in_dim3A_102 : vector<16xf32>
        %and3A_1334 = arith.andi %and3A_1331, %lt3A_1333 : vector<16xi1>
        %add3A_1335 = arith.constant 416 : i32
        %add3A_1336 = arith.addi %mul3A_582, %add3A_1335 : i32
        %get3A_1337 = arith.index_cast %add3A_1336 : i32 to index
        %get3A_1338 = tpu.vector_load %arg7[%get3A_1337] {strides = array<i32>} : memref<49152xf32, #tpu.memory_space<vmem>>, vector<16xf32>,
        %add3A_1339 = arith.constant 16384 : i32
        %add3A_1340 = arith.addi %add3A_1339, %add3A_1336 : i32
        %get3A_1341 = arith.index_cast %add3A_1340 : i32 to index
        %get3A_1342 = tpu.vector_load %arg7[%get3A_1341] {strides = array<i32>} : memref<49152xf32, #tpu.memory_space<vmem>>, vector<16xf32>,
        %add3A_1343 = arith.constant 32768 : i32
        %add3A_1344 = arith.addi %add3A_1343, %add3A_1336 : i32
        %get3A_1345 = arith.index_cast %add3A_1344 : i32 to index
        %get3A_1346 = tpu.vector_load %arg7[%get3A_1345] {strides = array<i32>} : memref<49152xf32, #tpu.memory_space<vmem>>, vector<16xf32>,
        %sub3A_1347 = arith.subf %get3A_1338, %broadcast_in_dim3A : vector<16xf32>
        %sub3A_1348 = arith.subf %get3A_1342, %broadcast_in_dim3A_93 : vector<16xf32>
        %mul3A_1349 = arith.mulf %sub3A_1347, %broadcast_in_dim3A_108 : vector<16xf32>
        %mul3A_1350 = arith.mulf %sub3A_1348, %broadcast_in_dim3A_111 : vector<16xf32>
        %sub3A_1351 = arith.subf %mul3A_1349, %mul3A_1350 : vector<16xf32>
        %mul3A_1352 = arith.mulf %sub3A_1347, %broadcast_in_dim3A_111 : vector<16xf32>
        %mul3A_1353 = arith.mulf %sub3A_1348, %broadcast_in_dim3A_108 : vector<16xf32>
        %add3A_1354 = arith.addf %mul3A_1352, %mul3A_1353 : vector<16xf32>
        %sub3A_1355 = arith.subf %get3A_1346, %broadcast_in_dim3A_96 : vector<16xf32>
        %abs3A_1356 = math.absf %sub3A_1355 : vector<16xf32>
        %le3A_1357 = arith.cmpf ole, %abs3A_1356, %broadcast_in_dim3A_105 : vector<16xf32>
        %abs3A_1358 = math.absf %sub3A_1351 : vector<16xf32>
        %lt3A_1359 = arith.cmpf olt, %abs3A_1358, %broadcast_in_dim3A_99 : vector<16xf32>
        %and3A_1360 = arith.andi %le3A_1357, %lt3A_1359 : vector<16xi1>
        %abs3A_1361 = math.absf %add3A_1354 : vector<16xf32>
        %lt3A_1362 = arith.cmpf olt, %abs3A_1361, %broadcast_in_dim3A_102 : vector<16xf32>
        %and3A_1363 = arith.andi %and3A_1360, %lt3A_1362 : vector<16xi1>
        %add3A_1364 = arith.constant 432 : i32
        %add3A_1365 = arith.addi %mul3A_582, %add3A_1364 : i32
        %get3A_1366 = arith.index_cast %add3A_1365 : i32 to index
        %get3A_1367 = tpu.vector_load %arg7[%get3A_1366] {strides = array<i32>} : memref<49152xf32, #tpu.memory_space<vmem>>, vector<16xf32>,
        %add3A_1368 = arith.constant 16384 : i32
        %add3A_1369 = arith.addi %add3A_1368, %add3A_1365 : i32
        %get3A_1370 = arith.index_cast %add3A_1369 : i32 to index
        %get3A_1371 = tpu.vector_load %arg7[%get3A_1370] {strides = array<i32>} : memref<49152xf32, #tpu.memory_space<vmem>>, vector<16xf32>,
        %add3A_1372 = arith.constant 32768 : i32
        %add3A_1373 = arith.addi %add3A_1372, %add3A_1365 : i32
        %get3A_1374 = arith.index_cast %add3A_1373 : i32 to index
        %get3A_1375 = tpu.vector_load %arg7[%get3A_1374] {strides = array<i32>} : memref<49152xf32, #tpu.memory_space<vmem>>, vector<16xf32>,
        %sub3A_1376 = arith.subf %get3A_1367, %broadcast_in_dim3A : vector<16xf32>
        %sub3A_1377 = arith.subf %get3A_1371, %broadcast_in_dim3A_93 : vector<16xf32>
        %mul3A_1378 = arith.mulf %sub3A_1376, %broadcast_in_dim3A_108 : vector<16xf32>
        %mul3A_1379 = arith.mulf %sub3A_1377, %broadcast_in_dim3A_111 : vector<16xf32>
        %sub3A_1380 = arith.subf %mul3A_1378, %mul3A_1379 : vector<16xf32>
        %mul3A_1381 = arith.mulf %sub3A_1376, %broadcast_in_dim3A_111 : vector<16xf32>
        %mul3A_1382 = arith.mulf %sub3A_1377, %broadcast_in_dim3A_108 : vector<16xf32>
        %add3A_1383 = arith.addf %mul3A_1381, %mul3A_1382 : vector<16xf32>
        %sub3A_1384 = arith.subf %get3A_1375, %broadcast_in_dim3A_96 : vector<16xf32>
        %abs3A_1385 = math.absf %sub3A_1384 : vector<16xf32>
        %le3A_1386 = arith.cmpf ole, %abs3A_1385, %broadcast_in_dim3A_105 : vector<16xf32>
        %abs3A_1387 = math.absf %sub3A_1380 : vector<16xf32>
        %lt3A_1388 = arith.cmpf olt, %abs3A_1387, %broadcast_in_dim3A_99 : vector<16xf32>
        %and3A_1389 = arith.andi %le3A_1386, %lt3A_1388 : vector<16xi1>
        %abs3A_1390 = math.absf %add3A_1383 : vector<16xf32>
        %lt3A_1391 = arith.cmpf olt, %abs3A_1390, %broadcast_in_dim3A_102 : vector<16xf32>
        %and3A_1392 = arith.andi %and3A_1389, %lt3A_1391 : vector<16xi1>
        %add3A_1393 = arith.constant 448 : i32
        %add3A_1394 = arith.addi %mul3A_582, %add3A_1393 : i32
        %get3A_1395 = arith.index_cast %add3A_1394 : i32 to index
        %get3A_1396 = tpu.vector_load %arg7[%get3A_1395] {strides = array<i32>} : memref<49152xf32, #tpu.memory_space<vmem>>, vector<16xf32>,
        %add3A_1397 = arith.constant 16384 : i32
        %add3A_1398 = arith.addi %add3A_1397, %add3A_1394 : i32
        %get3A_1399 = arith.index_cast %add3A_1398 : i32 to index
        %get3A_1400 = tpu.vector_load %arg7[%get3A_1399] {strides = array<i32>} : memref<49152xf32, #tpu.memory_space<vmem>>, vector<16xf32>,
        %add3A_1401 = arith.constant 32768 : i32
        %add3A_1402 = arith.addi %add3A_1401, %add3A_1394 : i32
        %get3A_1403 = arith.index_cast %add3A_1402 : i32 to index
        %get3A_1404 = tpu.vector_load %arg7[%get3A_1403] {strides = array<i32>} : memref<49152xf32, #tpu.memory_space<vmem>>, vector<16xf32>,
        %sub3A_1405 = arith.subf %get3A_1396, %broadcast_in_dim3A : vector<16xf32>
        %sub3A_1406 = arith.subf %get3A_1400, %broadcast_in_dim3A_93 : vector<16xf32>
        %mul3A_1407 = arith.mulf %sub3A_1405, %broadcast_in_dim3A_108 : vector<16xf32>
        %mul3A_1408 = arith.mulf %sub3A_1406, %broadcast_in_dim3A_111 : vector<16xf32>
        %sub3A_1409 = arith.subf %mul3A_1407, %mul3A_1408 : vector<16xf32>
        %mul3A_1410 = arith.mulf %sub3A_1405, %broadcast_in_dim3A_111 : vector<16xf32>
        %mul3A_1411 = arith.mulf %sub3A_1406, %broadcast_in_dim3A_108 : vector<16xf32>
        %add3A_1412 = arith.addf %mul3A_1410, %mul3A_1411 : vector<16xf32>
        %sub3A_1413 = arith.subf %get3A_1404, %broadcast_in_dim3A_96 : vector<16xf32>
        %abs3A_1414 = math.absf %sub3A_1413 : vector<16xf32>
        %le3A_1415 = arith.cmpf ole, %abs3A_1414, %broadcast_in_dim3A_105 : vector<16xf32>
        %abs3A_1416 = math.absf %sub3A_1409 : vector<16xf32>
        %lt3A_1417 = arith.cmpf olt, %abs3A_1416, %broadcast_in_dim3A_99 : vector<16xf32>
        %and3A_1418 = arith.andi %le3A_1415, %lt3A_1417 : vector<16xi1>
        %abs3A_1419 = math.absf %add3A_1412 : vector<16xf32>
        %lt3A_1420 = arith.cmpf olt, %abs3A_1419, %broadcast_in_dim3A_102 : vector<16xf32>
        %and3A_1421 = arith.andi %and3A_1418, %lt3A_1420 : vector<16xi1>
        %add3A_1422 = arith.constant 464 : i32
        %add3A_1423 = arith.addi %mul3A_582, %add3A_1422 : i32
        %get3A_1424 = arith.index_cast %add3A_1423 : i32 to index
        %get3A_1425 = tpu.vector_load %arg7[%get3A_1424] {strides = array<i32>} : memref<49152xf32, #tpu.memory_space<vmem>>, vector<16xf32>,
        %add3A_1426 = arith.constant 16384 : i32
        %add3A_1427 = arith.addi %add3A_1426, %add3A_1423 : i32
        %get3A_1428 = arith.index_cast %add3A_1427 : i32 to index
        %get3A_1429 = tpu.vector_load %arg7[%get3A_1428] {strides = array<i32>} : memref<49152xf32, #tpu.memory_space<vmem>>, vector<16xf32>,
        %add3A_1430 = arith.constant 32768 : i32
        %add3A_1431 = arith.addi %add3A_1430, %add3A_1423 : i32
        %get3A_1432 = arith.index_cast %add3A_1431 : i32 to index
        %get3A_1433 = tpu.vector_load %arg7[%get3A_1432] {strides = array<i32>} : memref<49152xf32, #tpu.memory_space<vmem>>, vector<16xf32>,
        %sub3A_1434 = arith.subf %get3A_1425, %broadcast_in_dim3A : vector<16xf32>
        %sub3A_1435 = arith.subf %get3A_1429, %broadcast_in_dim3A_93 : vector<16xf32>
        %mul3A_1436 = arith.mulf %sub3A_1434, %broadcast_in_dim3A_108 : vector<16xf32>
        %mul3A_1437 = arith.mulf %sub3A_1435, %broadcast_in_dim3A_111 : vector<16xf32>
        %sub3A_1438 = arith.subf %mul3A_1436, %mul3A_1437 : vector<16xf32>
        %mul3A_1439 = arith.mulf %sub3A_1434, %broadcast_in_dim3A_111 : vector<16xf32>
        %mul3A_1440 = arith.mulf %sub3A_1435, %broadcast_in_dim3A_108 : vector<16xf32>
        %add3A_1441 = arith.addf %mul3A_1439, %mul3A_1440 : vector<16xf32>
        %sub3A_1442 = arith.subf %get3A_1433, %broadcast_in_dim3A_96 : vector<16xf32>
        %abs3A_1443 = math.absf %sub3A_1442 : vector<16xf32>
        %le3A_1444 = arith.cmpf ole, %abs3A_1443, %broadcast_in_dim3A_105 : vector<16xf32>
        %abs3A_1445 = math.absf %sub3A_1438 : vector<16xf32>
        %lt3A_1446 = arith.cmpf olt, %abs3A_1445, %broadcast_in_dim3A_99 : vector<16xf32>
        %and3A_1447 = arith.andi %le3A_1444, %lt3A_1446 : vector<16xi1>
        %abs3A_1448 = math.absf %add3A_1441 : vector<16xf32>
        %lt3A_1449 = arith.cmpf olt, %abs3A_1448, %broadcast_in_dim3A_102 : vector<16xf32>
        %and3A_1450 = arith.andi %and3A_1447, %lt3A_1449 : vector<16xi1>
        %add3A_1451 = arith.constant 480 : i32
        %add3A_1452 = arith.addi %mul3A_582, %add3A_1451 : i32
        %get3A_1453 = arith.index_cast %add3A_1452 : i32 to index
        %get3A_1454 = tpu.vector_load %arg7[%get3A_1453] {strides = array<i32>} : memref<49152xf32, #tpu.memory_space<vmem>>, vector<16xf32>,
        %add3A_1455 = arith.constant 16384 : i32
        %add3A_1456 = arith.addi %add3A_1455, %add3A_1452 : i32
        %get3A_1457 = arith.index_cast %add3A_1456 : i32 to index
        %get3A_1458 = tpu.vector_load %arg7[%get3A_1457] {strides = array<i32>} : memref<49152xf32, #tpu.memory_space<vmem>>, vector<16xf32>,
        %add3A_1459 = arith.constant 32768 : i32
        %add3A_1460 = arith.addi %add3A_1459, %add3A_1452 : i32
        %get3A_1461 = arith.index_cast %add3A_1460 : i32 to index
        %get3A_1462 = tpu.vector_load %arg7[%get3A_1461] {strides = array<i32>} : memref<49152xf32, #tpu.memory_space<vmem>>, vector<16xf32>,
        %sub3A_1463 = arith.subf %get3A_1454, %broadcast_in_dim3A : vector<16xf32>
        %sub3A_1464 = arith.subf %get3A_1458, %broadcast_in_dim3A_93 : vector<16xf32>
        %mul3A_1465 = arith.mulf %sub3A_1463, %broadcast_in_dim3A_108 : vector<16xf32>
        %mul3A_1466 = arith.mulf %sub3A_1464, %broadcast_in_dim3A_111 : vector<16xf32>
        %sub3A_1467 = arith.subf %mul3A_1465, %mul3A_1466 : vector<16xf32>
        %mul3A_1468 = arith.mulf %sub3A_1463, %broadcast_in_dim3A_111 : vector<16xf32>
        %mul3A_1469 = arith.mulf %sub3A_1464, %broadcast_in_dim3A_108 : vector<16xf32>
        %add3A_1470 = arith.addf %mul3A_1468, %mul3A_1469 : vector<16xf32>
        %sub3A_1471 = arith.subf %get3A_1462, %broadcast_in_dim3A_96 : vector<16xf32>
        %abs3A_1472 = math.absf %sub3A_1471 : vector<16xf32>
        %le3A_1473 = arith.cmpf ole, %abs3A_1472, %broadcast_in_dim3A_105 : vector<16xf32>
        %abs3A_1474 = math.absf %sub3A_1467 : vector<16xf32>
        %lt3A_1475 = arith.cmpf olt, %abs3A_1474, %broadcast_in_dim3A_99 : vector<16xf32>
        %and3A_1476 = arith.andi %le3A_1473, %lt3A_1475 : vector<16xi1>
        %abs3A_1477 = math.absf %add3A_1470 : vector<16xf32>
        %lt3A_1478 = arith.cmpf olt, %abs3A_1477, %broadcast_in_dim3A_102 : vector<16xf32>
        %and3A_1479 = arith.andi %and3A_1476, %lt3A_1478 : vector<16xi1>
        %add3A_1480 = arith.constant 496 : i32
        %add3A_1481 = arith.addi %mul3A_582, %add3A_1480 : i32
        %get3A_1482 = arith.index_cast %add3A_1481 : i32 to index
        %get3A_1483 = tpu.vector_load %arg7[%get3A_1482] {strides = array<i32>} : memref<49152xf32, #tpu.memory_space<vmem>>, vector<16xf32>,
        %add3A_1484 = arith.constant 16384 : i32
        %add3A_1485 = arith.addi %add3A_1484, %add3A_1481 : i32
        %get3A_1486 = arith.index_cast %add3A_1485 : i32 to index
        %get3A_1487 = tpu.vector_load %arg7[%get3A_1486] {strides = array<i32>} : memref<49152xf32, #tpu.memory_space<vmem>>, vector<16xf32>,
        %add3A_1488 = arith.constant 32768 : i32
        %add3A_1489 = arith.addi %add3A_1488, %add3A_1481 : i32
        %get3A_1490 = arith.index_cast %add3A_1489 : i32 to index
        %get3A_1491 = tpu.vector_load %arg7[%get3A_1490] {strides = array<i32>} : memref<49152xf32, #tpu.memory_space<vmem>>, vector<16xf32>,
        %sub3A_1492 = arith.subf %get3A_1483, %broadcast_in_dim3A : vector<16xf32>
        %sub3A_1493 = arith.subf %get3A_1487, %broadcast_in_dim3A_93 : vector<16xf32>
        %mul3A_1494 = arith.mulf %sub3A_1492, %broadcast_in_dim3A_108 : vector<16xf32>
        %mul3A_1495 = arith.mulf %sub3A_1493, %broadcast_in_dim3A_111 : vector<16xf32>
        %sub3A_1496 = arith.subf %mul3A_1494, %mul3A_1495 : vector<16xf32>
        %mul3A_1497 = arith.mulf %sub3A_1492, %broadcast_in_dim3A_111 : vector<16xf32>
        %mul3A_1498 = arith.mulf %sub3A_1493, %broadcast_in_dim3A_108 : vector<16xf32>
        %add3A_1499 = arith.addf %mul3A_1497, %mul3A_1498 : vector<16xf32>
        %sub3A_1500 = arith.subf %get3A_1491, %broadcast_in_dim3A_96 : vector<16xf32>
        %abs3A_1501 = math.absf %sub3A_1500 : vector<16xf32>
        %le3A_1502 = arith.cmpf ole, %abs3A_1501, %broadcast_in_dim3A_105 : vector<16xf32>
        %abs3A_1503 = math.absf %sub3A_1496 : vector<16xf32>
        %lt3A_1504 = arith.cmpf olt, %abs3A_1503, %broadcast_in_dim3A_99 : vector<16xf32>
        %and3A_1505 = arith.andi %le3A_1502, %lt3A_1504 : vector<16xi1>
        %abs3A_1506 = math.absf %add3A_1499 : vector<16xf32>
        %lt3A_1507 = arith.cmpf olt, %abs3A_1506, %broadcast_in_dim3A_102 : vector<16xf32>
        %and3A_1508 = arith.andi %and3A_1505, %lt3A_1507 : vector<16xi1>
        %or3A = arith.ori %and3A_609, %and3A_638 : vector<16xi1>
        %or3A_1509 = arith.ori %or3A, %and3A_667 : vector<16xi1>
        %or3A_1510 = arith.ori %or3A_1509, %and3A_696 : vector<16xi1>
        %or3A_1511 = arith.ori %or3A_1510, %and3A_725 : vector<16xi1>
        %or3A_1512 = arith.ori %or3A_1511, %and3A_754 : vector<16xi1>
        %or3A_1513 = arith.ori %or3A_1512, %and3A_783 : vector<16xi1>
        %or3A_1514 = arith.ori %or3A_1513, %and3A_812 : vector<16xi1>
        %or3A_1515 = arith.ori %or3A_1514, %and3A_841 : vector<16xi1>
        %or3A_1516 = arith.ori %or3A_1515, %and3A_870 : vector<16xi1>
        %or3A_1517 = arith.ori %or3A_1516, %and3A_899 : vector<16xi1>
        %or3A_1518 = arith.ori %or3A_1517, %and3A_928 : vector<16xi1>
        %or3A_1519 = arith.ori %or3A_1518, %and3A_957 : vector<16xi1>
        %or3A_1520 = arith.ori %or3A_1519, %and3A_986 : vector<16xi1>
        %or3A_1521 = arith.ori %or3A_1520, %and3A_1015 : vector<16xi1>
        %or3A_1522 = arith.ori %or3A_1521, %and3A_1044 : vector<16xi1>
        %or3A_1523 = arith.ori %or3A_1522, %and3A_1073 : vector<16xi1>
        %or3A_1524 = arith.ori %or3A_1523, %and3A_1102 : vector<16xi1>
        %or3A_1525 = arith.ori %or3A_1524, %and3A_1131 : vector<16xi1>
        %or3A_1526 = arith.ori %or3A_1525, %and3A_1160 : vector<16xi1>
        %or3A_1527 = arith.ori %or3A_1526, %and3A_1189 : vector<16xi1>
        %or3A_1528 = arith.ori %or3A_1527, %and3A_1218 : vector<16xi1>
        %or3A_1529 = arith.ori %or3A_1528, %and3A_1247 : vector<16xi1>
        %or3A_1530 = arith.ori %or3A_1529, %and3A_1276 : vector<16xi1>
        %or3A_1531 = arith.ori %or3A_1530, %and3A_1305 : vector<16xi1>
        %or3A_1532 = arith.ori %or3A_1531, %and3A_1334 : vector<16xi1>
        %or3A_1533 = arith.ori %or3A_1532, %and3A_1363 : vector<16xi1>
        %or3A_1534 = arith.ori %or3A_1533, %and3A_1392 : vector<16xi1>
        %or3A_1535 = arith.ori %or3A_1534, %and3A_1421 : vector<16xi1>
        %or3A_1536 = arith.ori %or3A_1535, %and3A_1450 : vector<16xi1>
        %or3A_1537 = arith.ori %or3A_1536, %and3A_1479 : vector<16xi1>
        %or3A_1538 = arith.ori %or3A_1537, %and3A_1508 : vector<16xi1>
        %all_reduce_population_count3A = tpu.all_reduce %or3A_1538 {dim = 0 : i64, kind = #tpu.reduction_kind<sum>} : vector<16xi1> -> vector<16xi32>
        %slice3A_1539 = vector.extract_strided_slice %all_reduce_population_count3A {offsets = [0], sizes = [1], strides = [1]} : vector<16xi32> to vector<1xi32>
        %squeeze3A_1540 = vector.extract %slice3A_1539[0] : i32 from vector<1xi32>
        %gt3A_1541 = arith.constant 0 : i32
        %gt3A_1542 = arith.cmpi sgt, %squeeze3A_1540, %gt3A_1541 : i32
        %convert_element_type3A_1543 = arith.extui %gt3A_1542 : i1 to i32
        %cond3A_1544 = arith.constant 0 : i32
        %cond3A_1545 = arith.cmpi ne, %convert_element_type3A_1543, %cond3A_1544 : i32
        %cond3A_1546 = scf.if %cond3A_1545 -> (i32) {
          %all_reduce_population_count3A_1547 = tpu.all_reduce %and3A_609 {dim = 0 : i64, kind = #tpu.reduction_kind<sum>} : vector<16xi1> -> vector<16xi32>
          %slice3A_1548 = vector.extract_strided_slice %all_reduce_population_count3A_1547 {offsets = [0], sizes = [1], strides = [1]} : vector<16xi32> to vector<1xi32>
          %squeeze3A_1549 = vector.extract %slice3A_1548[0] : i32 from vector<1xi32>
          %all_reduce_population_count3A_1550 = tpu.all_reduce %and3A_638 {dim = 0 : i64, kind = #tpu.reduction_kind<sum>} : vector<16xi1> -> vector<16xi32>
          %slice3A_1551 = vector.extract_strided_slice %all_reduce_population_count3A_1550 {offsets = [0], sizes = [1], strides = [1]} : vector<16xi32> to vector<1xi32>
          %squeeze3A_1552 = vector.extract %slice3A_1551[0] : i32 from vector<1xi32>
          %all_reduce_population_count3A_1553 = tpu.all_reduce %and3A_667 {dim = 0 : i64, kind = #tpu.reduction_kind<sum>} : vector<16xi1> -> vector<16xi32>
          %slice3A_1554 = vector.extract_strided_slice %all_reduce_population_count3A_1553 {offsets = [0], sizes = [1], strides = [1]} : vector<16xi32> to vector<1xi32>
          %squeeze3A_1555 = vector.extract %slice3A_1554[0] : i32 from vector<1xi32>
          %all_reduce_population_count3A_1556 = tpu.all_reduce %and3A_696 {dim = 0 : i64, kind = #tpu.reduction_kind<sum>} : vector<16xi1> -> vector<16xi32>
          %slice3A_1557 = vector.extract_strided_slice %all_reduce_population_count3A_1556 {offsets = [0], sizes = [1], strides = [1]} : vector<16xi32> to vector<1xi32>
          %squeeze3A_1558 = vector.extract %slice3A_1557[0] : i32 from vector<1xi32>
          %all_reduce_population_count3A_1559 = tpu.all_reduce %and3A_725 {dim = 0 : i64, kind = #tpu.reduction_kind<sum>} : vector<16xi1> -> vector<16xi32>
          %slice3A_1560 = vector.extract_strided_slice %all_reduce_population_count3A_1559 {offsets = [0], sizes = [1], strides = [1]} : vector<16xi32> to vector<1xi32>
          %squeeze3A_1561 = vector.extract %slice3A_1560[0] : i32 from vector<1xi32>
          %all_reduce_population_count3A_1562 = tpu.all_reduce %and3A_754 {dim = 0 : i64, kind = #tpu.reduction_kind<sum>} : vector<16xi1> -> vector<16xi32>
          %slice3A_1563 = vector.extract_strided_slice %all_reduce_population_count3A_1562 {offsets = [0], sizes = [1], strides = [1]} : vector<16xi32> to vector<1xi32>
          %squeeze3A_1564 = vector.extract %slice3A_1563[0] : i32 from vector<1xi32>
          %all_reduce_population_count3A_1565 = tpu.all_reduce %and3A_783 {dim = 0 : i64, kind = #tpu.reduction_kind<sum>} : vector<16xi1> -> vector<16xi32>
          %slice3A_1566 = vector.extract_strided_slice %all_reduce_population_count3A_1565 {offsets = [0], sizes = [1], strides = [1]} : vector<16xi32> to vector<1xi32>
          %squeeze3A_1567 = vector.extract %slice3A_1566[0] : i32 from vector<1xi32>
          %all_reduce_population_count3A_1568 = tpu.all_reduce %and3A_812 {dim = 0 : i64, kind = #tpu.reduction_kind<sum>} : vector<16xi1> -> vector<16xi32>
          %slice3A_1569 = vector.extract_strided_slice %all_reduce_population_count3A_1568 {offsets = [0], sizes = [1], strides = [1]} : vector<16xi32> to vector<1xi32>
          %squeeze3A_1570 = vector.extract %slice3A_1569[0] : i32 from vector<1xi32>
          %all_reduce_population_count3A_1571 = tpu.all_reduce %and3A_841 {dim = 0 : i64, kind = #tpu.reduction_kind<sum>} : vector<16xi1> -> vector<16xi32>
          %slice3A_1572 = vector.extract_strided_slice %all_reduce_population_count3A_1571 {offsets = [0], sizes = [1], strides = [1]} : vector<16xi32> to vector<1xi32>
          %squeeze3A_1573 = vector.extract %slice3A_1572[0] : i32 from vector<1xi32>
          %all_reduce_population_count3A_1574 = tpu.all_reduce %and3A_870 {dim = 0 : i64, kind = #tpu.reduction_kind<sum>} : vector<16xi1> -> vector<16xi32>
          %slice3A_1575 = vector.extract_strided_slice %all_reduce_population_count3A_1574 {offsets = [0], sizes = [1], strides = [1]} : vector<16xi32> to vector<1xi32>
          %squeeze3A_1576 = vector.extract %slice3A_1575[0] : i32 from vector<1xi32>
          %all_reduce_population_count3A_1577 = tpu.all_reduce %and3A_899 {dim = 0 : i64, kind = #tpu.reduction_kind<sum>} : vector<16xi1> -> vector<16xi32>
          %slice3A_1578 = vector.extract_strided_slice %all_reduce_population_count3A_1577 {offsets = [0], sizes = [1], strides = [1]} : vector<16xi32> to vector<1xi32>
          %squeeze3A_1579 = vector.extract %slice3A_1578[0] : i32 from vector<1xi32>
          %all_reduce_population_count3A_1580 = tpu.all_reduce %and3A_928 {dim = 0 : i64, kind = #tpu.reduction_kind<sum>} : vector<16xi1> -> vector<16xi32>
          %slice3A_1581 = vector.extract_strided_slice %all_reduce_population_count3A_1580 {offsets = [0], sizes = [1], strides = [1]} : vector<16xi32> to vector<1xi32>
          %squeeze3A_1582 = vector.extract %slice3A_1581[0] : i32 from vector<1xi32>
          %all_reduce_population_count3A_1583 = tpu.all_reduce %and3A_957 {dim = 0 : i64, kind = #tpu.reduction_kind<sum>} : vector<16xi1> -> vector<16xi32>
          %slice3A_1584 = vector.extract_strided_slice %all_reduce_population_count3A_1583 {offsets = [0], sizes = [1], strides = [1]} : vector<16xi32> to vector<1xi32>
          %squeeze3A_1585 = vector.extract %slice3A_1584[0] : i32 from vector<1xi32>
          %all_reduce_population_count3A_1586 = tpu.all_reduce %and3A_986 {dim = 0 : i64, kind = #tpu.reduction_kind<sum>} : vector<16xi1> -> vector<16xi32>
          %slice3A_1587 = vector.extract_strided_slice %all_reduce_population_count3A_1586 {offsets = [0], sizes = [1], strides = [1]} : vector<16xi32> to vector<1xi32>
          %squeeze3A_1588 = vector.extract %slice3A_1587[0] : i32 from vector<1xi32>
          %all_reduce_population_count3A_1589 = tpu.all_reduce %and3A_1015 {dim = 0 : i64, kind = #tpu.reduction_kind<sum>} : vector<16xi1> -> vector<16xi32>
          %slice3A_1590 = vector.extract_strided_slice %all_reduce_population_count3A_1589 {offsets = [0], sizes = [1], strides = [1]} : vector<16xi32> to vector<1xi32>
          %squeeze3A_1591 = vector.extract %slice3A_1590[0] : i32 from vector<1xi32>
          %all_reduce_population_count3A_1592 = tpu.all_reduce %and3A_1044 {dim = 0 : i64, kind = #tpu.reduction_kind<sum>} : vector<16xi1> -> vector<16xi32>
          %slice3A_1593 = vector.extract_strided_slice %all_reduce_population_count3A_1592 {offsets = [0], sizes = [1], strides = [1]} : vector<16xi32> to vector<1xi32>
          %squeeze3A_1594 = vector.extract %slice3A_1593[0] : i32 from vector<1xi32>
          %all_reduce_population_count3A_1595 = tpu.all_reduce %and3A_1073 {dim = 0 : i64, kind = #tpu.reduction_kind<sum>} : vector<16xi1> -> vector<16xi32>
          %slice3A_1596 = vector.extract_strided_slice %all_reduce_population_count3A_1595 {offsets = [0], sizes = [1], strides = [1]} : vector<16xi32> to vector<1xi32>
          %squeeze3A_1597 = vector.extract %slice3A_1596[0] : i32 from vector<1xi32>
          %all_reduce_population_count3A_1598 = tpu.all_reduce %and3A_1102 {dim = 0 : i64, kind = #tpu.reduction_kind<sum>} : vector<16xi1> -> vector<16xi32>
          %slice3A_1599 = vector.extract_strided_slice %all_reduce_population_count3A_1598 {offsets = [0], sizes = [1], strides = [1]} : vector<16xi32> to vector<1xi32>
          %squeeze3A_1600 = vector.extract %slice3A_1599[0] : i32 from vector<1xi32>
          %all_reduce_population_count3A_1601 = tpu.all_reduce %and3A_1131 {dim = 0 : i64, kind = #tpu.reduction_kind<sum>} : vector<16xi1> -> vector<16xi32>
          %slice3A_1602 = vector.extract_strided_slice %all_reduce_population_count3A_1601 {offsets = [0], sizes = [1], strides = [1]} : vector<16xi32> to vector<1xi32>
          %squeeze3A_1603 = vector.extract %slice3A_1602[0] : i32 from vector<1xi32>
          %all_reduce_population_count3A_1604 = tpu.all_reduce %and3A_1160 {dim = 0 : i64, kind = #tpu.reduction_kind<sum>} : vector<16xi1> -> vector<16xi32>
          %slice3A_1605 = vector.extract_strided_slice %all_reduce_population_count3A_1604 {offsets = [0], sizes = [1], strides = [1]} : vector<16xi32> to vector<1xi32>
          %squeeze3A_1606 = vector.extract %slice3A_1605[0] : i32 from vector<1xi32>
          %all_reduce_population_count3A_1607 = tpu.all_reduce %and3A_1189 {dim = 0 : i64, kind = #tpu.reduction_kind<sum>} : vector<16xi1> -> vector<16xi32>
          %slice3A_1608 = vector.extract_strided_slice %all_reduce_population_count3A_1607 {offsets = [0], sizes = [1], strides = [1]} : vector<16xi32> to vector<1xi32>
          %squeeze3A_1609 = vector.extract %slice3A_1608[0] : i32 from vector<1xi32>
          %all_reduce_population_count3A_1610 = tpu.all_reduce %and3A_1218 {dim = 0 : i64, kind = #tpu.reduction_kind<sum>} : vector<16xi1> -> vector<16xi32>
          %slice3A_1611 = vector.extract_strided_slice %all_reduce_population_count3A_1610 {offsets = [0], sizes = [1], strides = [1]} : vector<16xi32> to vector<1xi32>
          %squeeze3A_1612 = vector.extract %slice3A_1611[0] : i32 from vector<1xi32>
          %all_reduce_population_count3A_1613 = tpu.all_reduce %and3A_1247 {dim = 0 : i64, kind = #tpu.reduction_kind<sum>} : vector<16xi1> -> vector<16xi32>
          %slice3A_1614 = vector.extract_strided_slice %all_reduce_population_count3A_1613 {offsets = [0], sizes = [1], strides = [1]} : vector<16xi32> to vector<1xi32>
          %squeeze3A_1615 = vector.extract %slice3A_1614[0] : i32 from vector<1xi32>
          %all_reduce_population_count3A_1616 = tpu.all_reduce %and3A_1276 {dim = 0 : i64, kind = #tpu.reduction_kind<sum>} : vector<16xi1> -> vector<16xi32>
          %slice3A_1617 = vector.extract_strided_slice %all_reduce_population_count3A_1616 {offsets = [0], sizes = [1], strides = [1]} : vector<16xi32> to vector<1xi32>
          %squeeze3A_1618 = vector.extract %slice3A_1617[0] : i32 from vector<1xi32>
          %all_reduce_population_count3A_1619 = tpu.all_reduce %and3A_1305 {dim = 0 : i64, kind = #tpu.reduction_kind<sum>} : vector<16xi1> -> vector<16xi32>
          %slice3A_1620 = vector.extract_strided_slice %all_reduce_population_count3A_1619 {offsets = [0], sizes = [1], strides = [1]} : vector<16xi32> to vector<1xi32>
          %squeeze3A_1621 = vector.extract %slice3A_1620[0] : i32 from vector<1xi32>
          %all_reduce_population_count3A_1622 = tpu.all_reduce %and3A_1334 {dim = 0 : i64, kind = #tpu.reduction_kind<sum>} : vector<16xi1> -> vector<16xi32>
          %slice3A_1623 = vector.extract_strided_slice %all_reduce_population_count3A_1622 {offsets = [0], sizes = [1], strides = [1]} : vector<16xi32> to vector<1xi32>
          %squeeze3A_1624 = vector.extract %slice3A_1623[0] : i32 from vector<1xi32>
          %all_reduce_population_count3A_1625 = tpu.all_reduce %and3A_1363 {dim = 0 : i64, kind = #tpu.reduction_kind<sum>} : vector<16xi1> -> vector<16xi32>
          %slice3A_1626 = vector.extract_strided_slice %all_reduce_population_count3A_1625 {offsets = [0], sizes = [1], strides = [1]} : vector<16xi32> to vector<1xi32>
          %squeeze3A_1627 = vector.extract %slice3A_1626[0] : i32 from vector<1xi32>
          %all_reduce_population_count3A_1628 = tpu.all_reduce %and3A_1392 {dim = 0 : i64, kind = #tpu.reduction_kind<sum>} : vector<16xi1> -> vector<16xi32>
          %slice3A_1629 = vector.extract_strided_slice %all_reduce_population_count3A_1628 {offsets = [0], sizes = [1], strides = [1]} : vector<16xi32> to vector<1xi32>
          %squeeze3A_1630 = vector.extract %slice3A_1629[0] : i32 from vector<1xi32>
          %all_reduce_population_count3A_1631 = tpu.all_reduce %and3A_1421 {dim = 0 : i64, kind = #tpu.reduction_kind<sum>} : vector<16xi1> -> vector<16xi32>
          %slice3A_1632 = vector.extract_strided_slice %all_reduce_population_count3A_1631 {offsets = [0], sizes = [1], strides = [1]} : vector<16xi32> to vector<1xi32>
          %squeeze3A_1633 = vector.extract %slice3A_1632[0] : i32 from vector<1xi32>
          %all_reduce_population_count3A_1634 = tpu.all_reduce %and3A_1450 {dim = 0 : i64, kind = #tpu.reduction_kind<sum>} : vector<16xi1> -> vector<16xi32>
          %slice3A_1635 = vector.extract_strided_slice %all_reduce_population_count3A_1634 {offsets = [0], sizes = [1], strides = [1]} : vector<16xi32> to vector<1xi32>
          %squeeze3A_1636 = vector.extract %slice3A_1635[0] : i32 from vector<1xi32>
          %all_reduce_population_count3A_1637 = tpu.all_reduce %and3A_1479 {dim = 0 : i64, kind = #tpu.reduction_kind<sum>} : vector<16xi1> -> vector<16xi32>
          %slice3A_1638 = vector.extract_strided_slice %all_reduce_population_count3A_1637 {offsets = [0], sizes = [1], strides = [1]} : vector<16xi32> to vector<1xi32>
          %squeeze3A_1639 = vector.extract %slice3A_1638[0] : i32 from vector<1xi32>
          %all_reduce_population_count3A_1640 = tpu.all_reduce %and3A_1508 {dim = 0 : i64, kind = #tpu.reduction_kind<sum>} : vector<16xi1> -> vector<16xi32>
          %slice3A_1641 = vector.extract_strided_slice %all_reduce_population_count3A_1640 {offsets = [0], sizes = [1], strides = [1]} : vector<16xi32> to vector<1xi32>
          %squeeze3A_1642 = vector.extract %slice3A_1641[0] : i32 from vector<1xi32>
          %add3A_1643 = arith.addi %scan3A_580, %squeeze3A_1549 : i32
          %add3A_1644 = arith.addi %add3A_1643, %squeeze3A_1552 : i32
          %add3A_1645 = arith.addi %add3A_1644, %squeeze3A_1555 : i32
          %add3A_1646 = arith.addi %add3A_1645, %squeeze3A_1558 : i32
          %add3A_1647 = arith.addi %add3A_1646, %squeeze3A_1561 : i32
          %add3A_1648 = arith.addi %add3A_1647, %squeeze3A_1564 : i32
          %add3A_1649 = arith.addi %add3A_1648, %squeeze3A_1567 : i32
          %add3A_1650 = arith.addi %add3A_1649, %squeeze3A_1570 : i32
          %add3A_1651 = arith.addi %add3A_1650, %squeeze3A_1573 : i32
          %add3A_1652 = arith.addi %add3A_1651, %squeeze3A_1576 : i32
          %add3A_1653 = arith.addi %add3A_1652, %squeeze3A_1579 : i32
          %add3A_1654 = arith.addi %add3A_1653, %squeeze3A_1582 : i32
          %add3A_1655 = arith.addi %add3A_1654, %squeeze3A_1585 : i32
          %add3A_1656 = arith.addi %add3A_1655, %squeeze3A_1588 : i32
          %add3A_1657 = arith.addi %add3A_1656, %squeeze3A_1591 : i32
          %add3A_1658 = arith.addi %add3A_1657, %squeeze3A_1594 : i32
          %add3A_1659 = arith.addi %add3A_1658, %squeeze3A_1597 : i32
          %add3A_1660 = arith.addi %add3A_1659, %squeeze3A_1600 : i32
          %add3A_1661 = arith.addi %add3A_1660, %squeeze3A_1603 : i32
          %add3A_1662 = arith.addi %add3A_1661, %squeeze3A_1606 : i32
          %add3A_1663 = arith.addi %add3A_1662, %squeeze3A_1609 : i32
          %add3A_1664 = arith.addi %add3A_1663, %squeeze3A_1612 : i32
          %add3A_1665 = arith.addi %add3A_1664, %squeeze3A_1615 : i32
          %add3A_1666 = arith.addi %add3A_1665, %squeeze3A_1618 : i32
          %add3A_1667 = arith.addi %add3A_1666, %squeeze3A_1621 : i32
          %add3A_1668 = arith.addi %add3A_1667, %squeeze3A_1624 : i32
          %add3A_1669 = arith.addi %add3A_1668, %squeeze3A_1627 : i32
          %add3A_1670 = arith.addi %add3A_1669, %squeeze3A_1630 : i32
          %add3A_1671 = arith.addi %add3A_1670, %squeeze3A_1633 : i32
          %add3A_1672 = arith.addi %add3A_1671, %squeeze3A_1636 : i32
          %add3A_1673 = arith.addi %add3A_1672, %squeeze3A_1639 : i32
          %add3A_1674 = arith.addi %add3A_1673, %squeeze3A_1642 : i32
          %iota3A_1675 = tpu.iota {dimensions = array<i32: 0>} : vector<16xi32>
          %add3A_1676 = arith.constant 0 : i32
          %add3A_1677 = arith.addi %mul3A_582, %add3A_1676 : i32
          %add3A_1678 = vector.broadcast %add3A_1677 : i32 to vector<16xi32>
          %add3A_1679 = arith.addi %iota3A_1675, %add3A_1678 : vector<16xi32>
          %min3A_1680 = arith.constant 512 : i32
          %min3A_1681 = arith.minsi %scan3A_580, %min3A_1680 : i32
          %swap3A_1682 = arith.index_cast %min3A_1681 : i32 to index
          %swap3A_1683 = tpu.vector_load %arg9[%swap3A_1682] masked %and3A_609 {strides = array<i32>} : memref<544xi32, #tpu.memory_space<vmem>>, vector<16xi32>, vector<16xi1>
          tpu.vector_store %arg9[%swap3A_1682], %add3A_1679 masked %and3A_609 {strides = array<i32>} : memref<544xi32, #tpu.memory_space<vmem>>, vector<16xi32>, vector<16xi1>
          %iota3A_1684 = tpu.iota {dimensions = array<i32: 0>} : vector<16xi32>
          %add3A_1685 = arith.constant 16 : i32
          %add3A_1686 = arith.addi %mul3A_582, %add3A_1685 : i32
          %add3A_1687 = vector.broadcast %add3A_1686 : i32 to vector<16xi32>
          %add3A_1688 = arith.addi %iota3A_1684, %add3A_1687 : vector<16xi32>
          %min3A_1689 = arith.constant 512 : i32
          %min3A_1690 = arith.minsi %add3A_1643, %min3A_1689 : i32
          %swap3A_1691 = arith.index_cast %min3A_1690 : i32 to index
          %swap3A_1692 = tpu.vector_load %arg9[%swap3A_1691] masked %and3A_638 {strides = array<i32>} : memref<544xi32, #tpu.memory_space<vmem>>, vector<16xi32>, vector<16xi1>
          tpu.vector_store %arg9[%swap3A_1691], %add3A_1688 masked %and3A_638 {strides = array<i32>} : memref<544xi32, #tpu.memory_space<vmem>>, vector<16xi32>, vector<16xi1>
          %iota3A_1693 = tpu.iota {dimensions = array<i32: 0>} : vector<16xi32>
          %add3A_1694 = arith.constant 32 : i32
          %add3A_1695 = arith.addi %mul3A_582, %add3A_1694 : i32
          %add3A_1696 = vector.broadcast %add3A_1695 : i32 to vector<16xi32>
          %add3A_1697 = arith.addi %iota3A_1693, %add3A_1696 : vector<16xi32>
          %min3A_1698 = arith.constant 512 : i32
          %min3A_1699 = arith.minsi %add3A_1644, %min3A_1698 : i32
          %swap3A_1700 = arith.index_cast %min3A_1699 : i32 to index
          %swap3A_1701 = tpu.vector_load %arg9[%swap3A_1700] masked %and3A_667 {strides = array<i32>} : memref<544xi32, #tpu.memory_space<vmem>>, vector<16xi32>, vector<16xi1>
          tpu.vector_store %arg9[%swap3A_1700], %add3A_1697 masked %and3A_667 {strides = array<i32>} : memref<544xi32, #tpu.memory_space<vmem>>, vector<16xi32>, vector<16xi1>
          %iota3A_1702 = tpu.iota {dimensions = array<i32: 0>} : vector<16xi32>
          %add3A_1703 = arith.constant 48 : i32
          %add3A_1704 = arith.addi %mul3A_582, %add3A_1703 : i32
          %add3A_1705 = vector.broadcast %add3A_1704 : i32 to vector<16xi32>
          %add3A_1706 = arith.addi %iota3A_1702, %add3A_1705 : vector<16xi32>
          %min3A_1707 = arith.constant 512 : i32
          %min3A_1708 = arith.minsi %add3A_1645, %min3A_1707 : i32
          %swap3A_1709 = arith.index_cast %min3A_1708 : i32 to index
          %swap3A_1710 = tpu.vector_load %arg9[%swap3A_1709] masked %and3A_696 {strides = array<i32>} : memref<544xi32, #tpu.memory_space<vmem>>, vector<16xi32>, vector<16xi1>
          tpu.vector_store %arg9[%swap3A_1709], %add3A_1706 masked %and3A_696 {strides = array<i32>} : memref<544xi32, #tpu.memory_space<vmem>>, vector<16xi32>, vector<16xi1>
          %iota3A_1711 = tpu.iota {dimensions = array<i32: 0>} : vector<16xi32>
          %add3A_1712 = arith.constant 64 : i32
          %add3A_1713 = arith.addi %mul3A_582, %add3A_1712 : i32
          %add3A_1714 = vector.broadcast %add3A_1713 : i32 to vector<16xi32>
          %add3A_1715 = arith.addi %iota3A_1711, %add3A_1714 : vector<16xi32>
          %min3A_1716 = arith.constant 512 : i32
          %min3A_1717 = arith.minsi %add3A_1646, %min3A_1716 : i32
          %swap3A_1718 = arith.index_cast %min3A_1717 : i32 to index
          %swap3A_1719 = tpu.vector_load %arg9[%swap3A_1718] masked %and3A_725 {strides = array<i32>} : memref<544xi32, #tpu.memory_space<vmem>>, vector<16xi32>, vector<16xi1>
          tpu.vector_store %arg9[%swap3A_1718], %add3A_1715 masked %and3A_725 {strides = array<i32>} : memref<544xi32, #tpu.memory_space<vmem>>, vector<16xi32>, vector<16xi1>
          %iota3A_1720 = tpu.iota {dimensions = array<i32: 0>} : vector<16xi32>
          %add3A_1721 = arith.constant 80 : i32
          %add3A_1722 = arith.addi %mul3A_582, %add3A_1721 : i32
          %add3A_1723 = vector.broadcast %add3A_1722 : i32 to vector<16xi32>
          %add3A_1724 = arith.addi %iota3A_1720, %add3A_1723 : vector<16xi32>
          %min3A_1725 = arith.constant 512 : i32
          %min3A_1726 = arith.minsi %add3A_1647, %min3A_1725 : i32
          %swap3A_1727 = arith.index_cast %min3A_1726 : i32 to index
          %swap3A_1728 = tpu.vector_load %arg9[%swap3A_1727] masked %and3A_754 {strides = array<i32>} : memref<544xi32, #tpu.memory_space<vmem>>, vector<16xi32>, vector<16xi1>
          tpu.vector_store %arg9[%swap3A_1727], %add3A_1724 masked %and3A_754 {strides = array<i32>} : memref<544xi32, #tpu.memory_space<vmem>>, vector<16xi32>, vector<16xi1>
          %iota3A_1729 = tpu.iota {dimensions = array<i32: 0>} : vector<16xi32>
          %add3A_1730 = arith.constant 96 : i32
          %add3A_1731 = arith.addi %mul3A_582, %add3A_1730 : i32
          %add3A_1732 = vector.broadcast %add3A_1731 : i32 to vector<16xi32>
          %add3A_1733 = arith.addi %iota3A_1729, %add3A_1732 : vector<16xi32>
          %min3A_1734 = arith.constant 512 : i32
          %min3A_1735 = arith.minsi %add3A_1648, %min3A_1734 : i32
          %swap3A_1736 = arith.index_cast %min3A_1735 : i32 to index
          %swap3A_1737 = tpu.vector_load %arg9[%swap3A_1736] masked %and3A_783 {strides = array<i32>} : memref<544xi32, #tpu.memory_space<vmem>>, vector<16xi32>, vector<16xi1>
          tpu.vector_store %arg9[%swap3A_1736], %add3A_1733 masked %and3A_783 {strides = array<i32>} : memref<544xi32, #tpu.memory_space<vmem>>, vector<16xi32>, vector<16xi1>
          %iota3A_1738 = tpu.iota {dimensions = array<i32: 0>} : vector<16xi32>
          %add3A_1739 = arith.constant 112 : i32
          %add3A_1740 = arith.addi %mul3A_582, %add3A_1739 : i32
          %add3A_1741 = vector.broadcast %add3A_1740 : i32 to vector<16xi32>
          %add3A_1742 = arith.addi %iota3A_1738, %add3A_1741 : vector<16xi32>
          %min3A_1743 = arith.constant 512 : i32
          %min3A_1744 = arith.minsi %add3A_1649, %min3A_1743 : i32
          %swap3A_1745 = arith.index_cast %min3A_1744 : i32 to index
          %swap3A_1746 = tpu.vector_load %arg9[%swap3A_1745] masked %and3A_812 {strides = array<i32>} : memref<544xi32, #tpu.memory_space<vmem>>, vector<16xi32>, vector<16xi1>
          tpu.vector_store %arg9[%swap3A_1745], %add3A_1742 masked %and3A_812 {strides = array<i32>} : memref<544xi32, #tpu.memory_space<vmem>>, vector<16xi32>, vector<16xi1>
          %iota3A_1747 = tpu.iota {dimensions = array<i32: 0>} : vector<16xi32>
          %add3A_1748 = arith.constant 128 : i32
          %add3A_1749 = arith.addi %mul3A_582, %add3A_1748 : i32
          %add3A_1750 = vector.broadcast %add3A_1749 : i32 to vector<16xi32>
          %add3A_1751 = arith.addi %iota3A_1747, %add3A_1750 : vector<16xi32>
          %min3A_1752 = arith.constant 512 : i32
          %min3A_1753 = arith.minsi %add3A_1650, %min3A_1752 : i32
          %swap3A_1754 = arith.index_cast %min3A_1753 : i32 to index
          %swap3A_1755 = tpu.vector_load %arg9[%swap3A_1754] masked %and3A_841 {strides = array<i32>} : memref<544xi32, #tpu.memory_space<vmem>>, vector<16xi32>, vector<16xi1>
          tpu.vector_store %arg9[%swap3A_1754], %add3A_1751 masked %and3A_841 {strides = array<i32>} : memref<544xi32, #tpu.memory_space<vmem>>, vector<16xi32>, vector<16xi1>
          %iota3A_1756 = tpu.iota {dimensions = array<i32: 0>} : vector<16xi32>
          %add3A_1757 = arith.constant 144 : i32
          %add3A_1758 = arith.addi %mul3A_582, %add3A_1757 : i32
          %add3A_1759 = vector.broadcast %add3A_1758 : i32 to vector<16xi32>
          %add3A_1760 = arith.addi %iota3A_1756, %add3A_1759 : vector<16xi32>
          %min3A_1761 = arith.constant 512 : i32
          %min3A_1762 = arith.minsi %add3A_1651, %min3A_1761 : i32
          %swap3A_1763 = arith.index_cast %min3A_1762 : i32 to index
          %swap3A_1764 = tpu.vector_load %arg9[%swap3A_1763] masked %and3A_870 {strides = array<i32>} : memref<544xi32, #tpu.memory_space<vmem>>, vector<16xi32>, vector<16xi1>
          tpu.vector_store %arg9[%swap3A_1763], %add3A_1760 masked %and3A_870 {strides = array<i32>} : memref<544xi32, #tpu.memory_space<vmem>>, vector<16xi32>, vector<16xi1>
          %iota3A_1765 = tpu.iota {dimensions = array<i32: 0>} : vector<16xi32>
          %add3A_1766 = arith.constant 160 : i32
          %add3A_1767 = arith.addi %mul3A_582, %add3A_1766 : i32
          %add3A_1768 = vector.broadcast %add3A_1767 : i32 to vector<16xi32>
          %add3A_1769 = arith.addi %iota3A_1765, %add3A_1768 : vector<16xi32>
          %min3A_1770 = arith.constant 512 : i32
          %min3A_1771 = arith.minsi %add3A_1652, %min3A_1770 : i32
          %swap3A_1772 = arith.index_cast %min3A_1771 : i32 to index
          %swap3A_1773 = tpu.vector_load %arg9[%swap3A_1772] masked %and3A_899 {strides = array<i32>} : memref<544xi32, #tpu.memory_space<vmem>>, vector<16xi32>, vector<16xi1>
          tpu.vector_store %arg9[%swap3A_1772], %add3A_1769 masked %and3A_899 {strides = array<i32>} : memref<544xi32, #tpu.memory_space<vmem>>, vector<16xi32>, vector<16xi1>
          %iota3A_1774 = tpu.iota {dimensions = array<i32: 0>} : vector<16xi32>
          %add3A_1775 = arith.constant 176 : i32
          %add3A_1776 = arith.addi %mul3A_582, %add3A_1775 : i32
          %add3A_1777 = vector.broadcast %add3A_1776 : i32 to vector<16xi32>
          %add3A_1778 = arith.addi %iota3A_1774, %add3A_1777 : vector<16xi32>
          %min3A_1779 = arith.constant 512 : i32
          %min3A_1780 = arith.minsi %add3A_1653, %min3A_1779 : i32
          %swap3A_1781 = arith.index_cast %min3A_1780 : i32 to index
          %swap3A_1782 = tpu.vector_load %arg9[%swap3A_1781] masked %and3A_928 {strides = array<i32>} : memref<544xi32, #tpu.memory_space<vmem>>, vector<16xi32>, vector<16xi1>
          tpu.vector_store %arg9[%swap3A_1781], %add3A_1778 masked %and3A_928 {strides = array<i32>} : memref<544xi32, #tpu.memory_space<vmem>>, vector<16xi32>, vector<16xi1>
          %iota3A_1783 = tpu.iota {dimensions = array<i32: 0>} : vector<16xi32>
          %add3A_1784 = arith.constant 192 : i32
          %add3A_1785 = arith.addi %mul3A_582, %add3A_1784 : i32
          %add3A_1786 = vector.broadcast %add3A_1785 : i32 to vector<16xi32>
          %add3A_1787 = arith.addi %iota3A_1783, %add3A_1786 : vector<16xi32>
          %min3A_1788 = arith.constant 512 : i32
          %min3A_1789 = arith.minsi %add3A_1654, %min3A_1788 : i32
          %swap3A_1790 = arith.index_cast %min3A_1789 : i32 to index
          %swap3A_1791 = tpu.vector_load %arg9[%swap3A_1790] masked %and3A_957 {strides = array<i32>} : memref<544xi32, #tpu.memory_space<vmem>>, vector<16xi32>, vector<16xi1>
          tpu.vector_store %arg9[%swap3A_1790], %add3A_1787 masked %and3A_957 {strides = array<i32>} : memref<544xi32, #tpu.memory_space<vmem>>, vector<16xi32>, vector<16xi1>
          %iota3A_1792 = tpu.iota {dimensions = array<i32: 0>} : vector<16xi32>
          %add3A_1793 = arith.constant 208 : i32
          %add3A_1794 = arith.addi %mul3A_582, %add3A_1793 : i32
          %add3A_1795 = vector.broadcast %add3A_1794 : i32 to vector<16xi32>
          %add3A_1796 = arith.addi %iota3A_1792, %add3A_1795 : vector<16xi32>
          %min3A_1797 = arith.constant 512 : i32
          %min3A_1798 = arith.minsi %add3A_1655, %min3A_1797 : i32
          %swap3A_1799 = arith.index_cast %min3A_1798 : i32 to index
          %swap3A_1800 = tpu.vector_load %arg9[%swap3A_1799] masked %and3A_986 {strides = array<i32>} : memref<544xi32, #tpu.memory_space<vmem>>, vector<16xi32>, vector<16xi1>
          tpu.vector_store %arg9[%swap3A_1799], %add3A_1796 masked %and3A_986 {strides = array<i32>} : memref<544xi32, #tpu.memory_space<vmem>>, vector<16xi32>, vector<16xi1>
          %iota3A_1801 = tpu.iota {dimensions = array<i32: 0>} : vector<16xi32>
          %add3A_1802 = arith.constant 224 : i32
          %add3A_1803 = arith.addi %mul3A_582, %add3A_1802 : i32
          %add3A_1804 = vector.broadcast %add3A_1803 : i32 to vector<16xi32>
          %add3A_1805 = arith.addi %iota3A_1801, %add3A_1804 : vector<16xi32>
          %min3A_1806 = arith.constant 512 : i32
          %min3A_1807 = arith.minsi %add3A_1656, %min3A_1806 : i32
          %swap3A_1808 = arith.index_cast %min3A_1807 : i32 to index
          %swap3A_1809 = tpu.vector_load %arg9[%swap3A_1808] masked %and3A_1015 {strides = array<i32>} : memref<544xi32, #tpu.memory_space<vmem>>, vector<16xi32>, vector<16xi1>
          tpu.vector_store %arg9[%swap3A_1808], %add3A_1805 masked %and3A_1015 {strides = array<i32>} : memref<544xi32, #tpu.memory_space<vmem>>, vector<16xi32>, vector<16xi1>
          %iota3A_1810 = tpu.iota {dimensions = array<i32: 0>} : vector<16xi32>
          %add3A_1811 = arith.constant 240 : i32
          %add3A_1812 = arith.addi %mul3A_582, %add3A_1811 : i32
          %add3A_1813 = vector.broadcast %add3A_1812 : i32 to vector<16xi32>
          %add3A_1814 = arith.addi %iota3A_1810, %add3A_1813 : vector<16xi32>
          %min3A_1815 = arith.constant 512 : i32
          %min3A_1816 = arith.minsi %add3A_1657, %min3A_1815 : i32
          %swap3A_1817 = arith.index_cast %min3A_1816 : i32 to index
          %swap3A_1818 = tpu.vector_load %arg9[%swap3A_1817] masked %and3A_1044 {strides = array<i32>} : memref<544xi32, #tpu.memory_space<vmem>>, vector<16xi32>, vector<16xi1>
          tpu.vector_store %arg9[%swap3A_1817], %add3A_1814 masked %and3A_1044 {strides = array<i32>} : memref<544xi32, #tpu.memory_space<vmem>>, vector<16xi32>, vector<16xi1>
          %iota3A_1819 = tpu.iota {dimensions = array<i32: 0>} : vector<16xi32>
          %add3A_1820 = arith.constant 256 : i32
          %add3A_1821 = arith.addi %mul3A_582, %add3A_1820 : i32
          %add3A_1822 = vector.broadcast %add3A_1821 : i32 to vector<16xi32>
          %add3A_1823 = arith.addi %iota3A_1819, %add3A_1822 : vector<16xi32>
          %min3A_1824 = arith.constant 512 : i32
          %min3A_1825 = arith.minsi %add3A_1658, %min3A_1824 : i32
          %swap3A_1826 = arith.index_cast %min3A_1825 : i32 to index
          %swap3A_1827 = tpu.vector_load %arg9[%swap3A_1826] masked %and3A_1073 {strides = array<i32>} : memref<544xi32, #tpu.memory_space<vmem>>, vector<16xi32>, vector<16xi1>
          tpu.vector_store %arg9[%swap3A_1826], %add3A_1823 masked %and3A_1073 {strides = array<i32>} : memref<544xi32, #tpu.memory_space<vmem>>, vector<16xi32>, vector<16xi1>
          %iota3A_1828 = tpu.iota {dimensions = array<i32: 0>} : vector<16xi32>
          %add3A_1829 = arith.constant 272 : i32
          %add3A_1830 = arith.addi %mul3A_582, %add3A_1829 : i32
          %add3A_1831 = vector.broadcast %add3A_1830 : i32 to vector<16xi32>
          %add3A_1832 = arith.addi %iota3A_1828, %add3A_1831 : vector<16xi32>
          %min3A_1833 = arith.constant 512 : i32
          %min3A_1834 = arith.minsi %add3A_1659, %min3A_1833 : i32
          %swap3A_1835 = arith.index_cast %min3A_1834 : i32 to index
          %swap3A_1836 = tpu.vector_load %arg9[%swap3A_1835] masked %and3A_1102 {strides = array<i32>} : memref<544xi32, #tpu.memory_space<vmem>>, vector<16xi32>, vector<16xi1>
          tpu.vector_store %arg9[%swap3A_1835], %add3A_1832 masked %and3A_1102 {strides = array<i32>} : memref<544xi32, #tpu.memory_space<vmem>>, vector<16xi32>, vector<16xi1>
          %iota3A_1837 = tpu.iota {dimensions = array<i32: 0>} : vector<16xi32>
          %add3A_1838 = arith.constant 288 : i32
          %add3A_1839 = arith.addi %mul3A_582, %add3A_1838 : i32
          %add3A_1840 = vector.broadcast %add3A_1839 : i32 to vector<16xi32>
          %add3A_1841 = arith.addi %iota3A_1837, %add3A_1840 : vector<16xi32>
          %min3A_1842 = arith.constant 512 : i32
          %min3A_1843 = arith.minsi %add3A_1660, %min3A_1842 : i32
          %swap3A_1844 = arith.index_cast %min3A_1843 : i32 to index
          %swap3A_1845 = tpu.vector_load %arg9[%swap3A_1844] masked %and3A_1131 {strides = array<i32>} : memref<544xi32, #tpu.memory_space<vmem>>, vector<16xi32>, vector<16xi1>
          tpu.vector_store %arg9[%swap3A_1844], %add3A_1841 masked %and3A_1131 {strides = array<i32>} : memref<544xi32, #tpu.memory_space<vmem>>, vector<16xi32>, vector<16xi1>
          %iota3A_1846 = tpu.iota {dimensions = array<i32: 0>} : vector<16xi32>
          %add3A_1847 = arith.constant 304 : i32
          %add3A_1848 = arith.addi %mul3A_582, %add3A_1847 : i32
          %add3A_1849 = vector.broadcast %add3A_1848 : i32 to vector<16xi32>
          %add3A_1850 = arith.addi %iota3A_1846, %add3A_1849 : vector<16xi32>
          %min3A_1851 = arith.constant 512 : i32
          %min3A_1852 = arith.minsi %add3A_1661, %min3A_1851 : i32
          %swap3A_1853 = arith.index_cast %min3A_1852 : i32 to index
          %swap3A_1854 = tpu.vector_load %arg9[%swap3A_1853] masked %and3A_1160 {strides = array<i32>} : memref<544xi32, #tpu.memory_space<vmem>>, vector<16xi32>, vector<16xi1>
          tpu.vector_store %arg9[%swap3A_1853], %add3A_1850 masked %and3A_1160 {strides = array<i32>} : memref<544xi32, #tpu.memory_space<vmem>>, vector<16xi32>, vector<16xi1>
          %iota3A_1855 = tpu.iota {dimensions = array<i32: 0>} : vector<16xi32>
          %add3A_1856 = arith.constant 320 : i32
          %add3A_1857 = arith.addi %mul3A_582, %add3A_1856 : i32
          %add3A_1858 = vector.broadcast %add3A_1857 : i32 to vector<16xi32>
          %add3A_1859 = arith.addi %iota3A_1855, %add3A_1858 : vector<16xi32>
          %min3A_1860 = arith.constant 512 : i32
          %min3A_1861 = arith.minsi %add3A_1662, %min3A_1860 : i32
          %swap3A_1862 = arith.index_cast %min3A_1861 : i32 to index
          %swap3A_1863 = tpu.vector_load %arg9[%swap3A_1862] masked %and3A_1189 {strides = array<i32>} : memref<544xi32, #tpu.memory_space<vmem>>, vector<16xi32>, vector<16xi1>
          tpu.vector_store %arg9[%swap3A_1862], %add3A_1859 masked %and3A_1189 {strides = array<i32>} : memref<544xi32, #tpu.memory_space<vmem>>, vector<16xi32>, vector<16xi1>
          %iota3A_1864 = tpu.iota {dimensions = array<i32: 0>} : vector<16xi32>
          %add3A_1865 = arith.constant 336 : i32
          %add3A_1866 = arith.addi %mul3A_582, %add3A_1865 : i32
          %add3A_1867 = vector.broadcast %add3A_1866 : i32 to vector<16xi32>
          %add3A_1868 = arith.addi %iota3A_1864, %add3A_1867 : vector<16xi32>
          %min3A_1869 = arith.constant 512 : i32
          %min3A_1870 = arith.minsi %add3A_1663, %min3A_1869 : i32
          %swap3A_1871 = arith.index_cast %min3A_1870 : i32 to index
          %swap3A_1872 = tpu.vector_load %arg9[%swap3A_1871] masked %and3A_1218 {strides = array<i32>} : memref<544xi32, #tpu.memory_space<vmem>>, vector<16xi32>, vector<16xi1>
          tpu.vector_store %arg9[%swap3A_1871], %add3A_1868 masked %and3A_1218 {strides = array<i32>} : memref<544xi32, #tpu.memory_space<vmem>>, vector<16xi32>, vector<16xi1>
          %iota3A_1873 = tpu.iota {dimensions = array<i32: 0>} : vector<16xi32>
          %add3A_1874 = arith.constant 352 : i32
          %add3A_1875 = arith.addi %mul3A_582, %add3A_1874 : i32
          %add3A_1876 = vector.broadcast %add3A_1875 : i32 to vector<16xi32>
          %add3A_1877 = arith.addi %iota3A_1873, %add3A_1876 : vector<16xi32>
          %min3A_1878 = arith.constant 512 : i32
          %min3A_1879 = arith.minsi %add3A_1664, %min3A_1878 : i32
          %swap3A_1880 = arith.index_cast %min3A_1879 : i32 to index
          %swap3A_1881 = tpu.vector_load %arg9[%swap3A_1880] masked %and3A_1247 {strides = array<i32>} : memref<544xi32, #tpu.memory_space<vmem>>, vector<16xi32>, vector<16xi1>
          tpu.vector_store %arg9[%swap3A_1880], %add3A_1877 masked %and3A_1247 {strides = array<i32>} : memref<544xi32, #tpu.memory_space<vmem>>, vector<16xi32>, vector<16xi1>
          %iota3A_1882 = tpu.iota {dimensions = array<i32: 0>} : vector<16xi32>
          %add3A_1883 = arith.constant 368 : i32
          %add3A_1884 = arith.addi %mul3A_582, %add3A_1883 : i32
          %add3A_1885 = vector.broadcast %add3A_1884 : i32 to vector<16xi32>
          %add3A_1886 = arith.addi %iota3A_1882, %add3A_1885 : vector<16xi32>
          %min3A_1887 = arith.constant 512 : i32
          %min3A_1888 = arith.minsi %add3A_1665, %min3A_1887 : i32
          %swap3A_1889 = arith.index_cast %min3A_1888 : i32 to index
          %swap3A_1890 = tpu.vector_load %arg9[%swap3A_1889] masked %and3A_1276 {strides = array<i32>} : memref<544xi32, #tpu.memory_space<vmem>>, vector<16xi32>, vector<16xi1>
          tpu.vector_store %arg9[%swap3A_1889], %add3A_1886 masked %and3A_1276 {strides = array<i32>} : memref<544xi32, #tpu.memory_space<vmem>>, vector<16xi32>, vector<16xi1>
          %iota3A_1891 = tpu.iota {dimensions = array<i32: 0>} : vector<16xi32>
          %add3A_1892 = arith.constant 384 : i32
          %add3A_1893 = arith.addi %mul3A_582, %add3A_1892 : i32
          %add3A_1894 = vector.broadcast %add3A_1893 : i32 to vector<16xi32>
          %add3A_1895 = arith.addi %iota3A_1891, %add3A_1894 : vector<16xi32>
          %min3A_1896 = arith.constant 512 : i32
          %min3A_1897 = arith.minsi %add3A_1666, %min3A_1896 : i32
          %swap3A_1898 = arith.index_cast %min3A_1897 : i32 to index
          %swap3A_1899 = tpu.vector_load %arg9[%swap3A_1898] masked %and3A_1305 {strides = array<i32>} : memref<544xi32, #tpu.memory_space<vmem>>, vector<16xi32>, vector<16xi1>
          tpu.vector_store %arg9[%swap3A_1898], %add3A_1895 masked %and3A_1305 {strides = array<i32>} : memref<544xi32, #tpu.memory_space<vmem>>, vector<16xi32>, vector<16xi1>
          %iota3A_1900 = tpu.iota {dimensions = array<i32: 0>} : vector<16xi32>
          %add3A_1901 = arith.constant 400 : i32
          %add3A_1902 = arith.addi %mul3A_582, %add3A_1901 : i32
          %add3A_1903 = vector.broadcast %add3A_1902 : i32 to vector<16xi32>
          %add3A_1904 = arith.addi %iota3A_1900, %add3A_1903 : vector<16xi32>
          %min3A_1905 = arith.constant 512 : i32
          %min3A_1906 = arith.minsi %add3A_1667, %min3A_1905 : i32
          %swap3A_1907 = arith.index_cast %min3A_1906 : i32 to index
          %swap3A_1908 = tpu.vector_load %arg9[%swap3A_1907] masked %and3A_1334 {strides = array<i32>} : memref<544xi32, #tpu.memory_space<vmem>>, vector<16xi32>, vector<16xi1>
          tpu.vector_store %arg9[%swap3A_1907], %add3A_1904 masked %and3A_1334 {strides = array<i32>} : memref<544xi32, #tpu.memory_space<vmem>>, vector<16xi32>, vector<16xi1>
          %iota3A_1909 = tpu.iota {dimensions = array<i32: 0>} : vector<16xi32>
          %add3A_1910 = arith.constant 416 : i32
          %add3A_1911 = arith.addi %mul3A_582, %add3A_1910 : i32
          %add3A_1912 = vector.broadcast %add3A_1911 : i32 to vector<16xi32>
          %add3A_1913 = arith.addi %iota3A_1909, %add3A_1912 : vector<16xi32>
          %min3A_1914 = arith.constant 512 : i32
          %min3A_1915 = arith.minsi %add3A_1668, %min3A_1914 : i32
          %swap3A_1916 = arith.index_cast %min3A_1915 : i32 to index
          %swap3A_1917 = tpu.vector_load %arg9[%swap3A_1916] masked %and3A_1363 {strides = array<i32>} : memref<544xi32, #tpu.memory_space<vmem>>, vector<16xi32>, vector<16xi1>
          tpu.vector_store %arg9[%swap3A_1916], %add3A_1913 masked %and3A_1363 {strides = array<i32>} : memref<544xi32, #tpu.memory_space<vmem>>, vector<16xi32>, vector<16xi1>
          %iota3A_1918 = tpu.iota {dimensions = array<i32: 0>} : vector<16xi32>
          %add3A_1919 = arith.constant 432 : i32
          %add3A_1920 = arith.addi %mul3A_582, %add3A_1919 : i32
          %add3A_1921 = vector.broadcast %add3A_1920 : i32 to vector<16xi32>
          %add3A_1922 = arith.addi %iota3A_1918, %add3A_1921 : vector<16xi32>
          %min3A_1923 = arith.constant 512 : i32
          %min3A_1924 = arith.minsi %add3A_1669, %min3A_1923 : i32
          %swap3A_1925 = arith.index_cast %min3A_1924 : i32 to index
          %swap3A_1926 = tpu.vector_load %arg9[%swap3A_1925] masked %and3A_1392 {strides = array<i32>} : memref<544xi32, #tpu.memory_space<vmem>>, vector<16xi32>, vector<16xi1>
          tpu.vector_store %arg9[%swap3A_1925], %add3A_1922 masked %and3A_1392 {strides = array<i32>} : memref<544xi32, #tpu.memory_space<vmem>>, vector<16xi32>, vector<16xi1>
          %iota3A_1927 = tpu.iota {dimensions = array<i32: 0>} : vector<16xi32>
          %add3A_1928 = arith.constant 448 : i32
          %add3A_1929 = arith.addi %mul3A_582, %add3A_1928 : i32
          %add3A_1930 = vector.broadcast %add3A_1929 : i32 to vector<16xi32>
          %add3A_1931 = arith.addi %iota3A_1927, %add3A_1930 : vector<16xi32>
          %min3A_1932 = arith.constant 512 : i32
          %min3A_1933 = arith.minsi %add3A_1670, %min3A_1932 : i32
          %swap3A_1934 = arith.index_cast %min3A_1933 : i32 to index
          %swap3A_1935 = tpu.vector_load %arg9[%swap3A_1934] masked %and3A_1421 {strides = array<i32>} : memref<544xi32, #tpu.memory_space<vmem>>, vector<16xi32>, vector<16xi1>
          tpu.vector_store %arg9[%swap3A_1934], %add3A_1931 masked %and3A_1421 {strides = array<i32>} : memref<544xi32, #tpu.memory_space<vmem>>, vector<16xi32>, vector<16xi1>
          %iota3A_1936 = tpu.iota {dimensions = array<i32: 0>} : vector<16xi32>
          %add3A_1937 = arith.constant 464 : i32
          %add3A_1938 = arith.addi %mul3A_582, %add3A_1937 : i32
          %add3A_1939 = vector.broadcast %add3A_1938 : i32 to vector<16xi32>
          %add3A_1940 = arith.addi %iota3A_1936, %add3A_1939 : vector<16xi32>
          %min3A_1941 = arith.constant 512 : i32
          %min3A_1942 = arith.minsi %add3A_1671, %min3A_1941 : i32
          %swap3A_1943 = arith.index_cast %min3A_1942 : i32 to index
          %swap3A_1944 = tpu.vector_load %arg9[%swap3A_1943] masked %and3A_1450 {strides = array<i32>} : memref<544xi32, #tpu.memory_space<vmem>>, vector<16xi32>, vector<16xi1>
          tpu.vector_store %arg9[%swap3A_1943], %add3A_1940 masked %and3A_1450 {strides = array<i32>} : memref<544xi32, #tpu.memory_space<vmem>>, vector<16xi32>, vector<16xi1>
          %iota3A_1945 = tpu.iota {dimensions = array<i32: 0>} : vector<16xi32>
          %add3A_1946 = arith.constant 480 : i32
          %add3A_1947 = arith.addi %mul3A_582, %add3A_1946 : i32
          %add3A_1948 = vector.broadcast %add3A_1947 : i32 to vector<16xi32>
          %add3A_1949 = arith.addi %iota3A_1945, %add3A_1948 : vector<16xi32>
          %min3A_1950 = arith.constant 512 : i32
          %min3A_1951 = arith.minsi %add3A_1672, %min3A_1950 : i32
          %swap3A_1952 = arith.index_cast %min3A_1951 : i32 to index
          %swap3A_1953 = tpu.vector_load %arg9[%swap3A_1952] masked %and3A_1479 {strides = array<i32>} : memref<544xi32, #tpu.memory_space<vmem>>, vector<16xi32>, vector<16xi1>
          tpu.vector_store %arg9[%swap3A_1952], %add3A_1949 masked %and3A_1479 {strides = array<i32>} : memref<544xi32, #tpu.memory_space<vmem>>, vector<16xi32>, vector<16xi1>
          %iota3A_1954 = tpu.iota {dimensions = array<i32: 0>} : vector<16xi32>
          %add3A_1955 = arith.constant 496 : i32
          %add3A_1956 = arith.addi %mul3A_582, %add3A_1955 : i32
          %add3A_1957 = vector.broadcast %add3A_1956 : i32 to vector<16xi32>
          %add3A_1958 = arith.addi %iota3A_1954, %add3A_1957 : vector<16xi32>
          %min3A_1959 = arith.constant 512 : i32
          %min3A_1960 = arith.minsi %add3A_1673, %min3A_1959 : i32
          %swap3A_1961 = arith.index_cast %min3A_1960 : i32 to index
          %swap3A_1962 = tpu.vector_load %arg9[%swap3A_1961] masked %and3A_1508 {strides = array<i32>} : memref<544xi32, #tpu.memory_space<vmem>>, vector<16xi32>, vector<16xi1>
          tpu.vector_store %arg9[%swap3A_1961], %add3A_1958 masked %and3A_1508 {strides = array<i32>} : memref<544xi32, #tpu.memory_space<vmem>>, vector<16xi32>, vector<16xi1>
          scf.yield %add3A_1674 : i32
        } else {
          scf.yield %scan3A_580 : i32
        }
        scf.yield %cond3A_1546 : i32
      }
      %scan3A_122 = arith.constant 32 : i32
      %eq3A = arith.constant 0 : i32
      %eq3A_123 = arith.cmpi eq, %scan3A_121, %eq3A : i32
      %iota3A = tpu.iota {dimensions = array<i32: 0>} : vector<16xi32>
      %eq3A_124 = arith.constant 0 : i32
      %eq3A_125 = vector.broadcast %eq3A_124 : i32 to vector<16xi32>
      %eq3A_126 = arith.cmpi eq, %iota3A, %eq3A_125 : vector<16xi32>
      %broadcast_in_dim3A_127 = vector.broadcast %scan3A_86 : i32 to vector<16xi32>
      %convert_element_type3A = arith.extui %eq3A_123 : i1 to i32
      %broadcast_in_dim3A_128 = vector.broadcast %convert_element_type3A : i32 to vector<16xi32>
      tpu.vector_store_idx %arg12[%broadcast_in_dim3A_127], %broadcast_in_dim3A_128 masked %eq3A_126 : memref<32xi32, #tpu.memory_space<vmem>>[vector<16xi32>], vector<16xi32>, vector<16xi1>
      %min3A = arith.constant 512 : i32
      %min3A_129 = arith.minsi %scan3A_121, %min3A : i32
      %max3A = arith.constant 1 : i32
      %max3A_130 = arith.maxsi %min3A_129, %max3A : i32
      %broadcast_in_dim3A_131 = vector.broadcast %mul3A_26 : i32 to vector<16xi32>
      %jit3A_132 = arith.constant 2 : i32
      %eq3A_133 = arith.constant 0 : i32
      %eq3A_134 = arith.cmpi eq, %jit3A_132, %eq3A_133 : i32
      %jit3A_135 = arith.constant 1 : i32
      %select_n3A_136 = arith.select %eq3A_134, %jit3A_135, %jit3A_132 : i32
      %rem3A_137 = arith.remsi %scan3A_86, %select_n3A_136 : i32
      %ne3A_138 = arith.constant 0 : i32
      %ne3A_139 = arith.cmpi ne, %rem3A_137, %ne3A_138 : i32
      %lt3A = arith.constant 0 : i32
      %lt3A_140 = arith.cmpi slt, %rem3A_137, %lt3A : i32
      %lt3A_141 = arith.constant 0 : i32
      %lt3A_142 = arith.cmpi slt, %select_n3A_136, %lt3A_141 : i32
      %ne3A_143 = arith.xori %lt3A_140, %lt3A_142 : i1
      %and3A_144 = arith.andi %ne3A_143, %ne3A_139 : i1
      %add3A_145 = arith.addi %rem3A_137, %select_n3A_136 : i32
      %select_n3A_146 = arith.select %and3A_144, %add3A_145, %rem3A_137 : i32
      %jit3A_147 = arith.constant 16 : i32
      %eq3A_148 = arith.constant 0 : i32
      %eq3A_149 = arith.cmpi eq, %max3A_130, %eq3A_148 : i32
      %jit3A_150 = arith.constant 1 : i32
      %select_n3A_151 = arith.select %eq3A_149, %jit3A_150, %max3A_130 : i32
      %rem3A_152 = arith.remsi %jit3A_147, %select_n3A_151 : i32
      %ne3A_153 = arith.constant 0 : i32
      %ne3A_154 = arith.cmpi ne, %rem3A_152, %ne3A_153 : i32
      %lt3A_155 = arith.constant 0 : i32
      %lt3A_156 = arith.cmpi slt, %rem3A_152, %lt3A_155 : i32
      %lt3A_157 = arith.constant 0 : i32
      %lt3A_158 = arith.cmpi slt, %select_n3A_151, %lt3A_157 : i32
      %ne3A_159 = arith.xori %lt3A_156, %lt3A_158 : i1
      %and3A_160 = arith.andi %ne3A_159, %ne3A_154 : i1
      %add3A_161 = arith.addi %rem3A_152, %select_n3A_151 : i32
      %select_n3A_162 = arith.select %and3A_160, %add3A_161, %rem3A_152 : i32
      %broadcast_in_dim3A_163 = vector.broadcast %select_n3A_162 : i32 to vector<16xi32>
      %broadcast_in_dim3A_164 = vector.broadcast %max3A_130 : i32 to vector<16xi32>
      %iota3A_165 = tpu.iota {dimensions = array<i32: 0>} : vector<16xi32>
      %eq3A_166 = arith.constant 0 : i32
      %eq3A_167 = vector.broadcast %eq3A_166 : i32 to vector<16xi32>
      %eq3A_168 = arith.cmpi eq, %broadcast_in_dim3A_164, %eq3A_167 : vector<16xi32>
      %broadcast_in_dim3A_169 = arith.constant 1 : i32
      %broadcast_in_dim3A_170 = vector.broadcast %broadcast_in_dim3A_169 : i32 to vector<16xi32>
      %select_n3A_171 = arith.select %eq3A_168, %broadcast_in_dim3A_170, %broadcast_in_dim3A_164 : vector<16xi1>, vector<16xi32>
      %rem3A_172 = arith.remsi %iota3A_165, %select_n3A_171 : vector<16xi32>
      %ne3A_173 = arith.constant 0 : i32
      %ne3A_174 = vector.broadcast %ne3A_173 : i32 to vector<16xi32>
      %ne3A_175 = arith.cmpi ne, %rem3A_172, %ne3A_174 : vector<16xi32>
      %lt3A_176 = arith.constant 0 : i32
      %lt3A_177 = vector.broadcast %lt3A_176 : i32 to vector<16xi32>
      %lt3A_178 = arith.cmpi slt, %rem3A_172, %lt3A_177 : vector<16xi32>
      %lt3A_179 = arith.constant 0 : i32
      %lt3A_180 = vector.broadcast %lt3A_179 : i32 to vector<16xi32>
      %lt3A_181 = arith.cmpi slt, %select_n3A_171, %lt3A_180 : vector<16xi32>
      %ne3A_182 = arith.xori %lt3A_178, %lt3A_181 : vector<16xi1>
      %and3A_183 = arith.andi %ne3A_182, %ne3A_175 : vector<16xi1>
      %add3A_184 = arith.addi %rem3A_172, %select_n3A_171 : vector<16xi32>
      %select_n3A_185 = arith.select %and3A_183, %add3A_184, %rem3A_172 : vector<16xi1>, vector<16xi32>
      %gather3A = tpu.vector_load_idx %arg9[%select_n3A_185] : memref<544xi32, #tpu.memory_space<vmem>>[vector<16xi32>], vector<16xi32>,
      %add3A_186 = arith.addi %gather3A, %broadcast_in_dim3A_131 : vector<16xi32>
      %swap3A_187 = arith.constant 0 : i32
      %swap3A_188 = arith.index_cast %select_n3A_146 : i32 to index
      %swap3A_189 = arith.index_cast %swap3A_187 : i32 to index
      %swap3A_190 = arith.constant 0 : index
      %swap3A_191 = tpu.vector_load %arg10[%swap3A_188, %swap3A_189, %swap3A_190] {strides = array<i32>} : memref<2x4x128xi32, #tpu.memory_space<vmem>>, vector<16xi32>,
      tpu.vector_store %arg10[%swap3A_188, %swap3A_189, %swap3A_190], %add3A_186 {strides = array<i32>} : memref<2x4x128xi32, #tpu.memory_space<vmem>>, vector<16xi32>,
      %add3A_192 = arith.addi %select_n3A_185, %broadcast_in_dim3A_163 : vector<16xi32>
      %ge3A = arith.cmpi sge, %add3A_192, %broadcast_in_dim3A_164 : vector<16xi32>
      %sub3A_193 = arith.subi %add3A_192, %broadcast_in_dim3A_164 : vector<16xi32>
      %select_n3A_194 = arith.select %ge3A, %sub3A_193, %add3A_192 : vector<16xi1>, vector<16xi32>
      %gather3A_195 = tpu.vector_load_idx %arg9[%select_n3A_194] : memref<544xi32, #tpu.memory_space<vmem>>[vector<16xi32>], vector<16xi32>,
      %add3A_196 = arith.addi %gather3A_195, %broadcast_in_dim3A_131 : vector<16xi32>
      %swap3A_197 = arith.constant 0 : i32
      %swap3A_198 = arith.index_cast %select_n3A_146 : i32 to index
      %swap3A_199 = arith.index_cast %swap3A_197 : i32 to index
      %swap3A_200 = arith.constant 16 : index
      %swap3A_201 = tpu.vector_load %arg10[%swap3A_198, %swap3A_199, %swap3A_200] {strides = array<i32>} : memref<2x4x128xi32, #tpu.memory_space<vmem>>, vector<16xi32>,
      tpu.vector_store %arg10[%swap3A_198, %swap3A_199, %swap3A_200], %add3A_196 {strides = array<i32>} : memref<2x4x128xi32, #tpu.memory_space<vmem>>, vector<16xi32>,
      %add3A_202 = arith.addi %select_n3A_194, %broadcast_in_dim3A_163 : vector<16xi32>
      %ge3A_203 = arith.cmpi sge, %add3A_202, %broadcast_in_dim3A_164 : vector<16xi32>
      %sub3A_204 = arith.subi %add3A_202, %broadcast_in_dim3A_164 : vector<16xi32>
      %select_n3A_205 = arith.select %ge3A_203, %sub3A_204, %add3A_202 : vector<16xi1>, vector<16xi32>
      %gather3A_206 = tpu.vector_load_idx %arg9[%select_n3A_205] : memref<544xi32, #tpu.memory_space<vmem>>[vector<16xi32>], vector<16xi32>,
      %add3A_207 = arith.addi %gather3A_206, %broadcast_in_dim3A_131 : vector<16xi32>
      %swap3A_208 = arith.constant 0 : i32
      %swap3A_209 = arith.index_cast %select_n3A_146 : i32 to index
      %swap3A_210 = arith.index_cast %swap3A_208 : i32 to index
      %swap3A_211 = arith.constant 32 : index
      %swap3A_212 = tpu.vector_load %arg10[%swap3A_209, %swap3A_210, %swap3A_211] {strides = array<i32>} : memref<2x4x128xi32, #tpu.memory_space<vmem>>, vector<16xi32>,
      tpu.vector_store %arg10[%swap3A_209, %swap3A_210, %swap3A_211], %add3A_207 {strides = array<i32>} : memref<2x4x128xi32, #tpu.memory_space<vmem>>, vector<16xi32>,
      %add3A_213 = arith.addi %select_n3A_205, %broadcast_in_dim3A_163 : vector<16xi32>
      %ge3A_214 = arith.cmpi sge, %add3A_213, %broadcast_in_dim3A_164 : vector<16xi32>
      %sub3A_215 = arith.subi %add3A_213, %broadcast_in_dim3A_164 : vector<16xi32>
      %select_n3A_216 = arith.select %ge3A_214, %sub3A_215, %add3A_213 : vector<16xi1>, vector<16xi32>
      %gather3A_217 = tpu.vector_load_idx %arg9[%select_n3A_216] : memref<544xi32, #tpu.memory_space<vmem>>[vector<16xi32>], vector<16xi32>,
      %add3A_218 = arith.addi %gather3A_217, %broadcast_in_dim3A_131 : vector<16xi32>
      %swap3A_219 = arith.constant 0 : i32
      %swap3A_220 = arith.index_cast %select_n3A_146 : i32 to index
      %swap3A_221 = arith.index_cast %swap3A_219 : i32 to index
      %swap3A_222 = arith.constant 48 : index
      %swap3A_223 = tpu.vector_load %arg10[%swap3A_220, %swap3A_221, %swap3A_222] {strides = array<i32>} : memref<2x4x128xi32, #tpu.memory_space<vmem>>, vector<16xi32>,
      tpu.vector_store %arg10[%swap3A_220, %swap3A_221, %swap3A_222], %add3A_218 {strides = array<i32>} : memref<2x4x128xi32, #tpu.memory_space<vmem>>, vector<16xi32>,
      %add3A_224 = arith.addi %select_n3A_216, %broadcast_in_dim3A_163 : vector<16xi32>
      %ge3A_225 = arith.cmpi sge, %add3A_224, %broadcast_in_dim3A_164 : vector<16xi32>
      %sub3A_226 = arith.subi %add3A_224, %broadcast_in_dim3A_164 : vector<16xi32>
      %select_n3A_227 = arith.select %ge3A_225, %sub3A_226, %add3A_224 : vector<16xi1>, vector<16xi32>
      %gather3A_228 = tpu.vector_load_idx %arg9[%select_n3A_227] : memref<544xi32, #tpu.memory_space<vmem>>[vector<16xi32>], vector<16xi32>,
      %add3A_229 = arith.addi %gather3A_228, %broadcast_in_dim3A_131 : vector<16xi32>
      %swap3A_230 = arith.constant 0 : i32
      %swap3A_231 = arith.index_cast %select_n3A_146 : i32 to index
      %swap3A_232 = arith.index_cast %swap3A_230 : i32 to index
      %swap3A_233 = arith.constant 64 : index
      %swap3A_234 = tpu.vector_load %arg10[%swap3A_231, %swap3A_232, %swap3A_233] {strides = array<i32>} : memref<2x4x128xi32, #tpu.memory_space<vmem>>, vector<16xi32>,
      tpu.vector_store %arg10[%swap3A_231, %swap3A_232, %swap3A_233], %add3A_229 {strides = array<i32>} : memref<2x4x128xi32, #tpu.memory_space<vmem>>, vector<16xi32>,
      %add3A_235 = arith.addi %select_n3A_227, %broadcast_in_dim3A_163 : vector<16xi32>
      %ge3A_236 = arith.cmpi sge, %add3A_235, %broadcast_in_dim3A_164 : vector<16xi32>
      %sub3A_237 = arith.subi %add3A_235, %broadcast_in_dim3A_164 : vector<16xi32>
      %select_n3A_238 = arith.select %ge3A_236, %sub3A_237, %add3A_235 : vector<16xi1>, vector<16xi32>
      %gather3A_239 = tpu.vector_load_idx %arg9[%select_n3A_238] : memref<544xi32, #tpu.memory_space<vmem>>[vector<16xi32>], vector<16xi32>,
      %add3A_240 = arith.addi %gather3A_239, %broadcast_in_dim3A_131 : vector<16xi32>
      %swap3A_241 = arith.constant 0 : i32
      %swap3A_242 = arith.index_cast %select_n3A_146 : i32 to index
      %swap3A_243 = arith.index_cast %swap3A_241 : i32 to index
      %swap3A_244 = arith.constant 80 : index
      %swap3A_245 = tpu.vector_load %arg10[%swap3A_242, %swap3A_243, %swap3A_244] {strides = array<i32>} : memref<2x4x128xi32, #tpu.memory_space<vmem>>, vector<16xi32>,
      tpu.vector_store %arg10[%swap3A_242, %swap3A_243, %swap3A_244], %add3A_240 {strides = array<i32>} : memref<2x4x128xi32, #tpu.memory_space<vmem>>, vector<16xi32>,
      %add3A_246 = arith.addi %select_n3A_238, %broadcast_in_dim3A_163 : vector<16xi32>
      %ge3A_247 = arith.cmpi sge, %add3A_246, %broadcast_in_dim3A_164 : vector<16xi32>
      %sub3A_248 = arith.subi %add3A_246, %broadcast_in_dim3A_164 : vector<16xi32>
      %select_n3A_249 = arith.select %ge3A_247, %sub3A_248, %add3A_246 : vector<16xi1>, vector<16xi32>
      %gather3A_250 = tpu.vector_load_idx %arg9[%select_n3A_249] : memref<544xi32, #tpu.memory_space<vmem>>[vector<16xi32>], vector<16xi32>,
      %add3A_251 = arith.addi %gather3A_250, %broadcast_in_dim3A_131 : vector<16xi32>
      %swap3A_252 = arith.constant 0 : i32
      %swap3A_253 = arith.index_cast %select_n3A_146 : i32 to index
      %swap3A_254 = arith.index_cast %swap3A_252 : i32 to index
      %swap3A_255 = arith.constant 96 : index
      %swap3A_256 = tpu.vector_load %arg10[%swap3A_253, %swap3A_254, %swap3A_255] {strides = array<i32>} : memref<2x4x128xi32, #tpu.memory_space<vmem>>, vector<16xi32>,
      tpu.vector_store %arg10[%swap3A_253, %swap3A_254, %swap3A_255], %add3A_251 {strides = array<i32>} : memref<2x4x128xi32, #tpu.memory_space<vmem>>, vector<16xi32>,
      %add3A_257 = arith.addi %select_n3A_249, %broadcast_in_dim3A_163 : vector<16xi32>
      %ge3A_258 = arith.cmpi sge, %add3A_257, %broadcast_in_dim3A_164 : vector<16xi32>
      %sub3A_259 = arith.subi %add3A_257, %broadcast_in_dim3A_164 : vector<16xi32>
      %select_n3A_260 = arith.select %ge3A_258, %sub3A_259, %add3A_257 : vector<16xi1>, vector<16xi32>
      %gather3A_261 = tpu.vector_load_idx %arg9[%select_n3A_260] : memref<544xi32, #tpu.memory_space<vmem>>[vector<16xi32>], vector<16xi32>,
      %add3A_262 = arith.addi %gather3A_261, %broadcast_in_dim3A_131 : vector<16xi32>
      %swap3A_263 = arith.constant 0 : i32
      %swap3A_264 = arith.index_cast %select_n3A_146 : i32 to index
      %swap3A_265 = arith.index_cast %swap3A_263 : i32 to index
      %swap3A_266 = arith.constant 112 : index
      %swap3A_267 = tpu.vector_load %arg10[%swap3A_264, %swap3A_265, %swap3A_266] {strides = array<i32>} : memref<2x4x128xi32, #tpu.memory_space<vmem>>, vector<16xi32>,
      tpu.vector_store %arg10[%swap3A_264, %swap3A_265, %swap3A_266], %add3A_262 {strides = array<i32>} : memref<2x4x128xi32, #tpu.memory_space<vmem>>, vector<16xi32>,
      %add3A_268 = arith.addi %select_n3A_260, %broadcast_in_dim3A_163 : vector<16xi32>
      %ge3A_269 = arith.cmpi sge, %add3A_268, %broadcast_in_dim3A_164 : vector<16xi32>
      %sub3A_270 = arith.subi %add3A_268, %broadcast_in_dim3A_164 : vector<16xi32>
      %select_n3A_271 = arith.select %ge3A_269, %sub3A_270, %add3A_268 : vector<16xi1>, vector<16xi32>
      %gather3A_272 = tpu.vector_load_idx %arg9[%select_n3A_271] : memref<544xi32, #tpu.memory_space<vmem>>[vector<16xi32>], vector<16xi32>,
      %add3A_273 = arith.addi %gather3A_272, %broadcast_in_dim3A_131 : vector<16xi32>
      %swap3A_274 = arith.constant 1 : i32
      %swap3A_275 = arith.index_cast %select_n3A_146 : i32 to index
      %swap3A_276 = arith.index_cast %swap3A_274 : i32 to index
      %swap3A_277 = arith.constant 0 : index
      %swap3A_278 = tpu.vector_load %arg10[%swap3A_275, %swap3A_276, %swap3A_277] {strides = array<i32>} : memref<2x4x128xi32, #tpu.memory_space<vmem>>, vector<16xi32>,
      tpu.vector_store %arg10[%swap3A_275, %swap3A_276, %swap3A_277], %add3A_273 {strides = array<i32>} : memref<2x4x128xi32, #tpu.memory_space<vmem>>, vector<16xi32>,
      %add3A_279 = arith.addi %select_n3A_271, %broadcast_in_dim3A_163 : vector<16xi32>
      %ge3A_280 = arith.cmpi sge, %add3A_279, %broadcast_in_dim3A_164 : vector<16xi32>
      %sub3A_281 = arith.subi %add3A_279, %broadcast_in_dim3A_164 : vector<16xi32>
      %select_n3A_282 = arith.select %ge3A_280, %sub3A_281, %add3A_279 : vector<16xi1>, vector<16xi32>
      %gather3A_283 = tpu.vector_load_idx %arg9[%select_n3A_282] : memref<544xi32, #tpu.memory_space<vmem>>[vector<16xi32>], vector<16xi32>,
      %add3A_284 = arith.addi %gather3A_283, %broadcast_in_dim3A_131 : vector<16xi32>
      %swap3A_285 = arith.constant 1 : i32
      %swap3A_286 = arith.index_cast %select_n3A_146 : i32 to index
      %swap3A_287 = arith.index_cast %swap3A_285 : i32 to index
      %swap3A_288 = arith.constant 16 : index
      %swap3A_289 = tpu.vector_load %arg10[%swap3A_286, %swap3A_287, %swap3A_288] {strides = array<i32>} : memref<2x4x128xi32, #tpu.memory_space<vmem>>, vector<16xi32>,
      tpu.vector_store %arg10[%swap3A_286, %swap3A_287, %swap3A_288], %add3A_284 {strides = array<i32>} : memref<2x4x128xi32, #tpu.memory_space<vmem>>, vector<16xi32>,
      %add3A_290 = arith.addi %select_n3A_282, %broadcast_in_dim3A_163 : vector<16xi32>
      %ge3A_291 = arith.cmpi sge, %add3A_290, %broadcast_in_dim3A_164 : vector<16xi32>
      %sub3A_292 = arith.subi %add3A_290, %broadcast_in_dim3A_164 : vector<16xi32>
      %select_n3A_293 = arith.select %ge3A_291, %sub3A_292, %add3A_290 : vector<16xi1>, vector<16xi32>
      %gather3A_294 = tpu.vector_load_idx %arg9[%select_n3A_293] : memref<544xi32, #tpu.memory_space<vmem>>[vector<16xi32>], vector<16xi32>,
      %add3A_295 = arith.addi %gather3A_294, %broadcast_in_dim3A_131 : vector<16xi32>
      %swap3A_296 = arith.constant 1 : i32
      %swap3A_297 = arith.index_cast %select_n3A_146 : i32 to index
      %swap3A_298 = arith.index_cast %swap3A_296 : i32 to index
      %swap3A_299 = arith.constant 32 : index
      %swap3A_300 = tpu.vector_load %arg10[%swap3A_297, %swap3A_298, %swap3A_299] {strides = array<i32>} : memref<2x4x128xi32, #tpu.memory_space<vmem>>, vector<16xi32>,
      tpu.vector_store %arg10[%swap3A_297, %swap3A_298, %swap3A_299], %add3A_295 {strides = array<i32>} : memref<2x4x128xi32, #tpu.memory_space<vmem>>, vector<16xi32>,
      %add3A_301 = arith.addi %select_n3A_293, %broadcast_in_dim3A_163 : vector<16xi32>
      %ge3A_302 = arith.cmpi sge, %add3A_301, %broadcast_in_dim3A_164 : vector<16xi32>
      %sub3A_303 = arith.subi %add3A_301, %broadcast_in_dim3A_164 : vector<16xi32>
      %select_n3A_304 = arith.select %ge3A_302, %sub3A_303, %add3A_301 : vector<16xi1>, vector<16xi32>
      %gather3A_305 = tpu.vector_load_idx %arg9[%select_n3A_304] : memref<544xi32, #tpu.memory_space<vmem>>[vector<16xi32>], vector<16xi32>,
      %add3A_306 = arith.addi %gather3A_305, %broadcast_in_dim3A_131 : vector<16xi32>
      %swap3A_307 = arith.constant 1 : i32
      %swap3A_308 = arith.index_cast %select_n3A_146 : i32 to index
      %swap3A_309 = arith.index_cast %swap3A_307 : i32 to index
      %swap3A_310 = arith.constant 48 : index
      %swap3A_311 = tpu.vector_load %arg10[%swap3A_308, %swap3A_309, %swap3A_310] {strides = array<i32>} : memref<2x4x128xi32, #tpu.memory_space<vmem>>, vector<16xi32>,
      tpu.vector_store %arg10[%swap3A_308, %swap3A_309, %swap3A_310], %add3A_306 {strides = array<i32>} : memref<2x4x128xi32, #tpu.memory_space<vmem>>, vector<16xi32>,
      %add3A_312 = arith.addi %select_n3A_304, %broadcast_in_dim3A_163 : vector<16xi32>
      %ge3A_313 = arith.cmpi sge, %add3A_312, %broadcast_in_dim3A_164 : vector<16xi32>
      %sub3A_314 = arith.subi %add3A_312, %broadcast_in_dim3A_164 : vector<16xi32>
      %select_n3A_315 = arith.select %ge3A_313, %sub3A_314, %add3A_312 : vector<16xi1>, vector<16xi32>
      %gather3A_316 = tpu.vector_load_idx %arg9[%select_n3A_315] : memref<544xi32, #tpu.memory_space<vmem>>[vector<16xi32>], vector<16xi32>,
      %add3A_317 = arith.addi %gather3A_316, %broadcast_in_dim3A_131 : vector<16xi32>
      %swap3A_318 = arith.constant 1 : i32
      %swap3A_319 = arith.index_cast %select_n3A_146 : i32 to index
      %swap3A_320 = arith.index_cast %swap3A_318 : i32 to index
      %swap3A_321 = arith.constant 64 : index
      %swap3A_322 = tpu.vector_load %arg10[%swap3A_319, %swap3A_320, %swap3A_321] {strides = array<i32>} : memref<2x4x128xi32, #tpu.memory_space<vmem>>, vector<16xi32>,
      tpu.vector_store %arg10[%swap3A_319, %swap3A_320, %swap3A_321], %add3A_317 {strides = array<i32>} : memref<2x4x128xi32, #tpu.memory_space<vmem>>, vector<16xi32>,
      %add3A_323 = arith.addi %select_n3A_315, %broadcast_in_dim3A_163 : vector<16xi32>
      %ge3A_324 = arith.cmpi sge, %add3A_323, %broadcast_in_dim3A_164 : vector<16xi32>
      %sub3A_325 = arith.subi %add3A_323, %broadcast_in_dim3A_164 : vector<16xi32>
      %select_n3A_326 = arith.select %ge3A_324, %sub3A_325, %add3A_323 : vector<16xi1>, vector<16xi32>
      %gather3A_327 = tpu.vector_load_idx %arg9[%select_n3A_326] : memref<544xi32, #tpu.memory_space<vmem>>[vector<16xi32>], vector<16xi32>,
      %add3A_328 = arith.addi %gather3A_327, %broadcast_in_dim3A_131 : vector<16xi32>
      %swap3A_329 = arith.constant 1 : i32
      %swap3A_330 = arith.index_cast %select_n3A_146 : i32 to index
      %swap3A_331 = arith.index_cast %swap3A_329 : i32 to index
      %swap3A_332 = arith.constant 80 : index
      %swap3A_333 = tpu.vector_load %arg10[%swap3A_330, %swap3A_331, %swap3A_332] {strides = array<i32>} : memref<2x4x128xi32, #tpu.memory_space<vmem>>, vector<16xi32>,
      tpu.vector_store %arg10[%swap3A_330, %swap3A_331, %swap3A_332], %add3A_328 {strides = array<i32>} : memref<2x4x128xi32, #tpu.memory_space<vmem>>, vector<16xi32>,
      %add3A_334 = arith.addi %select_n3A_326, %broadcast_in_dim3A_163 : vector<16xi32>
      %ge3A_335 = arith.cmpi sge, %add3A_334, %broadcast_in_dim3A_164 : vector<16xi32>
      %sub3A_336 = arith.subi %add3A_334, %broadcast_in_dim3A_164 : vector<16xi32>
      %select_n3A_337 = arith.select %ge3A_335, %sub3A_336, %add3A_334 : vector<16xi1>, vector<16xi32>
      %gather3A_338 = tpu.vector_load_idx %arg9[%select_n3A_337] : memref<544xi32, #tpu.memory_space<vmem>>[vector<16xi32>], vector<16xi32>,
      %add3A_339 = arith.addi %gather3A_338, %broadcast_in_dim3A_131 : vector<16xi32>
      %swap3A_340 = arith.constant 1 : i32
      %swap3A_341 = arith.index_cast %select_n3A_146 : i32 to index
      %swap3A_342 = arith.index_cast %swap3A_340 : i32 to index
      %swap3A_343 = arith.constant 96 : index
      %swap3A_344 = tpu.vector_load %arg10[%swap3A_341, %swap3A_342, %swap3A_343] {strides = array<i32>} : memref<2x4x128xi32, #tpu.memory_space<vmem>>, vector<16xi32>,
      tpu.vector_store %arg10[%swap3A_341, %swap3A_342, %swap3A_343], %add3A_339 {strides = array<i32>} : memref<2x4x128xi32, #tpu.memory_space<vmem>>, vector<16xi32>,
      %add3A_345 = arith.addi %select_n3A_337, %broadcast_in_dim3A_163 : vector<16xi32>
      %ge3A_346 = arith.cmpi sge, %add3A_345, %broadcast_in_dim3A_164 : vector<16xi32>
      %sub3A_347 = arith.subi %add3A_345, %broadcast_in_dim3A_164 : vector<16xi32>
      %select_n3A_348 = arith.select %ge3A_346, %sub3A_347, %add3A_345 : vector<16xi1>, vector<16xi32>
      %gather3A_349 = tpu.vector_load_idx %arg9[%select_n3A_348] : memref<544xi32, #tpu.memory_space<vmem>>[vector<16xi32>], vector<16xi32>,
      %add3A_350 = arith.addi %gather3A_349, %broadcast_in_dim3A_131 : vector<16xi32>
      %swap3A_351 = arith.constant 1 : i32
      %swap3A_352 = arith.index_cast %select_n3A_146 : i32 to index
      %swap3A_353 = arith.index_cast %swap3A_351 : i32 to index
      %swap3A_354 = arith.constant 112 : index
      %swap3A_355 = tpu.vector_load %arg10[%swap3A_352, %swap3A_353, %swap3A_354] {strides = array<i32>} : memref<2x4x128xi32, #tpu.memory_space<vmem>>, vector<16xi32>,
      tpu.vector_store %arg10[%swap3A_352, %swap3A_353, %swap3A_354], %add3A_350 {strides = array<i32>} : memref<2x4x128xi32, #tpu.memory_space<vmem>>, vector<16xi32>,
      %add3A_356 = arith.addi %select_n3A_348, %broadcast_in_dim3A_163 : vector<16xi32>
      %ge3A_357 = arith.cmpi sge, %add3A_356, %broadcast_in_dim3A_164 : vector<16xi32>
      %sub3A_358 = arith.subi %add3A_356, %broadcast_in_dim3A_164 : vector<16xi32>
      %select_n3A_359 = arith.select %ge3A_357, %sub3A_358, %add3A_356 : vector<16xi1>, vector<16xi32>
      %gather3A_360 = tpu.vector_load_idx %arg9[%select_n3A_359] : memref<544xi32, #tpu.memory_space<vmem>>[vector<16xi32>], vector<16xi32>,
      %add3A_361 = arith.addi %gather3A_360, %broadcast_in_dim3A_131 : vector<16xi32>
      %swap3A_362 = arith.constant 2 : i32
      %swap3A_363 = arith.index_cast %select_n3A_146 : i32 to index
      %swap3A_364 = arith.index_cast %swap3A_362 : i32 to index
      %swap3A_365 = arith.constant 0 : index
      %swap3A_366 = tpu.vector_load %arg10[%swap3A_363, %swap3A_364, %swap3A_365] {strides = array<i32>} : memref<2x4x128xi32, #tpu.memory_space<vmem>>, vector<16xi32>,
      tpu.vector_store %arg10[%swap3A_363, %swap3A_364, %swap3A_365], %add3A_361 {strides = array<i32>} : memref<2x4x128xi32, #tpu.memory_space<vmem>>, vector<16xi32>,
      %add3A_367 = arith.addi %select_n3A_359, %broadcast_in_dim3A_163 : vector<16xi32>
      %ge3A_368 = arith.cmpi sge, %add3A_367, %broadcast_in_dim3A_164 : vector<16xi32>
      %sub3A_369 = arith.subi %add3A_367, %broadcast_in_dim3A_164 : vector<16xi32>
      %select_n3A_370 = arith.select %ge3A_368, %sub3A_369, %add3A_367 : vector<16xi1>, vector<16xi32>
      %gather3A_371 = tpu.vector_load_idx %arg9[%select_n3A_370] : memref<544xi32, #tpu.memory_space<vmem>>[vector<16xi32>], vector<16xi32>,
      %add3A_372 = arith.addi %gather3A_371, %broadcast_in_dim3A_131 : vector<16xi32>
      %swap3A_373 = arith.constant 2 : i32
      %swap3A_374 = arith.index_cast %select_n3A_146 : i32 to index
      %swap3A_375 = arith.index_cast %swap3A_373 : i32 to index
      %swap3A_376 = arith.constant 16 : index
      %swap3A_377 = tpu.vector_load %arg10[%swap3A_374, %swap3A_375, %swap3A_376] {strides = array<i32>} : memref<2x4x128xi32, #tpu.memory_space<vmem>>, vector<16xi32>,
      tpu.vector_store %arg10[%swap3A_374, %swap3A_375, %swap3A_376], %add3A_372 {strides = array<i32>} : memref<2x4x128xi32, #tpu.memory_space<vmem>>, vector<16xi32>,
      %add3A_378 = arith.addi %select_n3A_370, %broadcast_in_dim3A_163 : vector<16xi32>
      %ge3A_379 = arith.cmpi sge, %add3A_378, %broadcast_in_dim3A_164 : vector<16xi32>
      %sub3A_380 = arith.subi %add3A_378, %broadcast_in_dim3A_164 : vector<16xi32>
      %select_n3A_381 = arith.select %ge3A_379, %sub3A_380, %add3A_378 : vector<16xi1>, vector<16xi32>
      %gather3A_382 = tpu.vector_load_idx %arg9[%select_n3A_381] : memref<544xi32, #tpu.memory_space<vmem>>[vector<16xi32>], vector<16xi32>,
      %add3A_383 = arith.addi %gather3A_382, %broadcast_in_dim3A_131 : vector<16xi32>
      %swap3A_384 = arith.constant 2 : i32
      %swap3A_385 = arith.index_cast %select_n3A_146 : i32 to index
      %swap3A_386 = arith.index_cast %swap3A_384 : i32 to index
      %swap3A_387 = arith.constant 32 : index
      %swap3A_388 = tpu.vector_load %arg10[%swap3A_385, %swap3A_386, %swap3A_387] {strides = array<i32>} : memref<2x4x128xi32, #tpu.memory_space<vmem>>, vector<16xi32>,
      tpu.vector_store %arg10[%swap3A_385, %swap3A_386, %swap3A_387], %add3A_383 {strides = array<i32>} : memref<2x4x128xi32, #tpu.memory_space<vmem>>, vector<16xi32>,
      %add3A_389 = arith.addi %select_n3A_381, %broadcast_in_dim3A_163 : vector<16xi32>
      %ge3A_390 = arith.cmpi sge, %add3A_389, %broadcast_in_dim3A_164 : vector<16xi32>
      %sub3A_391 = arith.subi %add3A_389, %broadcast_in_dim3A_164 : vector<16xi32>
      %select_n3A_392 = arith.select %ge3A_390, %sub3A_391, %add3A_389 : vector<16xi1>, vector<16xi32>
      %gather3A_393 = tpu.vector_load_idx %arg9[%select_n3A_392] : memref<544xi32, #tpu.memory_space<vmem>>[vector<16xi32>], vector<16xi32>,
      %add3A_394 = arith.addi %gather3A_393, %broadcast_in_dim3A_131 : vector<16xi32>
      %swap3A_395 = arith.constant 2 : i32
      %swap3A_396 = arith.index_cast %select_n3A_146 : i32 to index
      %swap3A_397 = arith.index_cast %swap3A_395 : i32 to index
      %swap3A_398 = arith.constant 48 : index
      %swap3A_399 = tpu.vector_load %arg10[%swap3A_396, %swap3A_397, %swap3A_398] {strides = array<i32>} : memref<2x4x128xi32, #tpu.memory_space<vmem>>, vector<16xi32>,
      tpu.vector_store %arg10[%swap3A_396, %swap3A_397, %swap3A_398], %add3A_394 {strides = array<i32>} : memref<2x4x128xi32, #tpu.memory_space<vmem>>, vector<16xi32>,
      %add3A_400 = arith.addi %select_n3A_392, %broadcast_in_dim3A_163 : vector<16xi32>
      %ge3A_401 = arith.cmpi sge, %add3A_400, %broadcast_in_dim3A_164 : vector<16xi32>
      %sub3A_402 = arith.subi %add3A_400, %broadcast_in_dim3A_164 : vector<16xi32>
      %select_n3A_403 = arith.select %ge3A_401, %sub3A_402, %add3A_400 : vector<16xi1>, vector<16xi32>
      %gather3A_404 = tpu.vector_load_idx %arg9[%select_n3A_403] : memref<544xi32, #tpu.memory_space<vmem>>[vector<16xi32>], vector<16xi32>,
      %add3A_405 = arith.addi %gather3A_404, %broadcast_in_dim3A_131 : vector<16xi32>
      %swap3A_406 = arith.constant 2 : i32
      %swap3A_407 = arith.index_cast %select_n3A_146 : i32 to index
      %swap3A_408 = arith.index_cast %swap3A_406 : i32 to index
      %swap3A_409 = arith.constant 64 : index
      %swap3A_410 = tpu.vector_load %arg10[%swap3A_407, %swap3A_408, %swap3A_409] {strides = array<i32>} : memref<2x4x128xi32, #tpu.memory_space<vmem>>, vector<16xi32>,
      tpu.vector_store %arg10[%swap3A_407, %swap3A_408, %swap3A_409], %add3A_405 {strides = array<i32>} : memref<2x4x128xi32, #tpu.memory_space<vmem>>, vector<16xi32>,
      %add3A_411 = arith.addi %select_n3A_403, %broadcast_in_dim3A_163 : vector<16xi32>
      %ge3A_412 = arith.cmpi sge, %add3A_411, %broadcast_in_dim3A_164 : vector<16xi32>
      %sub3A_413 = arith.subi %add3A_411, %broadcast_in_dim3A_164 : vector<16xi32>
      %select_n3A_414 = arith.select %ge3A_412, %sub3A_413, %add3A_411 : vector<16xi1>, vector<16xi32>
      %gather3A_415 = tpu.vector_load_idx %arg9[%select_n3A_414] : memref<544xi32, #tpu.memory_space<vmem>>[vector<16xi32>], vector<16xi32>,
      %add3A_416 = arith.addi %gather3A_415, %broadcast_in_dim3A_131 : vector<16xi32>
      %swap3A_417 = arith.constant 2 : i32
      %swap3A_418 = arith.index_cast %select_n3A_146 : i32 to index
      %swap3A_419 = arith.index_cast %swap3A_417 : i32 to index
      %swap3A_420 = arith.constant 80 : index
      %swap3A_421 = tpu.vector_load %arg10[%swap3A_418, %swap3A_419, %swap3A_420] {strides = array<i32>} : memref<2x4x128xi32, #tpu.memory_space<vmem>>, vector<16xi32>,
      tpu.vector_store %arg10[%swap3A_418, %swap3A_419, %swap3A_420], %add3A_416 {strides = array<i32>} : memref<2x4x128xi32, #tpu.memory_space<vmem>>, vector<16xi32>,
      %add3A_422 = arith.addi %select_n3A_414, %broadcast_in_dim3A_163 : vector<16xi32>
      %ge3A_423 = arith.cmpi sge, %add3A_422, %broadcast_in_dim3A_164 : vector<16xi32>
      %sub3A_424 = arith.subi %add3A_422, %broadcast_in_dim3A_164 : vector<16xi32>
      %select_n3A_425 = arith.select %ge3A_423, %sub3A_424, %add3A_422 : vector<16xi1>, vector<16xi32>
      %gather3A_426 = tpu.vector_load_idx %arg9[%select_n3A_425] : memref<544xi32, #tpu.memory_space<vmem>>[vector<16xi32>], vector<16xi32>,
      %add3A_427 = arith.addi %gather3A_426, %broadcast_in_dim3A_131 : vector<16xi32>
      %swap3A_428 = arith.constant 2 : i32
      %swap3A_429 = arith.index_cast %select_n3A_146 : i32 to index
      %swap3A_430 = arith.index_cast %swap3A_428 : i32 to index
      %swap3A_431 = arith.constant 96 : index
      %swap3A_432 = tpu.vector_load %arg10[%swap3A_429, %swap3A_430, %swap3A_431] {strides = array<i32>} : memref<2x4x128xi32, #tpu.memory_space<vmem>>, vector<16xi32>,
      tpu.vector_store %arg10[%swap3A_429, %swap3A_430, %swap3A_431], %add3A_427 {strides = array<i32>} : memref<2x4x128xi32, #tpu.memory_space<vmem>>, vector<16xi32>,
      %add3A_433 = arith.addi %select_n3A_425, %broadcast_in_dim3A_163 : vector<16xi32>
      %ge3A_434 = arith.cmpi sge, %add3A_433, %broadcast_in_dim3A_164 : vector<16xi32>
      %sub3A_435 = arith.subi %add3A_433, %broadcast_in_dim3A_164 : vector<16xi32>
      %select_n3A_436 = arith.select %ge3A_434, %sub3A_435, %add3A_433 : vector<16xi1>, vector<16xi32>
      %gather3A_437 = tpu.vector_load_idx %arg9[%select_n3A_436] : memref<544xi32, #tpu.memory_space<vmem>>[vector<16xi32>], vector<16xi32>,
      %add3A_438 = arith.addi %gather3A_437, %broadcast_in_dim3A_131 : vector<16xi32>
      %swap3A_439 = arith.constant 2 : i32
      %swap3A_440 = arith.index_cast %select_n3A_146 : i32 to index
      %swap3A_441 = arith.index_cast %swap3A_439 : i32 to index
      %swap3A_442 = arith.constant 112 : index
      %swap3A_443 = tpu.vector_load %arg10[%swap3A_440, %swap3A_441, %swap3A_442] {strides = array<i32>} : memref<2x4x128xi32, #tpu.memory_space<vmem>>, vector<16xi32>,
      tpu.vector_store %arg10[%swap3A_440, %swap3A_441, %swap3A_442], %add3A_438 {strides = array<i32>} : memref<2x4x128xi32, #tpu.memory_space<vmem>>, vector<16xi32>,
      %add3A_444 = arith.addi %select_n3A_436, %broadcast_in_dim3A_163 : vector<16xi32>
      %ge3A_445 = arith.cmpi sge, %add3A_444, %broadcast_in_dim3A_164 : vector<16xi32>
      %sub3A_446 = arith.subi %add3A_444, %broadcast_in_dim3A_164 : vector<16xi32>
      %select_n3A_447 = arith.select %ge3A_445, %sub3A_446, %add3A_444 : vector<16xi1>, vector<16xi32>
      %gather3A_448 = tpu.vector_load_idx %arg9[%select_n3A_447] : memref<544xi32, #tpu.memory_space<vmem>>[vector<16xi32>], vector<16xi32>,
      %add3A_449 = arith.addi %gather3A_448, %broadcast_in_dim3A_131 : vector<16xi32>
      %swap3A_450 = arith.constant 3 : i32
      %swap3A_451 = arith.index_cast %select_n3A_146 : i32 to index
      %swap3A_452 = arith.index_cast %swap3A_450 : i32 to index
      %swap3A_453 = arith.constant 0 : index
      %swap3A_454 = tpu.vector_load %arg10[%swap3A_451, %swap3A_452, %swap3A_453] {strides = array<i32>} : memref<2x4x128xi32, #tpu.memory_space<vmem>>, vector<16xi32>,
      tpu.vector_store %arg10[%swap3A_451, %swap3A_452, %swap3A_453], %add3A_449 {strides = array<i32>} : memref<2x4x128xi32, #tpu.memory_space<vmem>>, vector<16xi32>,
      %add3A_455 = arith.addi %select_n3A_447, %broadcast_in_dim3A_163 : vector<16xi32>
      %ge3A_456 = arith.cmpi sge, %add3A_455, %broadcast_in_dim3A_164 : vector<16xi32>
      %sub3A_457 = arith.subi %add3A_455, %broadcast_in_dim3A_164 : vector<16xi32>
      %select_n3A_458 = arith.select %ge3A_456, %sub3A_457, %add3A_455 : vector<16xi1>, vector<16xi32>
      %gather3A_459 = tpu.vector_load_idx %arg9[%select_n3A_458] : memref<544xi32, #tpu.memory_space<vmem>>[vector<16xi32>], vector<16xi32>,
      %add3A_460 = arith.addi %gather3A_459, %broadcast_in_dim3A_131 : vector<16xi32>
      %swap3A_461 = arith.constant 3 : i32
      %swap3A_462 = arith.index_cast %select_n3A_146 : i32 to index
      %swap3A_463 = arith.index_cast %swap3A_461 : i32 to index
      %swap3A_464 = arith.constant 16 : index
      %swap3A_465 = tpu.vector_load %arg10[%swap3A_462, %swap3A_463, %swap3A_464] {strides = array<i32>} : memref<2x4x128xi32, #tpu.memory_space<vmem>>, vector<16xi32>,
      tpu.vector_store %arg10[%swap3A_462, %swap3A_463, %swap3A_464], %add3A_460 {strides = array<i32>} : memref<2x4x128xi32, #tpu.memory_space<vmem>>, vector<16xi32>,
      %add3A_466 = arith.addi %select_n3A_458, %broadcast_in_dim3A_163 : vector<16xi32>
      %ge3A_467 = arith.cmpi sge, %add3A_466, %broadcast_in_dim3A_164 : vector<16xi32>
      %sub3A_468 = arith.subi %add3A_466, %broadcast_in_dim3A_164 : vector<16xi32>
      %select_n3A_469 = arith.select %ge3A_467, %sub3A_468, %add3A_466 : vector<16xi1>, vector<16xi32>
      %gather3A_470 = tpu.vector_load_idx %arg9[%select_n3A_469] : memref<544xi32, #tpu.memory_space<vmem>>[vector<16xi32>], vector<16xi32>,
      %add3A_471 = arith.addi %gather3A_470, %broadcast_in_dim3A_131 : vector<16xi32>
      %swap3A_472 = arith.constant 3 : i32
      %swap3A_473 = arith.index_cast %select_n3A_146 : i32 to index
      %swap3A_474 = arith.index_cast %swap3A_472 : i32 to index
      %swap3A_475 = arith.constant 32 : index
      %swap3A_476 = tpu.vector_load %arg10[%swap3A_473, %swap3A_474, %swap3A_475] {strides = array<i32>} : memref<2x4x128xi32, #tpu.memory_space<vmem>>, vector<16xi32>,
      tpu.vector_store %arg10[%swap3A_473, %swap3A_474, %swap3A_475], %add3A_471 {strides = array<i32>} : memref<2x4x128xi32, #tpu.memory_space<vmem>>, vector<16xi32>,
      %add3A_477 = arith.addi %select_n3A_469, %broadcast_in_dim3A_163 : vector<16xi32>
      %ge3A_478 = arith.cmpi sge, %add3A_477, %broadcast_in_dim3A_164 : vector<16xi32>
      %sub3A_479 = arith.subi %add3A_477, %broadcast_in_dim3A_164 : vector<16xi32>
      %select_n3A_480 = arith.select %ge3A_478, %sub3A_479, %add3A_477 : vector<16xi1>, vector<16xi32>
      %gather3A_481 = tpu.vector_load_idx %arg9[%select_n3A_480] : memref<544xi32, #tpu.memory_space<vmem>>[vector<16xi32>], vector<16xi32>,
      %add3A_482 = arith.addi %gather3A_481, %broadcast_in_dim3A_131 : vector<16xi32>
      %swap3A_483 = arith.constant 3 : i32
      %swap3A_484 = arith.index_cast %select_n3A_146 : i32 to index
      %swap3A_485 = arith.index_cast %swap3A_483 : i32 to index
      %swap3A_486 = arith.constant 48 : index
      %swap3A_487 = tpu.vector_load %arg10[%swap3A_484, %swap3A_485, %swap3A_486] {strides = array<i32>} : memref<2x4x128xi32, #tpu.memory_space<vmem>>, vector<16xi32>,
      tpu.vector_store %arg10[%swap3A_484, %swap3A_485, %swap3A_486], %add3A_482 {strides = array<i32>} : memref<2x4x128xi32, #tpu.memory_space<vmem>>, vector<16xi32>,
      %add3A_488 = arith.addi %select_n3A_480, %broadcast_in_dim3A_163 : vector<16xi32>
      %ge3A_489 = arith.cmpi sge, %add3A_488, %broadcast_in_dim3A_164 : vector<16xi32>
      %sub3A_490 = arith.subi %add3A_488, %broadcast_in_dim3A_164 : vector<16xi32>
      %select_n3A_491 = arith.select %ge3A_489, %sub3A_490, %add3A_488 : vector<16xi1>, vector<16xi32>
      %gather3A_492 = tpu.vector_load_idx %arg9[%select_n3A_491] : memref<544xi32, #tpu.memory_space<vmem>>[vector<16xi32>], vector<16xi32>,
      %add3A_493 = arith.addi %gather3A_492, %broadcast_in_dim3A_131 : vector<16xi32>
      %swap3A_494 = arith.constant 3 : i32
      %swap3A_495 = arith.index_cast %select_n3A_146 : i32 to index
      %swap3A_496 = arith.index_cast %swap3A_494 : i32 to index
      %swap3A_497 = arith.constant 64 : index
      %swap3A_498 = tpu.vector_load %arg10[%swap3A_495, %swap3A_496, %swap3A_497] {strides = array<i32>} : memref<2x4x128xi32, #tpu.memory_space<vmem>>, vector<16xi32>,
      tpu.vector_store %arg10[%swap3A_495, %swap3A_496, %swap3A_497], %add3A_493 {strides = array<i32>} : memref<2x4x128xi32, #tpu.memory_space<vmem>>, vector<16xi32>,
      %add3A_499 = arith.addi %select_n3A_491, %broadcast_in_dim3A_163 : vector<16xi32>
      %ge3A_500 = arith.cmpi sge, %add3A_499, %broadcast_in_dim3A_164 : vector<16xi32>
      %sub3A_501 = arith.subi %add3A_499, %broadcast_in_dim3A_164 : vector<16xi32>
      %select_n3A_502 = arith.select %ge3A_500, %sub3A_501, %add3A_499 : vector<16xi1>, vector<16xi32>
      %gather3A_503 = tpu.vector_load_idx %arg9[%select_n3A_502] : memref<544xi32, #tpu.memory_space<vmem>>[vector<16xi32>], vector<16xi32>,
      %add3A_504 = arith.addi %gather3A_503, %broadcast_in_dim3A_131 : vector<16xi32>
      %swap3A_505 = arith.constant 3 : i32
      %swap3A_506 = arith.index_cast %select_n3A_146 : i32 to index
      %swap3A_507 = arith.index_cast %swap3A_505 : i32 to index
      %swap3A_508 = arith.constant 80 : index
      %swap3A_509 = tpu.vector_load %arg10[%swap3A_506, %swap3A_507, %swap3A_508] {strides = array<i32>} : memref<2x4x128xi32, #tpu.memory_space<vmem>>, vector<16xi32>,
      tpu.vector_store %arg10[%swap3A_506, %swap3A_507, %swap3A_508], %add3A_504 {strides = array<i32>} : memref<2x4x128xi32, #tpu.memory_space<vmem>>, vector<16xi32>,
      %add3A_510 = arith.addi %select_n3A_502, %broadcast_in_dim3A_163 : vector<16xi32>
      %ge3A_511 = arith.cmpi sge, %add3A_510, %broadcast_in_dim3A_164 : vector<16xi32>
      %sub3A_512 = arith.subi %add3A_510, %broadcast_in_dim3A_164 : vector<16xi32>
      %select_n3A_513 = arith.select %ge3A_511, %sub3A_512, %add3A_510 : vector<16xi1>, vector<16xi32>
      %gather3A_514 = tpu.vector_load_idx %arg9[%select_n3A_513] : memref<544xi32, #tpu.memory_space<vmem>>[vector<16xi32>], vector<16xi32>,
      %add3A_515 = arith.addi %gather3A_514, %broadcast_in_dim3A_131 : vector<16xi32>
      %swap3A_516 = arith.constant 3 : i32
      %swap3A_517 = arith.index_cast %select_n3A_146 : i32 to index
      %swap3A_518 = arith.index_cast %swap3A_516 : i32 to index
      %swap3A_519 = arith.constant 96 : index
      %swap3A_520 = tpu.vector_load %arg10[%swap3A_517, %swap3A_518, %swap3A_519] {strides = array<i32>} : memref<2x4x128xi32, #tpu.memory_space<vmem>>, vector<16xi32>,
      tpu.vector_store %arg10[%swap3A_517, %swap3A_518, %swap3A_519], %add3A_515 {strides = array<i32>} : memref<2x4x128xi32, #tpu.memory_space<vmem>>, vector<16xi32>,
      %add3A_521 = arith.addi %select_n3A_513, %broadcast_in_dim3A_163 : vector<16xi32>
      %ge3A_522 = arith.cmpi sge, %add3A_521, %broadcast_in_dim3A_164 : vector<16xi32>
      %sub3A_523 = arith.subi %add3A_521, %broadcast_in_dim3A_164 : vector<16xi32>
      %select_n3A_524 = arith.select %ge3A_522, %sub3A_523, %add3A_521 : vector<16xi1>, vector<16xi32>
      %gather3A_525 = tpu.vector_load_idx %arg9[%select_n3A_524] : memref<544xi32, #tpu.memory_space<vmem>>[vector<16xi32>], vector<16xi32>,
      %add3A_526 = arith.addi %gather3A_525, %broadcast_in_dim3A_131 : vector<16xi32>
      %swap3A_527 = arith.constant 3 : i32
      %swap3A_528 = arith.index_cast %select_n3A_146 : i32 to index
      %swap3A_529 = arith.index_cast %swap3A_527 : i32 to index
      %swap3A_530 = arith.constant 112 : index
      %swap3A_531 = tpu.vector_load %arg10[%swap3A_528, %swap3A_529, %swap3A_530] {strides = array<i32>} : memref<2x4x128xi32, #tpu.memory_space<vmem>>, vector<16xi32>,
      tpu.vector_store %arg10[%swap3A_528, %swap3A_529, %swap3A_530], %add3A_526 {strides = array<i32>} : memref<2x4x128xi32, #tpu.memory_space<vmem>>, vector<16xi32>,
      %add3A_532 = arith.addi %select_n3A_524, %broadcast_in_dim3A_163 : vector<16xi32>
      %ge3A_533 = arith.cmpi sge, %add3A_532, %broadcast_in_dim3A_164 : vector<16xi32>
      %sub3A_534 = arith.subi %add3A_532, %broadcast_in_dim3A_164 : vector<16xi32>
      %select_n3A_535 = arith.select %ge3A_533, %sub3A_534, %add3A_532 : vector<16xi1>, vector<16xi32>
      %gt3A = arith.constant 0 : i32
      %gt3A_536 = arith.cmpi sgt, %scan3A_86, %gt3A : i32
      %convert_element_type3A_537 = arith.extui %gt3A_536 : i1 to i32
      %cond3A = arith.constant 0 : i32
      %cond3A_538 = arith.cmpi ne, %convert_element_type3A_537, %cond3A : i32
      scf.if %cond3A_538 {
        %dma_wait3A_579 = arith.constant 0 : i32
        %dma_wait3A_580 = arith.constant 0 : i32
        %dma_wait3A_581 = tpu.memref_slice %arg11[%dma_wait3A_579, %dma_wait3A_580] : memref<512x128xf32, #tpu.memory_space<vmem>> -> memref<128x128xf32, #tpu.memory_space<vmem>>
        %dma_wait3A_582 = arith.constant 0 : i32
        %dma_wait3A_583 = arith.constant 0 : i32
        %dma_wait3A_584 = tpu.memref_slice %arg3[%dma_wait3A_582, %dma_wait3A_583] : memref<131080x128xf32, #tpu.memory_space<hbm>> -> memref<128x128xf32, #tpu.memory_space<hbm>>
        %dma_wait3A_585 = arith.constant 0 : i32
        %dma_wait3A_586 = arith.constant 0 : i32
        %dma_wait3A_587 = tpu.memref_slice %arg11[%dma_wait3A_585, %dma_wait3A_586] : memref<512x128xf32, #tpu.memory_space<vmem>> -> memref<128x128xf32, #tpu.memory_space<vmem>>
        %dma_wait3A_588 = arith.constant 0 : i32
        %dma_wait3A_589 = arith.constant 0 : i32
        %dma_wait3A_590 = tpu.memref_slice %arg3[%dma_wait3A_588, %dma_wait3A_589] : memref<131080x128xf32, #tpu.memory_space<hbm>> -> memref<128x128xf32, #tpu.memory_space<hbm>>
        tpu.wait_dma2 semaphore(%arg13 : memref<!tpu.dma_semaphore, #tpu.memory_space<semaphore_mem>>) src(%dma_wait3A_590 : memref<128x128xf32, #tpu.memory_space<hbm>>) dst(%dma_wait3A_587 : memref<128x128xf32, #tpu.memory_space<vmem>>)
        %dma_wait3A_591 = arith.constant 128 : i32
        %dma_wait3A_592 = arith.constant 0 : i32
        %dma_wait3A_593 = tpu.memref_slice %arg11[%dma_wait3A_591, %dma_wait3A_592] : memref<512x128xf32, #tpu.memory_space<vmem>> -> memref<128x128xf32, #tpu.memory_space<vmem>>
        %dma_wait3A_594 = arith.constant 0 : i32
        %dma_wait3A_595 = arith.constant 0 : i32
        %dma_wait3A_596 = tpu.memref_slice %arg3[%dma_wait3A_594, %dma_wait3A_595] : memref<131080x128xf32, #tpu.memory_space<hbm>> -> memref<128x128xf32, #tpu.memory_space<hbm>>
        %dma_wait3A_597 = arith.constant 128 : i32
        %dma_wait3A_598 = arith.constant 0 : i32
        %dma_wait3A_599 = tpu.memref_slice %arg11[%dma_wait3A_597, %dma_wait3A_598] : memref<512x128xf32, #tpu.memory_space<vmem>> -> memref<128x128xf32, #tpu.memory_space<vmem>>
        %dma_wait3A_600 = arith.constant 0 : i32
        %dma_wait3A_601 = arith.constant 0 : i32
        %dma_wait3A_602 = tpu.memref_slice %arg3[%dma_wait3A_600, %dma_wait3A_601] : memref<131080x128xf32, #tpu.memory_space<hbm>> -> memref<128x128xf32, #tpu.memory_space<hbm>>
        tpu.wait_dma2 semaphore(%arg13 : memref<!tpu.dma_semaphore, #tpu.memory_space<semaphore_mem>>) src(%dma_wait3A_602 : memref<128x128xf32, #tpu.memory_space<hbm>>) dst(%dma_wait3A_599 : memref<128x128xf32, #tpu.memory_space<vmem>>)
        %dma_wait3A_603 = arith.constant 256 : i32
        %dma_wait3A_604 = arith.constant 0 : i32
        %dma_wait3A_605 = tpu.memref_slice %arg11[%dma_wait3A_603, %dma_wait3A_604] : memref<512x128xf32, #tpu.memory_space<vmem>> -> memref<128x128xf32, #tpu.memory_space<vmem>>
        %dma_wait3A_606 = arith.constant 0 : i32
        %dma_wait3A_607 = arith.constant 0 : i32
        %dma_wait3A_608 = tpu.memref_slice %arg3[%dma_wait3A_606, %dma_wait3A_607] : memref<131080x128xf32, #tpu.memory_space<hbm>> -> memref<128x128xf32, #tpu.memory_space<hbm>>
        %dma_wait3A_609 = arith.constant 256 : i32
        %dma_wait3A_610 = arith.constant 0 : i32
        %dma_wait3A_611 = tpu.memref_slice %arg11[%dma_wait3A_609, %dma_wait3A_610] : memref<512x128xf32, #tpu.memory_space<vmem>> -> memref<128x128xf32, #tpu.memory_space<vmem>>
        %dma_wait3A_612 = arith.constant 0 : i32
        %dma_wait3A_613 = arith.constant 0 : i32
        %dma_wait3A_614 = tpu.memref_slice %arg3[%dma_wait3A_612, %dma_wait3A_613] : memref<131080x128xf32, #tpu.memory_space<hbm>> -> memref<128x128xf32, #tpu.memory_space<hbm>>
        tpu.wait_dma2 semaphore(%arg13 : memref<!tpu.dma_semaphore, #tpu.memory_space<semaphore_mem>>) src(%dma_wait3A_614 : memref<128x128xf32, #tpu.memory_space<hbm>>) dst(%dma_wait3A_611 : memref<128x128xf32, #tpu.memory_space<vmem>>)
        %dma_wait3A_615 = arith.constant 384 : i32
        %dma_wait3A_616 = arith.constant 0 : i32
        %dma_wait3A_617 = tpu.memref_slice %arg11[%dma_wait3A_615, %dma_wait3A_616] : memref<512x128xf32, #tpu.memory_space<vmem>> -> memref<128x128xf32, #tpu.memory_space<vmem>>
        %dma_wait3A_618 = arith.constant 0 : i32
        %dma_wait3A_619 = arith.constant 0 : i32
        %dma_wait3A_620 = tpu.memref_slice %arg3[%dma_wait3A_618, %dma_wait3A_619] : memref<131080x128xf32, #tpu.memory_space<hbm>> -> memref<128x128xf32, #tpu.memory_space<hbm>>
        %dma_wait3A_621 = arith.constant 384 : i32
        %dma_wait3A_622 = arith.constant 0 : i32
        %dma_wait3A_623 = tpu.memref_slice %arg11[%dma_wait3A_621, %dma_wait3A_622] : memref<512x128xf32, #tpu.memory_space<vmem>> -> memref<128x128xf32, #tpu.memory_space<vmem>>
        %dma_wait3A_624 = arith.constant 0 : i32
        %dma_wait3A_625 = arith.constant 0 : i32
        %dma_wait3A_626 = tpu.memref_slice %arg3[%dma_wait3A_624, %dma_wait3A_625] : memref<131080x128xf32, #tpu.memory_space<hbm>> -> memref<128x128xf32, #tpu.memory_space<hbm>>
        tpu.wait_dma2 semaphore(%arg13 : memref<!tpu.dma_semaphore, #tpu.memory_space<semaphore_mem>>) src(%dma_wait3A_626 : memref<128x128xf32, #tpu.memory_space<hbm>>) dst(%dma_wait3A_623 : memref<128x128xf32, #tpu.memory_space<vmem>>)
        %add3A_627 = arith.addi %mul3A_2, %scan3A_86 : i32
        %sub3A_628 = arith.constant 1 : i32
        %sub3A_629 = arith.subi %add3A_627, %sub3A_628 : i32
        %mul3A_630 = arith.constant 512 : i32
        %mul3A_631 = arith.muli %sub3A_629, %mul3A_630 : i32
        "tpu.region"() ({
          %run_scoped3A = tpu.sem_alloc : memref<!tpu.dma_semaphore, #tpu.memory_space<semaphore_mem>>
          %dma_start3A_632 = arith.constant 0 : i32
          %dma_start3A_633 = arith.constant 0 : i32
          %dma_start3A_634 = tpu.memref_slice %arg11[%dma_start3A_632, %dma_start3A_633] : memref<512x128xf32, #tpu.memory_space<vmem>> -> memref<512x24xf32, #tpu.memory_space<vmem>>
          %dma_start3A_635 = arith.constant 0 : i32
          %dma_start3A_636 = tpu.memref_slice %arg5[%mul3A_631, %dma_start3A_635] : memref<524288x128xf32, #tpu.memory_space<hbm>> -> memref<512x24xf32, #tpu.memory_space<hbm>>
          %dma_start3A_637 = arith.constant 0 : i32
          %dma_start3A_638 = tpu.memref_slice %arg5[%mul3A_631, %dma_start3A_637] : memref<524288x128xf32, #tpu.memory_space<hbm>> -> memref<512x24xf32, #tpu.memory_space<hbm>>
          %dma_start3A_639 = arith.constant 0 : i32
          %dma_start3A_640 = arith.constant 0 : i32
          %dma_start3A_641 = tpu.memref_slice %arg11[%dma_start3A_639, %dma_start3A_640] : memref<512x128xf32, #tpu.memory_space<vmem>> -> memref<512x24xf32, #tpu.memory_space<vmem>>
          tpu.enqueue_dma source(%dma_start3A_641 : memref<512x24xf32, #tpu.memory_space<vmem>>) target(%dma_start3A_638 : memref<512x24xf32, #tpu.memory_space<hbm>>) target_semaphore(%run_scoped3A : memref<!tpu.dma_semaphore, #tpu.memory_space<semaphore_mem>>)
          %dma_wait3A_642 = arith.constant 0 : i32
          %dma_wait3A_643 = arith.constant 0 : i32
          %dma_wait3A_644 = tpu.memref_slice %arg11[%dma_wait3A_642, %dma_wait3A_643] : memref<512x128xf32, #tpu.memory_space<vmem>> -> memref<512x24xf32, #tpu.memory_space<vmem>>
          %dma_wait3A_645 = arith.constant 0 : i32
          %dma_wait3A_646 = tpu.memref_slice %arg5[%mul3A_631, %dma_wait3A_645] : memref<524288x128xf32, #tpu.memory_space<hbm>> -> memref<512x24xf32, #tpu.memory_space<hbm>>
          %dma_wait3A_647 = arith.constant 0 : i32
          %dma_wait3A_648 = tpu.memref_slice %arg5[%mul3A_631, %dma_wait3A_647] : memref<524288x128xf32, #tpu.memory_space<hbm>> -> memref<512x24xf32, #tpu.memory_space<hbm>>
          %dma_wait3A_649 = arith.constant 0 : i32
          %dma_wait3A_650 = arith.constant 0 : i32
          %dma_wait3A_651 = tpu.memref_slice %arg11[%dma_wait3A_649, %dma_wait3A_650] : memref<512x128xf32, #tpu.memory_space<vmem>> -> memref<512x24xf32, #tpu.memory_space<vmem>>
          tpu.wait_dma2 semaphore(%run_scoped3A : memref<!tpu.dma_semaphore, #tpu.memory_space<semaphore_mem>>) src(%dma_wait3A_651 : memref<512x24xf32, #tpu.memory_space<vmem>>) dst(%dma_wait3A_648 : memref<512x24xf32, #tpu.memory_space<hbm>>)
          tpu.yield
        }) : () -> ()
      } else {
      }
      %dma_start3A = arith.constant 0 : i32
      %dma_start3A_539 = arith.constant 0 : i32
      %dma_start3A_540 = arith.constant 0 : i32
      %dma_start3A_541 = tpu.memref_slice %arg11[%dma_start3A_539, %dma_start3A_540] : memref<512x128xf32, #tpu.memory_space<vmem>> -> memref<128x128xf32, #tpu.memory_space<vmem>>
      %dma_start3A_542 = arith.constant 0 : i32
      %dma_start3A_543 = tpu.memref_slice %arg10[%select_n3A_146, %dma_start3A, %dma_start3A_542] : memref<2x4x128xi32, #tpu.memory_space<vmem>> -> memref<1x1x128xi32, #tpu.memory_space<vmem>>
      %dma_start3A_544 = tpu.memref_squeeze %dma_start3A_543 : memref<1x1x128xi32, #tpu.memory_space<vmem>> -> memref<128xi32, #tpu.memory_space<vmem>>
      %dma_start3A_545 = arith.constant 0 : i32
      %dma_start3A_546 = arith.constant 0 : i32
      %dma_start3A_547 = tpu.memref_slice %arg3[%dma_start3A_545, %dma_start3A_546] : memref<131080x128xf32, #tpu.memory_space<hbm>> -> memref<131080x128xf32, #tpu.memory_space<hbm>>
      tpu.enqueue_indirect_dma source(%dma_start3A_547 : memref<131080x128xf32, #tpu.memory_space<hbm>>) target(%dma_start3A_541 : memref<128x128xf32, #tpu.memory_space<vmem>>) offsets(%dma_start3A_544 : memref<128xi32, #tpu.memory_space<vmem>>) semaphore(%arg13 : memref<!tpu.dma_semaphore, #tpu.memory_space<semaphore_mem>>)
      %dma_start3A_548 = arith.constant 1 : i32
      %dma_start3A_549 = arith.constant 128 : i32
      %dma_start3A_550 = arith.constant 0 : i32
      %dma_start3A_551 = tpu.memref_slice %arg11[%dma_start3A_549, %dma_start3A_550] : memref<512x128xf32, #tpu.memory_space<vmem>> -> memref<128x128xf32, #tpu.memory_space<vmem>>
      %dma_start3A_552 = arith.constant 0 : i32
      %dma_start3A_553 = tpu.memref_slice %arg10[%select_n3A_146, %dma_start3A_548, %dma_start3A_552] : memref<2x4x128xi32, #tpu.memory_space<vmem>> -> memref<1x1x128xi32, #tpu.memory_space<vmem>>
      %dma_start3A_554 = tpu.memref_squeeze %dma_start3A_553 : memref<1x1x128xi32, #tpu.memory_space<vmem>> -> memref<128xi32, #tpu.memory_space<vmem>>
      %dma_start3A_555 = arith.constant 0 : i32
      %dma_start3A_556 = arith.constant 0 : i32
      %dma_start3A_557 = tpu.memref_slice %arg3[%dma_start3A_555, %dma_start3A_556] : memref<131080x128xf32, #tpu.memory_space<hbm>> -> memref<131080x128xf32, #tpu.memory_space<hbm>>
      tpu.enqueue_indirect_dma source(%dma_start3A_557 : memref<131080x128xf32, #tpu.memory_space<hbm>>) target(%dma_start3A_551 : memref<128x128xf32, #tpu.memory_space<vmem>>) offsets(%dma_start3A_554 : memref<128xi32, #tpu.memory_space<vmem>>) semaphore(%arg13 : memref<!tpu.dma_semaphore, #tpu.memory_space<semaphore_mem>>)
      %dma_start3A_558 = arith.constant 2 : i32
      %dma_start3A_559 = arith.constant 256 : i32
      %dma_start3A_560 = arith.constant 0 : i32
      %dma_start3A_561 = tpu.memref_slice %arg11[%dma_start3A_559, %dma_start3A_560] : memref<512x128xf32, #tpu.memory_space<vmem>> -> memref<128x128xf32, #tpu.memory_space<vmem>>
      %dma_start3A_562 = arith.constant 0 : i32
      %dma_start3A_563 = tpu.memref_slice %arg10[%select_n3A_146, %dma_start3A_558, %dma_start3A_562] : memref<2x4x128xi32, #tpu.memory_space<vmem>> -> memref<1x1x128xi32, #tpu.memory_space<vmem>>
      %dma_start3A_564 = tpu.memref_squeeze %dma_start3A_563 : memref<1x1x128xi32, #tpu.memory_space<vmem>> -> memref<128xi32, #tpu.memory_space<vmem>>
      %dma_start3A_565 = arith.constant 0 : i32
      %dma_start3A_566 = arith.constant 0 : i32
      %dma_start3A_567 = tpu.memref_slice %arg3[%dma_start3A_565, %dma_start3A_566] : memref<131080x128xf32, #tpu.memory_space<hbm>> -> memref<131080x128xf32, #tpu.memory_space<hbm>>
      tpu.enqueue_indirect_dma source(%dma_start3A_567 : memref<131080x128xf32, #tpu.memory_space<hbm>>) target(%dma_start3A_561 : memref<128x128xf32, #tpu.memory_space<vmem>>) offsets(%dma_start3A_564 : memref<128xi32, #tpu.memory_space<vmem>>) semaphore(%arg13 : memref<!tpu.dma_semaphore, #tpu.memory_space<semaphore_mem>>)
      %dma_start3A_568 = arith.constant 3 : i32
      %dma_start3A_569 = arith.constant 384 : i32
      %dma_start3A_570 = arith.constant 0 : i32
      %dma_start3A_571 = tpu.memref_slice %arg11[%dma_start3A_569, %dma_start3A_570] : memref<512x128xf32, #tpu.memory_space<vmem>> -> memref<128x128xf32, #tpu.memory_space<vmem>>
      %dma_start3A_572 = arith.constant 0 : i32
      %dma_start3A_573 = tpu.memref_slice %arg10[%select_n3A_146, %dma_start3A_568, %dma_start3A_572] : memref<2x4x128xi32, #tpu.memory_space<vmem>> -> memref<1x1x128xi32, #tpu.memory_space<vmem>>
      %dma_start3A_574 = tpu.memref_squeeze %dma_start3A_573 : memref<1x1x128xi32, #tpu.memory_space<vmem>> -> memref<128xi32, #tpu.memory_space<vmem>>
      %dma_start3A_575 = arith.constant 0 : i32
      %dma_start3A_576 = arith.constant 0 : i32
      %dma_start3A_577 = tpu.memref_slice %arg3[%dma_start3A_575, %dma_start3A_576] : memref<131080x128xf32, #tpu.memory_space<hbm>> -> memref<131080x128xf32, #tpu.memory_space<hbm>>
      tpu.enqueue_indirect_dma source(%dma_start3A_577 : memref<131080x128xf32, #tpu.memory_space<hbm>>) target(%dma_start3A_571 : memref<128x128xf32, #tpu.memory_space<vmem>>) offsets(%dma_start3A_574 : memref<128xi32, #tpu.memory_space<vmem>>) semaphore(%arg13 : memref<!tpu.dma_semaphore, #tpu.memory_space<semaphore_mem>>)
      %scan3A_578 = arith.constant 0 : i32
      scf.yield %scan3A_578 : i32
    }
    %scan3A_32 = arith.constant 32 : i32
    %dma_wait3A = arith.constant 0 : i32
    %dma_wait3A_33 = arith.constant 0 : i32
    %dma_wait3A_34 = tpu.memref_slice %arg11[%dma_wait3A, %dma_wait3A_33] : memref<512x128xf32, #tpu.memory_space<vmem>> -> memref<128x128xf32, #tpu.memory_space<vmem>>
    %dma_wait3A_35 = arith.constant 0 : i32
    %dma_wait3A_36 = arith.constant 0 : i32
    %dma_wait3A_37 = tpu.memref_slice %arg3[%dma_wait3A_35, %dma_wait3A_36] : memref<131080x128xf32, #tpu.memory_space<hbm>> -> memref<128x128xf32, #tpu.memory_space<hbm>>
    %dma_wait3A_38 = arith.constant 0 : i32
    %dma_wait3A_39 = arith.constant 0 : i32
    %dma_wait3A_40 = tpu.memref_slice %arg11[%dma_wait3A_38, %dma_wait3A_39] : memref<512x128xf32, #tpu.memory_space<vmem>> -> memref<128x128xf32, #tpu.memory_space<vmem>>
    %dma_wait3A_41 = arith.constant 0 : i32
    %dma_wait3A_42 = arith.constant 0 : i32
    %dma_wait3A_43 = tpu.memref_slice %arg3[%dma_wait3A_41, %dma_wait3A_42] : memref<131080x128xf32, #tpu.memory_space<hbm>> -> memref<128x128xf32, #tpu.memory_space<hbm>>
    tpu.wait_dma2 semaphore(%arg13 : memref<!tpu.dma_semaphore, #tpu.memory_space<semaphore_mem>>) src(%dma_wait3A_43 : memref<128x128xf32, #tpu.memory_space<hbm>>) dst(%dma_wait3A_40 : memref<128x128xf32, #tpu.memory_space<vmem>>)
    %dma_wait3A_44 = arith.constant 128 : i32
    %dma_wait3A_45 = arith.constant 0 : i32
    %dma_wait3A_46 = tpu.memref_slice %arg11[%dma_wait3A_44, %dma_wait3A_45] : memref<512x128xf32, #tpu.memory_space<vmem>> -> memref<128x128xf32, #tpu.memory_space<vmem>>
    %dma_wait3A_47 = arith.constant 0 : i32
    %dma_wait3A_48 = arith.constant 0 : i32
    %dma_wait3A_49 = tpu.memref_slice %arg3[%dma_wait3A_47, %dma_wait3A_48] : memref<131080x128xf32, #tpu.memory_space<hbm>> -> memref<128x128xf32, #tpu.memory_space<hbm>>
    %dma_wait3A_50 = arith.constant 128 : i32
    %dma_wait3A_51 = arith.constant 0 : i32
    %dma_wait3A_52 = tpu.memref_slice %arg11[%dma_wait3A_50, %dma_wait3A_51] : memref<512x128xf32, #tpu.memory_space<vmem>> -> memref<128x128xf32, #tpu.memory_space<vmem>>
    %dma_wait3A_53 = arith.constant 0 : i32
    %dma_wait3A_54 = arith.constant 0 : i32
    %dma_wait3A_55 = tpu.memref_slice %arg3[%dma_wait3A_53, %dma_wait3A_54] : memref<131080x128xf32, #tpu.memory_space<hbm>> -> memref<128x128xf32, #tpu.memory_space<hbm>>
    tpu.wait_dma2 semaphore(%arg13 : memref<!tpu.dma_semaphore, #tpu.memory_space<semaphore_mem>>) src(%dma_wait3A_55 : memref<128x128xf32, #tpu.memory_space<hbm>>) dst(%dma_wait3A_52 : memref<128x128xf32, #tpu.memory_space<vmem>>)
    %dma_wait3A_56 = arith.constant 256 : i32
    %dma_wait3A_57 = arith.constant 0 : i32
    %dma_wait3A_58 = tpu.memref_slice %arg11[%dma_wait3A_56, %dma_wait3A_57] : memref<512x128xf32, #tpu.memory_space<vmem>> -> memref<128x128xf32, #tpu.memory_space<vmem>>
    %dma_wait3A_59 = arith.constant 0 : i32
    %dma_wait3A_60 = arith.constant 0 : i32
    %dma_wait3A_61 = tpu.memref_slice %arg3[%dma_wait3A_59, %dma_wait3A_60] : memref<131080x128xf32, #tpu.memory_space<hbm>> -> memref<128x128xf32, #tpu.memory_space<hbm>>
    %dma_wait3A_62 = arith.constant 256 : i32
    %dma_wait3A_63 = arith.constant 0 : i32
    %dma_wait3A_64 = tpu.memref_slice %arg11[%dma_wait3A_62, %dma_wait3A_63] : memref<512x128xf32, #tpu.memory_space<vmem>> -> memref<128x128xf32, #tpu.memory_space<vmem>>
    %dma_wait3A_65 = arith.constant 0 : i32
    %dma_wait3A_66 = arith.constant 0 : i32
    %dma_wait3A_67 = tpu.memref_slice %arg3[%dma_wait3A_65, %dma_wait3A_66] : memref<131080x128xf32, #tpu.memory_space<hbm>> -> memref<128x128xf32, #tpu.memory_space<hbm>>
    tpu.wait_dma2 semaphore(%arg13 : memref<!tpu.dma_semaphore, #tpu.memory_space<semaphore_mem>>) src(%dma_wait3A_67 : memref<128x128xf32, #tpu.memory_space<hbm>>) dst(%dma_wait3A_64 : memref<128x128xf32, #tpu.memory_space<vmem>>)
    %dma_wait3A_68 = arith.constant 384 : i32
    %dma_wait3A_69 = arith.constant 0 : i32
    %dma_wait3A_70 = tpu.memref_slice %arg11[%dma_wait3A_68, %dma_wait3A_69] : memref<512x128xf32, #tpu.memory_space<vmem>> -> memref<128x128xf32, #tpu.memory_space<vmem>>
    %dma_wait3A_71 = arith.constant 0 : i32
    %dma_wait3A_72 = arith.constant 0 : i32
    %dma_wait3A_73 = tpu.memref_slice %arg3[%dma_wait3A_71, %dma_wait3A_72] : memref<131080x128xf32, #tpu.memory_space<hbm>> -> memref<128x128xf32, #tpu.memory_space<hbm>>
    %dma_wait3A_74 = arith.constant 384 : i32
    %dma_wait3A_75 = arith.constant 0 : i32
    %dma_wait3A_76 = tpu.memref_slice %arg11[%dma_wait3A_74, %dma_wait3A_75] : memref<512x128xf32, #tpu.memory_space<vmem>> -> memref<128x128xf32, #tpu.memory_space<vmem>>
    %dma_wait3A_77 = arith.constant 0 : i32
    %dma_wait3A_78 = arith.constant 0 : i32
    %dma_wait3A_79 = tpu.memref_slice %arg3[%dma_wait3A_77, %dma_wait3A_78] : memref<131080x128xf32, #tpu.memory_space<hbm>> -> memref<128x128xf32, #tpu.memory_space<hbm>>
    tpu.wait_dma2 semaphore(%arg13 : memref<!tpu.dma_semaphore, #tpu.memory_space<semaphore_mem>>) src(%dma_wait3A_79 : memref<128x128xf32, #tpu.memory_space<hbm>>) dst(%dma_wait3A_76 : memref<128x128xf32, #tpu.memory_space<vmem>>)
    %add3A_80 = arith.constant 32 : i32
    %add3A_81 = arith.addi %mul3A_2, %add3A_80 : i32
    %sub3A_82 = arith.constant 1 : i32
    %sub3A_83 = arith.subi %add3A_81, %sub3A_82 : i32
    %mul3A_84 = arith.constant 512 : i32
    %mul3A_85 = arith.muli %sub3A_83, %mul3A_84 : i32
    "tpu.region"() ({
      %run_scoped3A = tpu.sem_alloc : memref<!tpu.dma_semaphore, #tpu.memory_space<semaphore_mem>>
      %dma_start3A = arith.constant 0 : i32
      %dma_start3A_86 = arith.constant 0 : i32
      %dma_start3A_87 = tpu.memref_slice %arg11[%dma_start3A, %dma_start3A_86] : memref<512x128xf32, #tpu.memory_space<vmem>> -> memref<512x24xf32, #tpu.memory_space<vmem>>
      %dma_start3A_88 = arith.constant 0 : i32
      %dma_start3A_89 = tpu.memref_slice %arg5[%mul3A_85, %dma_start3A_88] : memref<524288x128xf32, #tpu.memory_space<hbm>> -> memref<512x24xf32, #tpu.memory_space<hbm>>
      %dma_start3A_90 = arith.constant 0 : i32
      %dma_start3A_91 = tpu.memref_slice %arg5[%mul3A_85, %dma_start3A_90] : memref<524288x128xf32, #tpu.memory_space<hbm>> -> memref<512x24xf32, #tpu.memory_space<hbm>>
      %dma_start3A_92 = arith.constant 0 : i32
      %dma_start3A_93 = arith.constant 0 : i32
      %dma_start3A_94 = tpu.memref_slice %arg11[%dma_start3A_92, %dma_start3A_93] : memref<512x128xf32, #tpu.memory_space<vmem>> -> memref<512x24xf32, #tpu.memory_space<vmem>>
      tpu.enqueue_dma source(%dma_start3A_94 : memref<512x24xf32, #tpu.memory_space<vmem>>) target(%dma_start3A_91 : memref<512x24xf32, #tpu.memory_space<hbm>>) target_semaphore(%run_scoped3A : memref<!tpu.dma_semaphore, #tpu.memory_space<semaphore_mem>>)
      %dma_wait3A_95 = arith.constant 0 : i32
      %dma_wait3A_96 = arith.constant 0 : i32
      %dma_wait3A_97 = tpu.memref_slice %arg11[%dma_wait3A_95, %dma_wait3A_96] : memref<512x128xf32, #tpu.memory_space<vmem>> -> memref<512x24xf32, #tpu.memory_space<vmem>>
      %dma_wait3A_98 = arith.constant 0 : i32
      %dma_wait3A_99 = tpu.memref_slice %arg5[%mul3A_85, %dma_wait3A_98] : memref<524288x128xf32, #tpu.memory_space<hbm>> -> memref<512x24xf32, #tpu.memory_space<hbm>>
      %dma_wait3A_100 = arith.constant 0 : i32
      %dma_wait3A_101 = tpu.memref_slice %arg5[%mul3A_85, %dma_wait3A_100] : memref<524288x128xf32, #tpu.memory_space<hbm>> -> memref<512x24xf32, #tpu.memory_space<hbm>>
      %dma_wait3A_102 = arith.constant 0 : i32
      %dma_wait3A_103 = arith.constant 0 : i32
      %dma_wait3A_104 = tpu.memref_slice %arg11[%dma_wait3A_102, %dma_wait3A_103] : memref<512x128xf32, #tpu.memory_space<vmem>> -> memref<512x24xf32, #tpu.memory_space<vmem>>
      tpu.wait_dma2 semaphore(%run_scoped3A : memref<!tpu.dma_semaphore, #tpu.memory_space<semaphore_mem>>) src(%dma_wait3A_104 : memref<512x24xf32, #tpu.memory_space<vmem>>) dst(%dma_wait3A_101 : memref<512x24xf32, #tpu.memory_space<hbm>>)
      tpu.yield
    }) : () -> ()
    "tpu.region"() ({
      %run_scoped3A = tpu.sem_alloc : memref<!tpu.dma_semaphore, #tpu.memory_space<semaphore_mem>>
      %dma_start3A = tpu.memref_slice %arg6[%mul3A_2] : memref<1024xi32, #tpu.memory_space<hbm>> -> memref<32xi32, #tpu.memory_space<hbm>>
      %dma_start3A_86 = tpu.memref_slice %arg6[%mul3A_2] : memref<1024xi32, #tpu.memory_space<hbm>> -> memref<32xi32, #tpu.memory_space<hbm>>
      tpu.enqueue_dma source(%arg12 : memref<32xi32, #tpu.memory_space<vmem>>) target(%dma_start3A_86 : memref<32xi32, #tpu.memory_space<hbm>>) target_semaphore(%run_scoped3A : memref<!tpu.dma_semaphore, #tpu.memory_space<semaphore_mem>>)
      %dma_wait3A_87 = tpu.memref_slice %arg6[%mul3A_2] : memref<1024xi32, #tpu.memory_space<hbm>> -> memref<32xi32, #tpu.memory_space<hbm>>
      %dma_wait3A_88 = tpu.memref_slice %arg6[%mul3A_2] : memref<1024xi32, #tpu.memory_space<hbm>> -> memref<32xi32, #tpu.memory_space<hbm>>
      tpu.wait_dma2 semaphore(%run_scoped3A : memref<!tpu.dma_semaphore, #tpu.memory_space<semaphore_mem>>) src(%arg12 : memref<32xi32, #tpu.memory_space<vmem>>) dst(%dma_wait3A_88 : memref<32xi32, #tpu.memory_space<hbm>>)
      tpu.yield
    }) : () -> ()
    return
  }
}

</mosaic_0001>

<sc_bundles>
// kernel: kernel.3.cloned.1.call-start
scs
__scs_entry_jumppad:
0x0: {  	(pc) =	sbr.rel $0x88, $3  }
0x1: {  	(tag) =	ssettag $0x0;
	lr =	simm.s32 $0x1  }
0x2: {  	[smem:$0x3F9E] =	sst lr;
	_ =	strace $0xD0000000  }
0x3: {  	_ = 	snop  }
0x4: {  	_ = 	snop  }
0x5: {  	_ = 	snop  }
0x6: {  	_ = 	snop  }
0x7: {  	_ = 	snop  }
__scs_overlays_trampoline_lowered:
0x8: {  	[smem:$0x3FAD] =	sst s0  }
0x9: {  	[smem:$0x3FAE] =	sst s1  }
0xa: {  	[smem:$0x3FAF] =	sst s2  }
0xb: {  	[smem:$0x3FB0] =	sst s3  }
0xc: {  	[smem:$0x3FB1] =	sst s4  }
0xd: {  	[smem:$0x3FB2] =	sst s5  }
0xe: {  	[smem:$0x3FB3] =	sst s6  }
0xf: {  	[smem:$0x3FB4] =	sst s7  }
0x10: {  	[smem:$0x3FB5] =	sst s8  }
0x11: {  	[smem:$0x3FB6] =	sst s9;
	s0 =	simm.s32 @!p0 $0x0  }
0x12: {  	s1 =	sld [smem:$0x3F9C];
	s0 =	simm.s32 @p0 $0x1  }
0x13: {  	[smem:$0x3FB7] =	sst s0;
	s0 =	simm.s32 @!p1 $0x0  }
0x14: {  	s2 =	sld [smem:$0x3F9B];
	s0 =	simm.s32 @p1 $0x1  }
0x15: {  	[smem:$0x3FB8] =	sst s0;
	s0 =	simm.s32 @!p2 $0x0  }
0x16: {  	s3 =	sld [smem:$0x3FDB];
	s0 =	simm.s32 @p2 $0x1  }
0x17: {  	s4 =	simm.s32 $0x1BF5;
	[smem:$0x3FBA] =	sst s0  }
0x18: {  	s0 =	sld [smem:$0x3F9D];
	_ =	swait.ge [sflag:s4], $0x0  }
0x19: {  	s7 =	sld [smem:$0x3F9E]  }
0x1a: {  	s8 =	sadd.s32 $0xFFFFE003, lr  }
0x1b: {  	s9 =	sadd.s32 $0xFFFFFEF7, lr;
	s5 =	simm.s32 $0xFFFFFFFF;
	p2 =	slt.u32 s8, $0xFFFFF086  }
0x1c: {  	p1 =	slt.u32 s9, $0xF7A;
	s5 =	simm.s32 @!p2 $0x0  }
0x1d: {  	s5 =	simm.s32 @p1 $0x1;
	p0 =	seq.s32 s7, s2  }
0x1e: {  	s7 =	smul.u32 @!p0 $0xF7A, s2;
	p2 =	seq.s32 @!p0 s5, $0x0  }
0x1f: {  	s9 =	smul.u32 $0xF7A, s1;
	s8 =	simm.s32 @!p0 $0x1BF5;
	p2 =	por !p2, p0  }
0x20: {  	[sflag:s8] =	ssyncset.s32 @!p0 $0xFFFFF086;
	s6 =	sadd.s32 @!p0 s3, s7;
	s7 =	simm.s32 @!p0 $0x108  }
0x21: {  	s3 =	sadd.s32 s3, s9;
	s6 =	sadd.s32 @!p0 $0x88, s6;
	s7 =	simm.s32 @p2 $0x1082  }
0x22: {  	[simem:s7], [sflag:s8] =	dma.local @!p0 [hbm:s6], $0xF7A  }
0x23: {  	s9 =	sor.u32 $0xD0000000, s2;
	s6 =	simm.s32 $0x108;
	_ =	swait.ge @!p0 [sflag:s8], $0x0  }
0x24: {  	s3 =	sadd.s32 $0x88, s3;
	s6 =	simm.s32 @!p1 $0x1082;
	[sflag:s4] =	ssyncset.s32 $0xFFFFF086  }
0x25: {  	[simem:s6], [sflag:s4] =	dma.local [hbm:s3], $0xF7A  }
0x26: {  	[smem:$0x3F9E] =	sst s1;
	(tag) =	ssettag s2;
	_ =	strace s9  }
0x27: {  	s1 =	sld [smem:$0x3FAE]  }
0x28: {  	s2 =	sld [smem:$0x3FAF]  }
0x29: {  	s4 =	sld [smem:$0x3FB1]  }
0x2a: {  	p0 =	seq.s32 s5, $0x0;
	s5 =	sld [smem:$0x3FB2]  }
0x2b: {  	s6 =	sld [smem:$0x3FB3]  }
0x2c: {  	s7 =	sld [smem:$0x3FB4]  }
0x2d: {  	s3 =	simm.s32 $0x108;
	s8 =	sld [smem:$0x3FB5]  }
0x2e: {  	s3 =	simm.s32 @!p0 $0x1082;
	s9 =	sld [smem:$0x3FB6]  }
0x2f: {  	lr =	sadd.s32 s0, s3;
	s0 =	sld [smem:$0x3FAD]  }
0x30: {  	s3 =	sld [smem:$0x3FB0]  }
0x31: {  	[smem:$0x3FB9] =	sst s10  }
0x32: {  	s10 =	sld [smem:$0x3FB7];
	_ =	sdelay $0x3  }
0x33: {  	p0 =	seq.s32 s10, $0x1;
	s10 =	sld [smem:$0x3FB9];
	_ =	sdelay $0x3  }
0x34: {  	[smem:$0x3FB9] =	sst s10  }
0x35: {  	s10 =	sld [smem:$0x3FB8];
	_ =	sdelay $0x3  }
0x36: {  	p1 =	seq.s32 s10, $0x1;
	s10 =	sld [smem:$0x3FB9];
	_ =	sdelay $0x3  }
0x37: {  	[smem:$0x3FB9] =	sst s10  }
0x38: {  	s10 =	sld [smem:$0x3FBA]  }
0x39: {  	_ = 	snop;
	(pc) =	sbr.ind lr, $3  }
0x3a: {  	_ = 	snop  }
0x3b: {  	_ = 	snop  }
0x3c: {  	p2 =	seq.s32 s10, $0x1;
	s10 =	sld [smem:$0x3FB9]  }
0x3d: {  	_ =	shalt  }
0x3e: {  	_ =	shalt  }
0x3f: {  	_ =	shalt  }
0x40: {  	_ =	shalt  }
0x41: {  	_ =	shalt  }
0x42: {  	_ =	shalt  }
0x43: {  	_ =	shalt  }
0x44: {  	_ =	shalt  }
0x45: {  	_ =	shalt  }
0x46: {  	_ =	shalt  }
0x47: {  	_ =	shalt  }
0x48: {  	_ =	shalt  }
0x49: {  	_ =	shalt  }
0x4a: {  	_ =	shalt  }
0x4b: {  	_ =	shalt  }
0x4c: {  	_ =	shalt  }
0x4d: {  	_ =	shalt  }
0x4e: {  	_ =	shalt  }
0x4f: {  	_ =	shalt  }
0x50: {  	_ =	shalt  }
0x51: {  	_ =	shalt  }
0x52: {  	_ =	shalt  }
0x53: {  	_ =	shalt  }
0x54: {  	_ =	shalt  }
0x55: {  	_ =	shalt  }
0x56: {  	_ =	shalt  }
0x57: {  	_ =	shalt  }
0x58: {  	_ =	shalt  }
0x59: {  	_ =	shalt  }
0x5a: {  	_ =	shalt  }
0x5b: {  	_ =	shalt  }
0x5c: {  	_ =	shalt  }
0x5d: {  	_ =	shalt  }
0x5e: {  	_ =	shalt  }
0x5f: {  	_ =	shalt  }
0x60: {  	_ =	shalt  }
0x61: {  	_ =	shalt  }
0x62: {  	_ =	shalt  }
0x63: {  	_ =	shalt  }
0x64: {  	_ =	shalt  }
0x65: {  	_ =	shalt  }
0x66: {  	_ =	shalt  }
0x67: {  	_ =	shalt  }
0x68: {  	_ =	shalt  }
0x69: {  	_ =	shalt  }
0x6a: {  	_ =	shalt  }
0x6b: {  	_ =	shalt  }
0x6c: {  	_ =	shalt  }
0x6d: {  	_ =	shalt  }
0x6e: {  	_ =	shalt  }
0x6f: {  	_ =	shalt  }
0x70: {  	_ =	shalt  }
0x71: {  	_ =	shalt  }
0x72: {  	_ =	shalt  }
0x73: {  	_ =	shalt  }
0x74: {  	_ =	shalt  }
0x75: {  	_ =	shalt  }
0x76: {  	_ =	shalt  }
0x77: {  	_ =	shalt  }
0x78: {  	_ =	shalt  }
0x79: {  	_ =	shalt  }
0x7a: {  	_ =	shalt  }
0x7b: {  	_ =	shalt  }
0x7c: {  	_ =	shalt  }
0x7d: {  	_ =	shalt  }
0x7e: {  	_ =	shalt  }
0x7f: {  	_ =	shalt  }
0x80: {  	_ =	shalt  }
0x81: {  	_ =	shalt  }
0x82: {  	_ =	shalt  }
0x83: {  	_ =	shalt  }
0x84: {  	_ =	shalt  }
0x85: {  	_ =	shalt  }
0x86: {  	_ =	shalt  }
0x87: {  	_ =	shalt  }
.Lfunc_end0:
.L_simem_size_0:
called_computation.1_lowered:
.L_overlay_start_0:
0x88: {  	s2 =	sld [smem:$0x3FD9]  }
0x89: {  	s3 =	sld [smem:$0x3FFE];
	_ =	sdelay $0x1  }
0x8a: {  	s1 =	srdreg.scid  }
0x8b: {  	s0 =	sand.u32 $0x1, s1  }
0x8c: {  	s14 =	sshll.u32 s0, $0xA;
	s2 =	sadd.s32 s3, s2  }
0x8d: {  	s2 =	sadd.s32 s2, s14  }
0x8e: {  	[smem:$0x3FC5] =	sst s2  }
0x8f: {  	_ = 	snop  }
0x90: {  	s2 =	sld [smem:$0x3FD0];
	_ =	sdelay $0x2  }
0x91: {  	s15 =	simm.s32 $0xA;
	s4 =	simm.s32 $0x10  }
0x92: {  	[smem:s4], [sflag:s15] =	dma.local [hbm:s2], $0x1  }
0x93: {  	_ =	swait.eq [sflag:s15], $0x1  }
0x94: {  	[sflag:s15] =	ssyncset.done $0x0  }
0x95: {  	s16 =	sld [smem:$0x10];
	[sflag:s15] =	ssyncadd.s32 $0xFFFFFFFF  }
0x96: {  	s17 =	sld [smem:$0x11];
	(tm) =	ssettm $0x1  }
0x97: {  	s18 =	sld [smem:$0x3FFB];
	_ =	sdelay $0x3  }
0x98: {  	_ =	strace s18  }
0x99: {  	s4 =	sld [smem:$0x3FFC];
	_ =	sdelay $0x3  }
0x9a: {  	_ =	strace s4  }
0x9b: {  	s4 =	sld [smem:$0x3FFD];
	_ =	sdelay $0x3  }
0x9c: {  	_ =	strace s4  }
0x9d: {  	_ =	strace $0x8FFFFFFF  }
0x9e: {  	s19 =	sld [smem:$0x3FDB];
	_ =	sdelay $0x1  }
0x9f: {  	s5 =	simm.s32 $_scs_section_size  }
0xa0: {  	s6 =	simm.s32 $_size__tile_overlayer_lowered;
	s7 =	simm.s32 $_tile_overlayer_lowered  }
0xa1: {  	s22 =	simm.s32 $0x1BFF;
	s21 =	sshll.u32 s7, $0x1;
	s4 =	sadd.s32 s5, s19  }
0xa2: {  	s8 =	simm.s32 $0x0;
	s20 =	sshll.u32 s6, $0x1;
	s6 =	sadd.s32 s21, s4  }
0xa3: {  	[timem:s8], [sflag:s22] =	dma.local [hbm:s6], s20  }
0xa4: {  	_ =	swait.ge [sflag:s22], s20  }
0xa5: {  	s5 =	ssub.s32 $0x0, s20;
	[sflag:s22] =	ssyncset.done $0x0  }
0xa6: {  	[sflag:s22] =	ssyncadd.s32 s5;
	_ =	sdelay $0x1  }
0xa7: {  	s23 =	simm.s32 $0x1B8B  }
0xa8: {  	_ =	swait.ge [sflag:s23], $0x1  }
0xa9: {  	[sflag:s23] =	ssyncset.done $0x0  }
0xaa: {  	s25 =	simm.s32 $0x1B8E;
	s24 =	sld [smem:$0x3FFE];
	[sflag:s23] =	ssyncadd.s32 $0xFFFFFFFF  }
0xab: {  	s26 =	simm.s32 $execute0_lowered;
	[smem:$0x3FD2] =	sst s25  }
0xac: {  	s6 =	sshll.u32 s26, $0x1;
	_ =	strace $0x80000046;
	[dreg:$0x1] =	wrdreg $0xFFFFFFFF  }
0xad: {  	s28 =	simm.s32 $_size_execute0_lowered;
	s4 =	sadd.s32 s4, s6;
	[dreg:$0x0] =	wrdreg $0x0  }
0xae: {  	s6 =	sshll.u32 s28, $0x1;
	[dreg:$0x2] =	wrdreg s4  }
0xaf: {  	[dreg:$0x3] =	wrdreg s6  }
0xb0: {  	[dreg:$0x4] =	wrdreg $0xC0  }
0xb1: {  	_ =	task [dreg:s8], $0x5FFFF  }
0xb2: {  	[dreg:$0x1] =	wrdreg $0xFFFFFFFF  }
0xb3: {  	[dreg:$0x0] =	wrdreg $0x60  }
0xb4: {  	[dreg:$0x2] =	wrdreg s16  }
0xb5: {  	[dreg:$0x3] =	wrdreg s24  }
0xb6: {  	[dreg:$0x4] =	wrdreg s17  }
0xb7: {  	[dreg:$0x5] =	wrdreg $0x9  }
0xb8: {  	_ =	task.clear_ibuf [dreg:s8], $0x6FFFF;
	_ =	strace $0x90000046  }
0xb9: {  	s29 =	simm.s32 $0x9;
	_ =	strace $0x80000048  }
0xba: {  	_ =	swait.ge [sflag:s29], $0x1  }
0xbb: {  	[sflag:s29] =	ssyncadd.s32 $0xFFFFFFFF  }
0xbc: {  	_ =	strace $0x90000048  }
0xbd: {  	_ =	sfence  }
0xbe: {  	s30 =	sld [smem:$0x0];
	_ =	sdelay $0x2  }
0xbf: {  	s31 =	sshll.u32 s1, $0xD;
	s1 =	sshrl.u32 s1, $0x2  }
0xc0: {  	s3 =	sand.u32 $0x4000, s31;
	s1 =	sadd.s32 s1, s30  }
0xc1: {  	s0 =	sor.u32 s3, s0;
	s1 =	sshll.u32 s1, $0x11  }
0xc2: {  	s0 =	sor.u32 s1, s0  }
0xc3: {  	s0 =	sadd.s32 $0x8F2B, s0  }
0xc4: {  	[sflag:s0] =	ssyncadd.remote.s32 $0x1  }
0xc5: {  	_ =	sfence.sel $0xFFFF  }
0xc6: {  	[dreg:$0x0] =	wrdreg $0xFFFFFFFF;
	(pc) =	sbr.abs _section_cstart, $3  }
0xc7: {  	[dreg:$0x1] =	wrdreg $0xFFFFFFFF  }
0xc8: {  	_ =	task.clear_ibuf [dreg:s8], $0x2FFFF;
	_ =	strace $0x9FFFFFFF  }
0xc9: {  	(tm) =	ssettm $0x7FFFFFFF  }
tec
execute0_lowered:
.L_overlay_start_1:
0x0: {  	(tag) =	ssettag $0x1  }
0x1: {  	s0 =	rddreg [dreg:$0x0]  }
0x2: {  	s1 =	rddreg [dreg:$0x1]  }
0x3: {  	s3 =	rddreg [dreg:$0x2]  }
0x4: {  	s10 =	simm.s32 $0x0;
	s4 =	srdreg.scid;
	s2 =	stileid.u32  }
0x5: {  	[smem:$0x7FF] =	sst s10;
	s5 =	sadd.s32 $0x202000, s1;
	s4 =	sand.u32 $0x1, s4  }
0x6: {  	s17 =	sshll.u32 s2, $0x1;
	s6 =	sshrl.u32 s2, $0x1;
	s18 =	sadd.s32 $0x402200, s1  }
0x7: {  	_ =	strace $0x80000047;
	[dreg:$0x4] =	wrdreg s5;
	s5 =	sor.u32 s4, s17  }
0x8: {  	s4 =	ssub.s32 $0x2, s4;
	s9 =	smul.u32 $0x1800, s6;
	s21 =	sshll.u32 s6, $0xE  }
0x9: {  	[dreg:$0x5] =	wrdreg s18;
	s7 =	sshll.u32 s5, $0x6;
	s8 =	sshrl.u32 s4, $0x1  }
0xa: {  	s23 =	sshll.u32 s5, $0x15;
	s24 =	sshll.u32 s5, $0x12;
	s0 =	sadd.s32 s0, s9  }
0xb: {  	s28 =	sshll.u32 s5, $0x2;
	s25 =	sadd.s32 $0xFFFF0000, s23;
	[dreg:$0x6] =	wrdreg s0  }
0xc: {  	s7 =	sadd.s32 s7, s1;
	s30 =	sadd.s32 s3, s28;
	[dreg:$0x8] =	wrdreg s25  }
0xd: {  	s19 =	ssub.s32 s4, s8;
	s20 =	sadd.s32 $0x1800, s7;
	[dreg:$0xa] =	wrdreg s30  }
0xe: {  	s26 =	sadd.s32 s24, s18;
	s31 =	smax.u32 s19, $0x1;
	[dreg:$0x7] =	wrdreg s20  }
0xf: {  	s22 =	ssub.s32 $0x20000, s21;
	s29 =	sadd.s32 $0x3E000, s26;
	[dreg:$0xb] =	wrdreg s31  }
0x10: {  	v2 =	vlaneseq.u32;
	s2 =	simm.s32 $0x0;
	v1 =	vmov s21;
	v0 =	vmov s22;
	s1 =	simm.s32 $0x2;
	[dreg:$0x9] =	wrdreg s29  }
.LBB2_1:
0x11: {  	[dreg:$0xc] =	wrdreg s2  }
0x12: {  	s0 =	rddreg [dreg:$0x6]  }
0x13: {  	[tilespmem:s10], [sflag:$0x2] =	stream.linear.gather [hbm4b:s0+s10], $0xC000, $0x38;
	[tilespmem:$0x1C840] =	vst v63  }
0x14: {  	_ =	swait.ge [sflag:s1], $0xC000  }
0x15: {  	s31 =	simm.s32 $0xC000;
	[sflag:s1] =	ssyncset.done $0x0  }
.Ltmp0:
0x16: {  	s30 =	rddreg [dreg:$0x7];
	[sflag:s1] =	ssyncadd.s32 $0xFFFF4000;
	(pc) =	sbr.rel .LBB2_2-.Ltmp0, $4  }
0x17: {  	[tilespmem:s31], [sflag:$0x2] =	stream.linear.gather [hbm4b:s30+s10], $0x200, $0x38;
	[tilespmem:$0x1C840] =	vst v63  }
0x18: {  	_ =	swait.ge [sflag:s1], $0x200  }
0x19: {  	[sflag:s1] =	ssyncset.done $0x0  }
0x1a: {  	s6 =	simm.s32 $0x0;
	[sflag:s1] =	ssyncadd.s32 $0xFFFFFE00  }
.LBB2_10:
0x1b: {  	s0 =	sor.u32 $0xC420, s25;
	s1 =	rddreg [dreg:$0x4]  }
0x1c: {  	s2 =	simm.s32 $0x80;
	s3 =	simm.s32 $0xC820;
	s6 =	sadd.s32 $0x1, s6  }
0x1d: {  	[tilespmem:s3], [sflag:$0x1] =	stream.indirect.gather [hbm4b:s1+s2], $0x80, s0, s2, $0xb8;
	[tilespmem:$0x1C840] =	vst v63  }
0x1e: {  	s24 =	sor.u32 $0xC4A0, s25;
	s26 =	simm.s32 $0x10820;
	p0 =	sne.s32 s6, $0x20  }
0x1f: {  	[tilespmem:s26], [sflag:$0x1] =	stream.indirect.gather [hbm4b:s1+s2], $0x80, s24, s2, $0xb8;
	[tilespmem:$0x1C840] =	vst v63  }
.Ltmp1:
0x20: {  	_ = 	snop;
	(pc) =	sbr.rel @!p0 .LBB2_11-.Ltmp1, $4  }
0x21: {  	s28 =	sor.u32 $0xC520, s25;
	s29 =	simm.s32 $0x14820  }
0x22: {  	[tilespmem:s29], [sflag:$0x1] =	stream.indirect.gather [hbm4b:s1+s2], $0x80, s28, s2, $0xb8;
	[tilespmem:$0x1C840] =	vst v63  }
0x23: {  	s30 =	sor.u32 $0xC5A0, s25;
	s31 =	simm.s32 $0x18820  }
0x24: {  	[tilespmem:s31], [sflag:$0x1] =	stream.indirect.gather [hbm4b:s1+s2], $0x80, s30, s2, $0xb8;
	[tilespmem:$0x1C840] =	vst v63  }
.LBB2_2:
0x25: {  	s0 =	sshll.u32 s6, $0x4  }
0x26: {  	s0 =	sand.u32 $0x3FFFFFF0, s0  }
0x27: {  	v10 =	vld [tilespmem:s0+$0xC000];
	_ =	sdelay $0x3  }
.Ltmp2:
0x28: {  	_ = 	snop;
	(pc) =	sbr.rel .LBB2_3-.Ltmp2, $4  }
0x29: {  	v3 =	vbroadcast v10, $0x0;
	v4 =	vbroadcast v10, $0x1  }
0x2a: {  	v5 =	vbroadcast v10, $0x2;
	v6 =	vbroadcast v10, $0x3  }
0x2b: {  	[dreg:$0xd] =	wrdreg s6;
	v7 =	vbroadcast v10, $0x4;
	v8 =	vbroadcast v10, $0x5  }
0x2c: {  	s2 =	simm.s32 $0x0;
	s24 =	simm.s32 $0x1F0;
	s29 =	simm.s32 $0x0;
	[tilespmem:$0xC200] =	vst v0;
	v9 =	vbroadcast v10, $0x6;
	v10 =	vbroadcast v10, $0x7  }
.LBB2_5:
0x2d: {  	s29 =	sadd.s32 $0x800, s29  }
0x2e: {  	p0 =	sne.s32 s29, $0x10000  }
.Ltmp3:
0x2f: {  	_ = 	snop;
	(pc) =	sbr.rel @!p0 .LBB2_6-.Ltmp3, $2  }
0x30: {  	_ =	sdelay $0x2  }
0x31: {  	s24 =	sadd.s32 $0x200, s24  }
.LBB2_3:
0x32: {  	s28 =	sshra.s32 s29, $0x2  }
0x33: {  	v11 =	vld [tilespmem:s28+$0x0]  }
0x34: {  	v12 =	vld [tilespmem:s28+$0x4000]  }
0x35: {  	v13 =	vld [tilespmem:s28+$0x8000]  }
0x36: {  	v14 =	vld [tilespmem:s28+$0x10]  }
0x37: {  	v15 =	vld [tilespmem:s28+$0x4010]  }
0x38: {  	v36 =	vld [tilespmem:s28+$0x8010]  }
0x39: {  	v41 =	vld [tilespmem:s28+$0x8020]  }
0x3a: {  	v44 =	vld [tilespmem:s28+$0x4030]  }
0x3b: {  	v49 =	vld [tilespmem:s28+$0x8030]  }
0x3c: {  	v51 =	vld [tilespmem:s28+$0x40];
	v11 =	vsub.f32 v11, v3;
	v12 =	vsub.f32 v12, v4  }
0x3d: {  	v42 =	vimm.s32 $0x0;
	v58 =	vld [tilespmem:s28+$0x8040];
	v35 =	vsub.f32 v13, v5;
	v14 =	vsub.f32 v14, v3  }
0x3e: {  	v52 =	vimm.s32 $0x0;
	v60 =	vld [tilespmem:s28+$0x50];
	v15 =	vsub.f32 v15, v4;
	v13 =	vsub.f32 v36, v5  }
0x3f: {  	v61 =	vimm.s32 $0x0;
	v46 =	vsub.f32 v41, v5;
	v50 =	vsub.f32 v44, v4  }
0x40: {  	v57 =	vsub.f32 v49, v5;
	v16 =	vmul.f32 v11, v9;
	v17 =	vmul.f32 v12, v10  }
0x41: {  	v37 =	vld [tilespmem:s28+$0x20];
	v59 =	vsub.f32 v51, v3;
	v11 =	vmul.f32 v11, v10;
	v12 =	vmul.f32 v12, v9  }
0x42: {  	v29 =	vld [tilespmem:s28+$0x8060];
	v23 =	vsub.f32 v58, v5;
	v18 =	vmul.f32 v14, v9;
	v19 =	vmul.f32 v15, v10  }
0x43: {  	v24 =	vsub.f32 v60, v3;
	v39 =	vmul.f32 v15, v9;
	v55 =	vmul.f32 v50, v10  }
0x44: {  	v13 =	vand.u32 $0x7FFFFFFF, v13;
	v62 =	vmul.f32 v59, v9;
	v20 =	vmul.f32 v59, v10  }
0x45: {  	v38 =	vld [tilespmem:s28+$0x4020];
	v27 =	vmul.f32 v24, v9;
	v15 =	vmul.f32 v24, v10;
	v16 =	vsub.f32 v16, v17  }
0x46: {  	v43 =	vld [tilespmem:s28+$0x30];
	v11 =	vadd.f32 v12, v11;
	v12 =	vand.u32 $0x7FFFFFFF, v35;
	v40 =	vsub.f32 v18, v19  }
0x47: {  	v17 =	vsub.f32 v37, v3;
	v35 =	vsub.f32 v29, v5;
	v37 =	vimm.s32 $0x0  }
0x48: {  	vm2 =	vle.f32 v12, v8;
	v16 =	vand.u32 $0x7FFFFFFF, v16;
	v11 =	vand.u32 $0x7FFFFFFF, v11  }
0x49: {  	v22 =	vld [tilespmem:s28+$0x8050];
	v12 =	vand.u32 $0x7FFFFFFF, v40;
	v47 =	vmul.f32 v17, v10;
	vm0 =	vlt.f32 v16, v6  }
0x4a: {  	vm1 =	vlt.f32 v11, v7;
	v11 =	vmul.f32 v14, v10;
	v16 =	vsub.f32 v38, v4  }
0x4b: {  	v32 =	vld [tilespmem:s28+$0x4070];
	v40 =	vand.u32 $0x7FFFFFFF, v35;
	v14 =	vsub.f32 v43, v3;
	vm0 =	vmand vm0, vm1  }
0x4c: {  	vm0 =	vmand vm0, vm2;
	v11 =	vadd.f32 v39, v11;
	v45 =	vmul.f32 v16, v10  }
0x4d: {  	vm2 =	vle.f32 v13, v8;
	v48 =	vmul.f32 v16, v9;
	v13 =	vand.u32 $0x7FFFFFFF, v46  }
0x4e: {  	v54 =	vmul.f32 v14, v9;
	v14 =	vmul.f32 v14, v10;
	v16 =	vsub.f32 v22, v5  }
0x4f: {  	v25 =	vld [tilespmem:s28+$0x60];
	v18 =	vsel vm0, $0xFFFFFFFF, v42;
	vm0 =	vlt.f32 v12, v6;
	v11 =	vand.u32 $0x7FFFFFFF, v11  }
0x50: {  	v36 =	vld [tilespmem:s28+$0x80];
	v12 =	vadd.f32 v48, v47;
	v31 =	vand.u32 $0x7FFFFFFF, v16;
	v16 =	vsub.f32 v32, v4  }
0x51: {  	v53 =	vld [tilespmem:s28+$0x4040];
	v47 =	vimm.s32 $0x0;
	vm1 =	vlt.f32 v11, v7;
	v11 =	vmul.f32 v17, v9  }
0x52: {  	v17 =	vmul.f32 v50, v9;
	vm0 =	vmand vm0, vm1;
	v12 =	vand.u32 $0x7FFFFFFF, v12  }
0x53: {  	v11 =	vsub.f32 v11, v45;
	vm0 =	vmand vm0, vm2;
	vm2 =	vlt.f32 v12, v7  }
0x54: {  	v56 =	vadd.f32 v17, v14;
	v14 =	vand.u32 $0x7FFFFFFF, v57;
	v17 =	vsub.f32 v25, v3  }
0x55: {  	v48 =	vld [tilespmem:s28+$0x4090];
	v45 =	vsub.f32 v36, v3;
	v25 =	vimm.s32 $0x0;
	v19 =	vsel vm0, $0xFFFFFFFF, v52  }
0x56: {  	vm0 =	vle.f32 v13, v8;
	v13 =	vsub.f32 v53, v4;
	v53 =	vimm.s32 $0x0  }
0x57: {  	v11 =	vand.u32 $0x7FFFFFFF, v11;
	v12 =	vand.u32 $0x7FFFFFFF, v56;
	v34 =	vmul.f32 v17, v10  }
0x58: {  	v49 =	vmul.f32 v45, v9;
	v51 =	vmul.f32 v45, v10;
	v45 =	vimm.s32 $0x0  }
0x59: {  	v52 =	vld [tilespmem:s28+$0x8090];
	vm1 =	vlt.f32 v11, v6;
	v11 =	vsub.f32 v54, v55;
	v63 =	vmul.f32 v13, v10  }
0x5a: {  	v13 =	vmul.f32 v13, v9;
	v54 =	vsub.f32 v48, v4;
	vm1 =	vmand vm1, vm2  }
0x5b: {  	v26 =	vld [tilespmem:s28+$0x4060];
	vm2 =	vle.f32 v14, v8;
	v11 =	vand.u32 $0x7FFFFFFF, v11;
	vm0 =	vmand vm1, vm0  }
0x5c: {  	v30 =	vld [tilespmem:s28+$0x70];
	vm1 =	vlt.f32 v12, v7;
	v21 =	vsub.f32 v62, v63;
	v12 =	vadd.f32 v13, v20  }
0x5d: {  	v56 =	vld [tilespmem:s28+$0x40A0];
	v13 =	vand.u32 $0x7FFFFFFF, v23;
	v20 =	vmul.f32 v16, v10;
	v16 =	vmul.f32 v16, v9  }
0x5e: {  	v44 =	vld [tilespmem:s28+$0x8080];
	[tilespmem:$0x1FE80] =	vst v18;
	v18 =	vsel vm0, $0xFFFFFFFF, v61;
	vm0 =	vlt.f32 v11, v6;
	v57 =	vsub.f32 v52, v5  }
0x5f: {  	v11 =	vld [tilespmem:s28+$0x4050];
	v61 =	vimm.s32 $0x0;
	vm0 =	vmand vm0, vm1;
	v14 =	vand.u32 $0x7FFFFFFF, v21  }
0x60: {  	v39 =	vld [tilespmem:s28+$0x4080];
	vm13 =	vmand vm0, vm2;
	vm0 =	vlt.f32 v14, v6;
	v14 =	vsub.f32 v26, v4  }
0x61: {  	v46 =	vld [tilespmem:s28+$0x90];
	v12 =	vand.u32 $0x7FFFFFFF, v12;
	vm2 =	vle.f32 v13, v8;
	v13 =	vsub.f32 v30, v3  }
0x62: {  	v63 =	vsub.f32 v56, v4;
	v56 =	vld [tilespmem:s28+$0x40F0];
	v33 =	vmul.f32 v14, v10;
	v14 =	vmul.f32 v14, v9  }
0x63: {  	vm1 =	vlt.f32 v12, v7;
	v26 =	vld [tilespmem:s28+$0xC0];
	v42 =	vmul.f32 v13, v9;
	v13 =	vmul.f32 v13, v10  }
0x64: {  	vm0 =	vmand vm0, vm1;
	v21 =	vmul.f32 v63, v10;
	v11 =	vsub.f32 v11, v4  }
0x65: {  	v58 =	vld [tilespmem:s28+$0x80A0];
	v23 =	vmul.f32 v63, v9;
	v38 =	vadd.f32 v14, v34;
	v43 =	vadd.f32 v16, v13  }
0x66: {  	vm12 =	vmand vm0, vm2;
	v14 =	vsub.f32 v39, v4;
	v13 =	vsub.f32 v44, v5  }
0x67: {  	v16 =	vsub.f32 v46, v3;
	v28 =	vmul.f32 v11, v10;
	v11 =	vmul.f32 v11, v9  }
0x68: {  	v41 =	vld [tilespmem:s28+$0x8070];
	vm0 =	vle.f32 v31, v8;
	v63 =	vsub.f32 v56, v4;
	v35 =	vsub.f32 v26, v3  }
0x69: {  	v36 =	vld [tilespmem:s28+$0x40D0];
	v26 =	vimm.s32 $0x0;
	v12 =	vsub.f32 v27, v28;
	v11 =	vadd.f32 v11, v15  }
0x6a: {  	v24 =	vld [tilespmem:s28+$0x80B0];
	v50 =	vmul.f32 v14, v10;
	v14 =	vmul.f32 v14, v9;
	v15 =	vsub.f32 v58, v5  }
0x6b: {  	v13 =	vand.u32 $0x7FFFFFFF, v13;
	v12 =	vand.u32 $0x7FFFFFFF, v12;
	v11 =	vand.u32 $0x7FFFFFFF, v11  }
0x6c: {  	v28 =	vand.u32 $0x7FFFFFFF, v15;
	vm2 =	vlt.f32 v11, v7;
	v11 =	vmul.f32 v17, v9  }
0x6d: {  	vm1 =	vlt.f32 v12, v6;
	v17 =	vsub.f32 v41, v5;
	v12 =	vand.u32 $0x7FFFFFFF, v43  }
0x6e: {  	v34 =	vld [tilespmem:s28+$0xD0];
	v43 =	vsub.f32 v36, v4;
	vm1 =	vmand vm1, vm2;
	v11 =	vsub.f32 v11, v33  }
0x6f: {  	vm0 =	vmand vm1, vm0;
	v17 =	vand.u32 $0x7FFFFFFF, v17;
	v33 =	vsub.f32 v24, v5  }
0x70: {  	[tilespmem:$0x1FE90] =	vst v19;
	v55 =	vld [tilespmem:s28+$0xA0];
	v15 =	vmul.f32 v43, v9;
	v19 =	vsel vm0, $0xFFFFFFFF, v37;
	v11 =	vand.u32 $0x7FFFFFFF, v11  }
0x71: {  	vm0 =	vle.f32 v40, v8;
	vm1 =	vlt.f32 v11, v6;
	v11 =	vand.u32 $0x7FFFFFFF, v38  }
0x72: {  	v37 =	vimm.s32 $0x0;
	vm2 =	vlt.f32 v11, v7;
	v11 =	vsub.f32 v42, v20  }
0x73: {  	v40 =	vmul.f32 v35, v10;
	v42 =	vsub.f32 v34, v3;
	vm1 =	vmand vm1, vm2  }
0x74: {  	v38 =	vld [tilespmem:s28+$0x80C0];
	vm2 =	vle.f32 v17, v8;
	vm0 =	vmand vm1, vm0;
	v11 =	vand.u32 $0x7FFFFFFF, v11  }
0x75: {  	vm1 =	vlt.f32 v12, v7;
	v12 =	vadd.f32 v14, v51;
	v14 =	vsub.f32 v55, v3  }
0x76: {  	[tilespmem:$0x1FEA0] =	vst v18;
	v18 =	vsel vm0, $0xFFFFFFFF, v47;
	vm0 =	vlt.f32 v11, v6;
	v11 =	vsub.f32 v49, v50  }
0x77: {  	v49 =	vmul.f32 v42, v9;
	v50 =	vmul.f32 v43, v10;
	vm0 =	vmand vm0, vm1  }
0x78: {  	v44 =	vld [tilespmem:s28+$0xE0];
	[tilespmem:$0x1FEE0] =	vst v18;
	v18 =	vmul.f32 v54, v10;
	v12 =	vand.u32 $0x7FFFFFFF, v12;
	v22 =	vmul.f32 v14, v10  }
0x79: {  	v46 =	vsub.f32 v38, v5;
	vm0 =	vmand vm0, vm2;
	v11 =	vand.u32 $0x7FFFFFFF, v11  }
0x7a: {  	v47 =	vld [tilespmem:s28+$0x40E0];
	vm1 =	vlt.f32 v12, v7;
	vm2 =	vle.f32 v13, v8;
	v12 =	vand.u32 $0x7FFFFFFF, v57  }
0x7b: {  	v60 =	vld [tilespmem:s28+$0xB0];
	v17 =	vsel vm0, $0xFFFFFFFF, v53;
	vm0 =	vlt.f32 v11, v6;
	v11 =	vmul.f32 v16, v9  }
0x7c: {  	v62 =	vld [tilespmem:s28+$0x40B0];
	v16 =	vmul.f32 v16, v10;
	v27 =	vadd.f32 v23, v22;
	v51 =	vand.u32 $0x7FFFFFFF, v46  }
0x7d: {  	[tilespmem:$0x1FEF0] =	vst v17;
	v17 =	vmul.f32 v54, v9;
	vm0 =	vmand vm0, vm1;
	v54 =	vsub.f32 v44, v3  }
0x7e: {  	v29 =	vld [tilespmem:s28+$0x40C0];
	vm3 =	vle.f32 v51, v8;
	v11 =	vsub.f32 v11, v18;
	vm0 =	vmand vm0, vm2  }
0x7f: {  	v53 =	vld [tilespmem:s28+$0xF0];
	v55 =	vsub.f32 v47, v4;
	v59 =	vadd.f32 v17, v16;
	v17 =	vsel vm0, $0xFFFFFFFF, v61  }
0x80: {  	vm0 =	vle.f32 v12, v8;
	v16 =	vsub.f32 v60, v3;
	v60 =	vmul.f32 v54, v10  }
0x81: {  	[tilespmem:$0x1FF00] =	vst v17;
	v11 =	vand.u32 $0x7FFFFFFF, v11;
	v17 =	vsub.f32 v62, v4;
	v57 =	vmul.f32 v55, v10  }
0x82: {  	v61 =	vmul.f32 v55, v9;
	vm1 =	vlt.f32 v11, v6;
	v11 =	vmul.f32 v14, v9  }
0x83: {  	v13 =	vand.u32 $0x7FFFFFFF, v59;
	v30 =	vmul.f32 v16, v9;
	v16 =	vmul.f32 v16, v10  }
0x84: {  	v14 =	vsub.f32 v29, v4;
	v62 =	vsub.f32 v53, v3;
	vm2 =	vlt.f32 v13, v7  }
0x85: {  	v31 =	vmul.f32 v17, v10;
	v17 =	vmul.f32 v17, v9;
	v13 =	vand.u32 $0x7FFFFFFF, v33  }
0x86: {  	v24 =	vld [tilespmem:s28+$0x100];
	vm1 =	vmand vm1, vm2;
	v39 =	vmul.f32 v14, v10;
	v41 =	vmul.f32 v14, v9  }
0x87: {  	v59 =	vld [tilespmem:s28+$0x80E0];
	v11 =	vsub.f32 v11, v21;
	v14 =	vmul.f32 v42, v10;
	v29 =	vmul.f32 v62, v9  }
0x88: {  	v33 =	vld [tilespmem:s28+$0x110];
	vm0 =	vmand vm1, vm0;
	v32 =	vsub.f32 v30, v31;
	v30 =	vmul.f32 v63, v10  }
0x89: {  	[tilespmem:$0x1FED0] =	vst v19;
	v21 =	vld [tilespmem:s28+$0x130];
	v19 =	vsel vm0, $0xFFFFFFFF, v25;
	vm0 =	vle.f32 v28, v8;
	v11 =	vand.u32 $0x7FFFFFFF, v11  }
0x8a: {  	v52 =	vadd.f32 v15, v14;
	v25 =	vimm.s32 $0x0;
	v14 =	vmul.f32 v63, v9  }
0x8b: {  	vm1 =	vlt.f32 v11, v6;
	v11 =	vand.u32 $0x7FFFFFFF, v27;
	v12 =	vand.u32 $0x7FFFFFFF, v32  }
0x8c: {  	v48 =	vld [tilespmem:s28+$0x80D0];
	[tilespmem:$0x1FF10] =	vst v19;
	v19 =	vmul.f32 v35, v9;
	v31 =	vsub.f32 v59, v5;
	v32 =	vsub.f32 v24, v3  }
0x8d: {  	v56 =	vld [tilespmem:s28+$0x4140];
	vm2 =	vlt.f32 v11, v7;
	v11 =	vadd.f32 v17, v16;
	v16 =	vsub.f32 v33, v3  }
0x8e: {  	v63 =	vld [tilespmem:s28+$0x4150];
	vm1 =	vmand vm1, vm2;
	v35 =	vmul.f32 v32, v9;
	v55 =	vsub.f32 v21, v3  }
0x8f: {  	v27 =	vld [tilespmem:s28+$0x4100];
	vm0 =	vmand vm1, vm0;
	v11 =	vand.u32 $0x7FFFFFFF, v11;
	vm1 =	vlt.f32 v12, v6  }
0x90: {  	v12 =	vadd.f32 v41, v40;
	v42 =	vmul.f32 v16, v9;
	v16 =	vmul.f32 v16, v10  }
0x91: {  	v18 =	vsel vm0, $0xFFFFFFFF, v37;
	vm2 =	vlt.f32 v11, v7;
	v11 =	vsub.f32 v19, v39  }
0x92: {  	vm0 =	vle.f32 v13, v8;
	v13 =	vadd.f32 v61, v60;
	v60 =	vsub.f32 v56, v4  }
0x93: {  	v33 =	vsub.f32 v63, v4;
	vm1 =	vmand vm1, vm2;
	v12 =	vand.u32 $0x7FFFFFFF, v12  }
0x94: {  	v43 =	vld [tilespmem:s28+$0x8100];
	[tilespmem:$0x1FF20] =	vst v18;
	v18 =	vsub.f32 v48, v5;
	v15 =	vsub.f32 v27, v4;
	v27 =	vimm.s32 $0x0  }
0x95: {  	vm0 =	vmand vm1, vm0;
	v11 =	vand.u32 $0x7FFFFFFF, v11;
	vm1 =	vlt.f32 v12, v7  }
0x96: {  	v13 =	vand.u32 $0x7FFFFFFF, v13;
	v12 =	vmul.f32 v62, v10;
	v20 =	vmul.f32 v60, v10  }
0x97: {  	v37 =	vld [tilespmem:s28+$0x120];
	v21 =	vmul.f32 v33, v10;
	v17 =	vsel vm0, $0xFFFFFFFF, v45;
	vm0 =	vlt.f32 v11, v6  }
0x98: {  	v11 =	vsub.f32 v49, v50;
	v58 =	vand.u32 $0x7FFFFFFF, v18;
	v36 =	vmul.f32 v15, v10  }
0x99: {  	v15 =	vmul.f32 v15, v9;
	v50 =	vsub.f32 v43, v5;
	vm0 =	vmand vm0, vm1  }
0x9a: {  	v12 =	vadd.f32 v14, v12;
	v14 =	vmul.f32 v32, v10;
	v32 =	vmul.f32 v60, v9  }
0x9b: {  	v60 =	vimm.s32 $0x0;
	v11 =	vand.u32 $0x7FFFFFFF, v11;
	vm0 =	vmand vm0, vm3  }
0x9c: {  	v22 =	vld [tilespmem:s28+$0x8110];
	v18 =	vsub.f32 v35, v36;
	v45 =	vsub.f32 v37, v3;
	vm1 =	vlt.f32 v11, v6  }
0x9d: {  	v51 =	vld [tilespmem:s28+$0x8120];
	[tilespmem:$0x1FF30] =	vst v17;
	v11 =	vand.u32 $0x7FFFFFFF, v52;
	v17 =	vsel vm0, $0xFFFFFFFF, v25;
	v40 =	vadd.f32 v15, v14  }
0x9e: {  	v28 =	vld [tilespmem:s28+$0x80F0];
	v25 =	vimm.s32 $0x0;
	vm2 =	vlt.f32 v11, v7;
	v11 =	vmul.f32 v54, v9  }
0x9f: {  	v41 =	vand.u32 $0x7FFFFFFF, v18;
	v46 =	vmul.f32 v45, v9;
	v48 =	vmul.f32 v45, v10  }
0xa0: {  	v39 =	vld [tilespmem:s28+$0x4120];
	vm1 =	vmand vm1, vm2;
	vm2 =	vle.f32 v58, v8;
	v58 =	vmul.f32 v55, v9  }
0xa1: {  	v11 =	vsub.f32 v11, v57;
	vm0 =	vmand vm1, vm2;
	vm1 =	vlt.f32 v13, v7  }
0xa2: {  	[tilespmem:$0x1FF40] =	vst v17;
	v57 =	vsub.f32 v22, v5;
	v13 =	vsub.f32 v51, v5;
	v17 =	vsel vm0, $0xFFFFFFFF, v26  }
0xa3: {  	v26 =	vimm.s32 $0x0;
	[tilespmem:$0x1FF50] =	vst v17;
	v11 =	vand.u32 $0x7FFFFFFF, v11;
	v17 =	vsub.f32 v28, v5  }
0xa4: {  	v13 =	vand.u32 $0x7FFFFFFF, v13;
	vm0 =	vlt.f32 v11, v6;
	v11 =	vsub.f32 v29, v30  }
0xa5: {  	vm5 =	vle.f32 v13, v8;
	v38 =	vand.u32 $0x7FFFFFFF, v17;
	v17 =	vsub.f32 v39, v4  }
0xa6: {  	v54 =	vld [tilespmem:s28+$0x140];
	vm0 =	vmand vm0, vm1;
	v11 =	vand.u32 $0x7FFFFFFF, v11;
	vm3 =	vle.f32 v38, v8  }
0xa7: {  	vm1 =	vlt.f32 v11, v6;
	v11 =	vand.u32 $0x7FFFFFFF, v12;
	v47 =	vmul.f32 v17, v10  }
0xa8: {  	v17 =	vmul.f32 v17, v9;
	vm2 =	vlt.f32 v11, v7;
	v11 =	vand.u32 $0x7FFFFFFF, v31  }
0xa9: {  	v34 =	vld [tilespmem:s28+$0x4110];
	v12 =	vand.u32 $0x7FFFFFFF, v40;
	vm1 =	vmand vm1, vm2;
	vm2 =	vle.f32 v11, v8  }
0xaa: {  	v37 =	vld [tilespmem:s28+$0x8150];
	v11 =	vimm.s32 $0x0;
	v18 =	vsub.f32 v46, v47;
	v52 =	vadd.f32 v17, v48  }
0xab: {  	v17 =	vsub.f32 v54, v3;
	v46 =	vimm.s32 $0x0;
	vm0 =	vmand vm0, vm2  }
0xac: {  	v45 =	vld [tilespmem:s28+$0x8160];
	vm14 =	vmand vm1, vm3;
	vm1 =	vlt.f32 v12, v7;
	v12 =	vand.u32 $0x7FFFFFFF, v50  }
0xad: {  	v11 =	vsel vm0, $0xFFFFFFFF, v11;
	vm0 =	vlt.f32 v41, v6;
	v53 =	vand.u32 $0x7FFFFFFF, v18  }
0xae: {  	v61 =	vld [tilespmem:s28+$0x150];
	v15 =	vand.u32 $0x7FFFFFFF, v52;
	v18 =	vmul.f32 v55, v10;
	v62 =	vmul.f32 v17, v9  }
0xaf: {  	v31 =	vmul.f32 v17, v10;
	v17 =	vsub.f32 v37, v5;
	v55 =	vld [tilespmem:s28+$0x8170];
	[tilespmem:$0x1FF60] =	vst v11;
	v11 =	vsub.f32 v34, v4  }
0xb0: {  	v52 =	vimm.s32 $0x0;
	vm0 =	vmand vm0, vm1;
	vm3 =	vlt.f32 v53, v6;
	v34 =	vld [tilespmem:s28+$0x160]  }
0xb1: {  	vm4 =	vlt.f32 v15, v7;
	v53 =	vsub.f32 v45, v5;
	v44 =	vmul.f32 v11, v10  }
0xb2: {  	v49 =	vld [tilespmem:s28+$0x4130];
	vm3 =	vmand vm3, vm4;
	v29 =	vsub.f32 v62, v20;
	v11 =	vmul.f32 v11, v9  }
0xb3: {  	v35 =	vadd.f32 v32, v31;
	v48 =	vand.u32 $0x7FFFFFFF, v17;
	v14 =	vsub.f32 v42, v44  }
0xb4: {  	v30 =	vld [tilespmem:s28+$0x8140];
	v13 =	vand.u32 $0x7FFFFFFF, v29;
	v11 =	vadd.f32 v11, v16;
	v16 =	vsub.f32 v61, v3  }
0xb5: {  	v62 =	vsub.f32 v55, v5;
	v41 =	vsub.f32 v34, v3;
	v14 =	vand.u32 $0x7FFFFFFF, v14  }
0xb6: {  	v42 =	vld [tilespmem:s28+$0x170];
	v11 =	vand.u32 $0x7FFFFFFF, v11;
	v38 =	vmul.f32 v16, v9;
	v16 =	vmul.f32 v16, v10  }
0xb7: {  	v44 =	vld [tilespmem:s28+$0x4170];
	vm1 =	vlt.f32 v14, v6;
	vm2 =	vlt.f32 v11, v7;
	v11 =	vsub.f32 v49, v4  }
0xb8: {  	v56 =	vld [tilespmem:s28+$0x8180];
	v14 =	vand.u32 $0x7FFFFFFF, v57;
	v19 =	vmul.f32 v41, v9;
	vm2 =	vmand vm1, vm2  }
0xb9: {  	vm1 =	vle.f32 v12, v8;
	vm4 =	vle.f32 v14, v8;
	v14 =	vsub.f32 v30, v5  }
0xba: {  	v39 =	vsub.f32 v38, v21;
	v21 =	vimm.s32 $0x0;
	v59 =	vmul.f32 v11, v10  }
0xbb: {  	v11 =	vmul.f32 v11, v9;
	vm0 =	vmand vm0, vm1;
	v50 =	vsub.f32 v42, v3  }
0xbc: {  	v51 =	vsub.f32 v44, v4;
	v12 =	vsel vm0, $0xFFFFFFFF, v25;
	vm0 =	vmand vm2, vm4  }
0xbd: {  	v36 =	vld [tilespmem:s28+$0x4160];
	v14 =	vand.u32 $0x7FFFFFFF, v14;
	v25 =	vsub.f32 v56, v5;
	v15 =	vsub.f32 v58, v59  }
0xbe: {  	v29 =	vld [tilespmem:s28+$0x41A0];
	v11 =	vadd.f32 v11, v18;
	[tilespmem:$0x1FF80] =	vst v12;
	v12 =	vsel vm0, $0xFFFFFFFF, v26;
	vm0 =	vmand vm3, vm5  }
0xbf: {  	v24 =	vld [tilespmem:s28+$0x8130];
	v18 =	vmul.f32 v33, v9;
	vm5 =	vle.f32 v14, v8;
	v54 =	vmul.f32 v51, v10  }
0xc0: {  	v23 =	vld [tilespmem:s28+$0x4190];
	v17 =	vmul.f32 v51, v9;
	[tilespmem:$0x1FF90] =	vst v12;
	v12 =	vsel vm0, $0xFFFFFFFF, v27;
	v30 =	vand.u32 $0x7FFFFFFF, v25  }
0xc1: {  	[tilespmem:$0x1FFA0] =	vst v12;
	v28 =	vand.u32 $0x7FFFFFFF, v15;
	v11 =	vand.u32 $0x7FFFFFFF, v11;
	v12 =	vand.u32 $0x7FFFFFFF, v35  }
0xc2: {  	v40 =	vadd.f32 v18, v16;
	v15 =	vsub.f32 v36, v4;
	v16 =	vmul.f32 v41, v10  }
0xc3: {  	v18 =	vmul.f32 v50, v9;
	v36 =	vsub.f32 v29, v4;
	vm2 =	vlt.f32 v28, v6  }
0xc4: {  	v59 =	vld [tilespmem:s28+$0x190];
	vm3 =	vlt.f32 v11, v7;
	v11 =	vsub.f32 v24, v5;
	vm4 =	vlt.f32 v12, v7  }
0xc5: {  	v12 =	vand.u32 $0x7FFFFFFF, v39;
	v28 =	vsub.f32 v23, v4;
	v23 =	vimm.s32 $0x0  }
0xc6: {  	vm2 =	vmand vm2, vm3;
	vm3 =	vlt.f32 v13, v6;
	v13 =	vand.u32 $0x7FFFFFFF, v40  }
0xc7: {  	v43 =	vmul.f32 v15, v10;
	v15 =	vmul.f32 v15, v9;
	vm6 =	vlt.f32 v12, v6  }
0xc8: {  	v37 =	vld [tilespmem:s28+$0x1B0];
	v18 =	vsub.f32 v18, v54;
	v42 =	vmul.f32 v36, v10;
	vm4 =	vmand vm3, vm4  }
0xc9: {  	v44 =	vld [tilespmem:s28+$0x1C0];
	v11 =	vand.u32 $0x7FFFFFFF, v11;
	vm7 =	vlt.f32 v13, v7;
	v27 =	vsub.f32 v59, v3  }
0xca: {  	v33 =	vmul.f32 v28, v10;
	v35 =	vmul.f32 v28, v9;
	vm3 =	vle.f32 v11, v8  }
0xcb: {  	v47 =	vld [tilespmem:s28+$0x4180];
	vm0 =	vmand vm4, vm5;
	vm4 =	vmand vm6, vm7;
	v49 =	vsub.f32 v19, v43  }
0xcc: {  	v26 =	vld [tilespmem:s28+$0x1A0];
	v15 =	vadd.f32 v15, v16;
	vm5 =	vle.f32 v48, v8;
	v16 =	vmul.f32 v50, v10  }
0xcd: {  	v63 =	vand.u32 $0x7FFFFFFF, v18;
	v19 =	vmul.f32 v36, v9;
	v43 =	vsub.f32 v37, v3  }
0xce: {  	v22 =	vld [tilespmem:s28+$0x81D0];
	v50 =	vsub.f32 v44, v3;
	vm15 =	vmand vm2, vm3;
	v12 =	vsel vm0, $0xFFFFFFFF, v46  }
0xcf: {  	v40 =	vld [tilespmem:s28+$0x81A0];
	vm0 =	vmand vm4, vm5;
	v32 =	vmul.f32 v27, v9;
	v34 =	vmul.f32 v27, v10  }
0xd0: {  	[tilespmem:$0x1FFC0] =	vst v12;
	v13 =	vsel vm0, $0xFFFFFFFF, v52;
	v14 =	vand.u32 $0x7FFFFFFF, v49;
	v12 =	vsub.f32 v47, v4  }
0xd1: {  	v15 =	vand.u32 $0x7FFFFFFF, v15;
	v16 =	vadd.f32 v17, v16;
	v17 =	vsub.f32 v26, v3  }
0xd2: {  	v11 =	vld [tilespmem:s28+$0x180];
	v45 =	vmul.f32 v43, v9;
	v54 =	vmul.f32 v50, v9;
	vm5 =	vlt.f32 v14, v6  }
0xd3: {  	[tilespmem:$0x1FFD0] =	vst v13;
	vm6 =	vlt.f32 v15, v7;
	v13 =	vand.u32 $0x7FFFFFFF, v53;
	v39 =	vadd.f32 v35, v34  }
0xd4: {  	v56 =	vld [tilespmem:s28+$0x1D0];
	v15 =	vsub.f32 v40, v5;
	v34 =	vsub.f32 v22, v5;
	vm5 =	vmand vm5, vm6  }
0xd5: {  	v27 =	vld [tilespmem:s28+$0x41E0];
	v58 =	vmul.f32 v12, v10;
	v12 =	vmul.f32 v12, v9;
	vm6 =	vle.f32 v13, v8  }
0xd6: {  	v47 =	vld [tilespmem:s28+$0x41C0];
	v24 =	vand.u32 $0x7FFFFFFF, v16;
	v41 =	vmul.f32 v17, v9;
	v17 =	vmul.f32 v17, v10  }
0xd7: {  	v11 =	vsub.f32 v11, v3;
	vm0 =	vmand vm5, vm6;
	vm6 =	vlt.f32 v63, v6  }
0xd8: {  	vm7 =	vlt.f32 v24, v7;
	v14 =	vand.u32 $0x7FFFFFFF, v39;
	v48 =	vand.u32 $0x7FFFFFFF, v15  }
0xd9: {  	v38 =	vld [tilespmem:s28+$0x41B0];
	v63 =	vsub.f32 v56, v3;
	v13 =	vsel vm0, $0xFFFFFFFF, v60;
	v16 =	vsub.f32 v41, v42  }
0xda: {  	vm6 =	vmand vm6, vm7;
	v17 =	vadd.f32 v19, v17;
	v36 =	vsub.f32 v27, v4  }
0xdb: {  	v57 =	vmul.f32 v11, v9;
	v11 =	vmul.f32 v11, v10;
	v51 =	vsub.f32 v47, v4  }
0xdc: {  	v26 =	vmul.f32 v63, v9;
	v15 =	vmul.f32 v63, v10;
	v16 =	vand.u32 $0x7FFFFFFF, v16  }
0xdd: {  	v17 =	vand.u32 $0x7FFFFFFF, v17;
	v41 =	vmul.f32 v36, v10;
	v61 =	vsub.f32 v57, v58  }
0xde: {  	v11 =	vadd.f32 v12, v11;
	v12 =	vsub.f32 v38, v4;
	vm10 =	vlt.f32 v16, v6  }
0xdf: {  	v31 =	vld [tilespmem:s28+$0x8190];
	vm11 =	vlt.f32 v17, v7;
	v55 =	vmul.f32 v51, v10;
	v16 =	vmul.f32 v50, v10  }
0xe0: {  	v53 =	vld [tilespmem:s28+$0x81C0];
	[tilespmem:$0x1FFE0] =	vst v13;
	v17 =	vsel vm12, $0xFFFFFFFF, v23;
	v13 =	vand.u32 $0x7FFFFFFF, v61;
	v11 =	vand.u32 $0x7FFFFFFF, v11  }
0xe1: {  	v60 =	vld [tilespmem:$0x1FE90];
	v46 =	vmul.f32 v12, v10;
	vm8 =	vlt.f32 v13, v6;
	vm9 =	vlt.f32 v11, v7  }
0xe2: {  	v11 =	vand.u32 $0x7FFFFFFF, v62;
	vm8 =	vmand vm8, vm9;
	vm9 =	vle.f32 v30, v8  }
0xe3: {  	vm7 =	vle.f32 v11, v8;
	v11 =	vimm.s32 $0x0;
	vm0 =	vmand vm8, vm9  }
0xe4: {  	v12 =	vmul.f32 v12, v9;
	v57 =	vsub.f32 v54, v55;
	v11 =	vsel vm0, $0xFFFFFFFF, v11  }
0xe5: {  	v38 =	vld [tilespmem:s28+$0x1F0];
	v61 =	vsub.f32 v53, v5;
	v53 =	vimm.s32 $0x0;
	[tilespmem:$0x1FFF0] =	vst v11;
	v11 =	vsub.f32 v32, v33  }
0xe6: {  	v59 =	vld [tilespmem:$0x1FE80];
	[tilespmem:$0x1FEC0] =	vst v17;
	vm1 =	vnez.u8 v60;
	v13 =	vsub.f32 v31, v5;
	v17 =	vsel vm15, $0xFFFFFFFF, v53  }
0xe7: {  	v42 =	vld [tilespmem:s28+$0x41F0];
	vm9 =	vlt.f32 v14, v7;
	v14 =	vmul.f32 v43, v10;
	v11 =	vand.u32 $0x7FFFFFFF, v11  }
0xe8: {  	v49 =	vsub.f32 v45, v46;
	v45 =	vimm.s32 $0x0;
	vm8 =	vlt.f32 v11, v6;
	v11 =	vld [tilespmem:s28+$0x81B0]  }
0xe9: {  	vm4 =	vmand vm6, vm7;
	v13 =	vand.u32 $0x7FFFFFFF, v13;
	v12 =	vadd.f32 v12, v14  }
0xea: {  	v20 =	vsel vm14, $0xFFFFFFFF, v45;
	v50 =	vsub.f32 v38, v3;
	v52 =	vand.u32 $0x7FFFFFFF, v49  }
0xeb: {  	vm0 =	vnez.u8 v59;
	v12 =	vand.u32 $0x7FFFFFFF, v12;
	vm8 =	vmand vm8, vm9  }
0xec: {  	v62 =	vld [tilespmem:$0x1FEA0];
	vm9 =	vle.f32 v13, v8;
	v13 =	vmul.f32 v51, v9;
	v51 =	vsub.f32 v42, v4  }
0xed: {  	v25 =	vld [tilespmem:$0x1FED0];
	vm5 =	vmand vm8, vm9;
	vm9 =	vmand vm10, vm11;
	v11 =	vsub.f32 v11, v5  }
0xee: {  	v28 =	vld [tilespmem:$0x1FEE0];
	vm10 =	vle.f32 v48, v8;
	vm11 =	vlt.f32 v12, v7;
	v12 =	vand.u32 $0x7FFFFFFF, v57  }
0xef: {  	v58 =	vld [tilespmem:s28+$0x41D0];
	vm7 =	vmand vm9, vm10;
	vm10 =	vlt.f32 v52, v6;
	v11 =	vand.u32 $0x7FFFFFFF, v11  }
0xf0: {  	v24 =	vld [tilespmem:s28+$0x1E0];
	vm10 =	vmand vm10, vm11;
	vm11 =	vle.f32 v11, v8;
	v11 =	vadd.f32 v13, v16  }
0xf1: {  	v30 =	vld [tilespmem:$0x1FEF0];
	vm2 =	vmand vm10, vm11;
	vm11 =	vmor vm0, vm1;
	vm0 =	vnez.u8 v62  }
0xf2: {  	v31 =	vld [tilespmem:$0x1FF00];
	v16 =	vsel vm13, $0xFFFFFFFF, v21;
	v13 =	vand.u32 $0x7FFFFFFF, v61;
	vm11 =	vmor vm11, vm0  }
0xf3: {  	v33 =	vld [tilespmem:$0x1FF10];
	v11 =	vand.u32 $0x7FFFFFFF, v11;
	vm0 =	vnez.u8 v25;
	vm11 =	vmor vm11, vm13  }
0xf4: {  	v35 =	vld [tilespmem:$0x1FF20];
	vm13 =	vlt.f32 v11, v7;
	v11 =	vsub.f32 v58, v4;
	vm11 =	vmor vm11, vm12  }
0xf5: {  	v37 =	vld [tilespmem:$0x1FF30];
	vm12 =	vlt.f32 v12, v6;
	vm11 =	vmor vm11, vm0;
	vm0 =	vnez.u8 v28  }
0xf6: {  	v39 =	vld [tilespmem:$0x1FF40];
	v12 =	vsub.f32 v24, v3;
	vm11 =	vmor vm11, vm0;
	vm0 =	vnez.u8 v30  }
0xf7: {  	v43 =	vld [tilespmem:$0x1FF50];
	vm12 =	vmand vm12, vm13;
	vm11 =	vmor vm11, vm0;
	vm0 =	vnez.u8 v31  }
0xf8: {  	v44 =	vld [tilespmem:$0x1FF60];
	vm13 =	vmor vm11, vm0;
	vm11 =	vle.f32 v13, v8;
	vm0 =	vnez.u8 v33  }
0xf9: {  	vm3 =	vmand vm12, vm11;
	vm12 =	vmor vm13, vm0;
	vm0 =	vnez.u8 v35  }
0xfa: {  	v46 =	vld [tilespmem:$0x1FF80];
	v29 =	vmul.f32 v11, v10;
	vm12 =	vmor vm12, vm0;
	vm0 =	vnez.u8 v37  }
0xfb: {  	v48 =	vld [tilespmem:$0x1FF90];
	v11 =	vmul.f32 v11, v9;
	vm12 =	vmor vm12, vm0;
	vm0 =	vnez.u8 v39  }
0xfc: {  	v52 =	vld [tilespmem:$0x1FFA0];
	v40 =	vmul.f32 v12, v9;
	vm12 =	vmor vm12, vm0;
	vm0 =	vnez.u8 v43  }
0xfd: {  	v12 =	vmul.f32 v12, v10;
	vm12 =	vmor vm12, vm0;
	vm0 =	vnez.u8 v44  }
0xfe: {  	v56 =	vld [tilespmem:$0x1FFC0];
	v32 =	vsub.f32 v26, v29;
	v11 =	vadd.f32 v11, v15;
	vm12 =	vmor vm12, vm0  }
0xff: {  	v54 =	vld [tilespmem:s28+$0x81F0];
	v15 =	vmul.f32 v36, v9;
	vm0 =	vnez.u8 v46;
	vm12 =	vmor vm12, vm14  }
0x100: {  	v49 =	vld [tilespmem:s28+$0x81E0];
	v13 =	vand.u32 $0x7FFFFFFF, v32;
	vm12 =	vmor vm12, vm0;
	vm0 =	vnez.u8 v48  }
0x101: {  	v11 =	vand.u32 $0x7FFFFFFF, v11;
	vm12 =	vmor vm12, vm0;
	vm0 =	vnez.u8 v52  }
0x102: {  	vm13 =	vlt.f32 v13, v6;
	vm14 =	vlt.f32 v11, v7;
	vm12 =	vmor vm12, vm0  }
0x103: {  	v11 =	vand.u32 $0x7FFFFFFF, v34;
	vm0 =	vnez.u8 v56;
	vm12 =	vmor vm12, vm15  }
0x104: {  	vm13 =	vmand vm13, vm14;
	vm14 =	vmor vm12, vm0;
	vm12 =	vle.f32 v11, v8;
	v11 =	vld [tilespmem:$0x1FFD0]  }
0x105: {  	v55 =	vmul.f32 v50, v9;
	v57 =	vsub.f32 v49, v5;
	v61 =	vsub.f32 v54, v5;
	v58 =	vld [tilespmem:$0x1FFE0]  }
0x106: {  	v59 =	vmul.f32 v50, v10;
	v47 =	vsub.f32 v40, v41;
	v12 =	vadd.f32 v15, v12  }
0x107: {  	v19 =	vmul.f32 v51, v10;
	v60 =	vmul.f32 v51, v9;
	v62 =	vld [tilespmem:$0x1FFF0];
	v63 =	vand.u32 $0x7FFFFFFF, v61  }
0x108: {  	vm11 =	vmmov vm4;
	v13 =	vand.u32 $0x7FFFFFFF, v47;
	v12 =	vand.u32 $0x7FFFFFFF, v12  }
0x109: {  	vm10 =	vmmov vm0;
	vm6 =	vmand vm13, vm12;
	vm1 =	vnez.u8 v11  }
0x10a: {  	vm12 =	vmmov vm1;
	vm13 =	vmor vm14, vm1;
	vm1 =	vnez.u8 v58  }
0x10b: {  	vm15 =	vlt.f32 v13, v6;
	v13 =	vadd.f32 v60, v59;
	vm13 =	vmor vm13, vm1  }
0x10c: {  	vm0 =	vlt.f32 v12, v7;
	vm13 =	vmor vm13, vm4;
	vm4 =	vnez.u8 v62  }
0x10d: {  	v12 =	vand.u32 $0x7FFFFFFF, v57;
	vm0 =	vmand vm15, vm0;
	vm13 =	vmor vm13, vm4  }
0x10e: {  	v11 =	vsub.f32 v55, v19;
	vm14 =	vmor vm13, vm5;
	vm13 =	vle.f32 v12, v8  }
0x10f: {  	v13 =	vand.u32 $0x7FFFFFFF, v13;
	vm8 =	vmand vm0, vm13;
	vm0 =	vmor vm14, vm7  }
0x110: {  	vm15 =	vlt.f32 v13, v7;
	v11 =	vand.u32 $0x7FFFFFFF, v11;
	vm0 =	vmor vm0, vm2  }
0x111: {  	vm13 =	vmmov vm7;
	vm14 =	vlt.f32 v11, v6;
	vm0 =	vmor vm0, vm3  }
0x112: {  	vm14 =	vmand vm14, vm15;
	vm15 =	vle.f32 v63, v8;
	vm0 =	vmor vm0, vm6  }
0x113: {  	vm7 =	vmmov vm6;
	vm6 =	vmand vm14, vm15;
	vm0 =	vmor vm0, vm8  }
0x114: {  	vm0 =	vmor vm0, vm6  }
0x115: {  	v11 =	vmpcnt.ones.xlane vm0;
	_ =	sdelay $0x1  }
0x116: {  	(v2sf) =	vpush v11, $0x0;
	_ =	sdelay $0xe  }
0x117: {  	s0 =	spop (v2sf)  }
0x118: {  	p0 =	slt.s32 s0, $0x1  }
.Ltmp4:
0x119: {  	_ = 	snop;
	(pc) =	sbr.rel @p0 .LBB2_5-.Ltmp4, $4  }
0x11a: {  	_ = 	snop  }
0x11b: {  	[tilespmem:$0x1FFB0] =	vst v17  }
0x11c: {  	[tilespmem:$0x1FF70] =	vst v20  }
0x11d: {  	[tilespmem:$0x1FEB0] =	vst v16  }
0x11e: {  	v11 =	vld [tilespmem:$0x1FE80];
	_ =	sdelay $0x2  }
0x11f: {  	vm9 =	vmmov vm1  }
0x120: {  	vm1 =	vmmov vm4;
	vm4 =	vmmov vm5;
	vm5 =	vmmov vm2  }
0x121: {  	vm2 =	vmmov vm3;
	vm3 =	vmmov vm8;
	vm8 =	vnez.u8 v11  }
0x122: {  	v11 =	vmpcnt.ones.xlane vm8  }
0x123: {  	v12 =	vld [tilespmem:$0x1FE90]  }
0x124: {  	(v2sf) =	vpush v11, $0x0;
	v11 =	vld [tilespmem:$0x1FEA0];
	_ =	sdelay $0x3  }
0x125: {  	vm14 =	vnez.u8 v12  }
0x126: {  	v12 =	vmpcnt.ones.xlane vm14;
	vm15 =	vnez.u8 v11  }
0x127: {  	v11 =	vmpcnt.ones.xlane vm15  }
0x128: {  	v32 =	vld [tilespmem:$0x1FEB0];
	(v2sf) =	vpush v12, $0x0  }
0x129: {  	(v2sf) =	vpush v11, $0x0;
	v11 =	vld [tilespmem:$0x1FEC0];
	_ =	sdelay $0x3  }
0x12a: {  	vm0 =	vnez.u8 v32  }
0x12b: {  	v12 =	vmpcnt.ones.xlane vm0;
	vm0 =	vnez.u8 v11  }
0x12c: {  	v11 =	vmpcnt.ones.xlane vm0  }
0x12d: {  	v33 =	vld [tilespmem:$0x1FED0];
	(v2sf) =	vpush v12, $0x0  }
0x12e: {  	(v2sf) =	vpush v11, $0x0;
	v11 =	vld [tilespmem:$0x1FEE0];
	_ =	sdelay $0x3  }
0x12f: {  	vm0 =	vnez.u8 v33  }
0x130: {  	v12 =	vmpcnt.ones.xlane vm0;
	vm0 =	vnez.u8 v11  }
0x131: {  	v11 =	vmpcnt.ones.xlane vm0  }
0x132: {  	v34 =	vld [tilespmem:$0x1FEF0];
	(v2sf) =	vpush v12, $0x0  }
0x133: {  	(v2sf) =	vpush v11, $0x0;
	v11 =	vld [tilespmem:$0x1FF00];
	_ =	sdelay $0x3  }
0x134: {  	vm0 =	vnez.u8 v34  }
0x135: {  	v12 =	vmpcnt.ones.xlane vm0;
	vm0 =	vnez.u8 v11  }
0x136: {  	v11 =	vmpcnt.ones.xlane vm0  }
0x137: {  	v35 =	vld [tilespmem:$0x1FF10];
	(v2sf) =	vpush v12, $0x0  }
0x138: {  	(v2sf) =	vpush v11, $0x0;
	v11 =	vld [tilespmem:$0x1FF20];
	_ =	sdelay $0x3  }
0x139: {  	vm0 =	vnez.u8 v35  }
0x13a: {  	v12 =	vmpcnt.ones.xlane vm0;
	vm0 =	vnez.u8 v11  }
0x13b: {  	v11 =	vmpcnt.ones.xlane vm0  }
0x13c: {  	v36 =	vld [tilespmem:$0x1FF30];
	(v2sf) =	vpush v12, $0x0  }
0x13d: {  	(v2sf) =	vpush v11, $0x0;
	v11 =	vld [tilespmem:$0x1FF40];
	_ =	sdelay $0x3  }
0x13e: {  	vm0 =	vnez.u8 v36  }
0x13f: {  	v12 =	vmpcnt.ones.xlane vm0;
	vm0 =	vnez.u8 v11  }
0x140: {  	v11 =	vmpcnt.ones.xlane vm0  }
0x141: {  	v37 =	vld [tilespmem:$0x1FF50];
	(v2sf) =	vpush v12, $0x0  }
0x142: {  	(v2sf) =	vpush v11, $0x0;
	v11 =	vld [tilespmem:$0x1FF60];
	_ =	sdelay $0x3  }
0x143: {  	vm0 =	vnez.u8 v37  }
0x144: {  	v12 =	vmpcnt.ones.xlane vm0;
	vm0 =	vnez.u8 v11  }
0x145: {  	v11 =	vmpcnt.ones.xlane vm0  }
0x146: {  	v38 =	vld [tilespmem:$0x1FF70];
	(v2sf) =	vpush v12, $0x0  }
0x147: {  	(v2sf) =	vpush v11, $0x0;
	v11 =	vld [tilespmem:$0x1FF80];
	_ =	sdelay $0x3  }
0x148: {  	vm0 =	vnez.u8 v38  }
0x149: {  	v12 =	vmpcnt.ones.xlane vm0;
	vm0 =	vnez.u8 v11  }
0x14a: {  	v11 =	vmpcnt.ones.xlane vm0  }
0x14b: {  	v39 =	vld [tilespmem:$0x1FF90];
	s0 =	spop (v2sf);
	(v2sf) =	vpush v12, $0x0  }
0x14c: {  	s1 =	spop (v2sf);
	(v2sf) =	vpush v11, $0x0;
	v11 =	vld [tilespmem:$0x1FFA0]  }
0x14d: {  	v40 =	vld [tilespmem:$0x1FFB0];
	_ =	sdelay $0x2  }
0x14e: {  	vm0 =	vnez.u8 v39  }
0x14f: {  	v12 =	vmpcnt.ones.xlane vm0;
	vm0 =	vnez.u8 v11  }
0x150: {  	v11 =	vmpcnt.ones.xlane vm0;
	vm0 =	vnez.u8 v40  }
0x151: {  	s3 =	spop (v2sf);
	(v2sf) =	vpush v12, $0x0;
	v12 =	vmpcnt.ones.xlane vm0  }
0x152: {  	s4 =	spop (v2sf);
	(v2sf) =	vpush v11, $0x0;
	v11 =	vmpcnt.ones.xlane vm10  }
0x153: {  	v41 =	vmpcnt.ones.xlane vm12;
	s7 =	spop (v2sf);
	(v2sf) =	vpush v12, $0x0  }
0x154: {  	s10 =	spop (v2sf);
	(v2sf) =	vpush v11, $0x0;
	v11 =	vmpcnt.ones.xlane vm9  }
0x155: {  	v42 =	vmpcnt.ones.xlane vm11;
	s11 =	spop (v2sf);
	(v2sf) =	vpush v41, $0x0  }
0x156: {  	s14 =	spop (v2sf);
	(v2sf) =	vpush v11, $0x0;
	v11 =	vmpcnt.ones.xlane vm1  }
0x157: {  	s15 =	spop (v2sf);
	(v2sf) =	vpush v42, $0x0  }
0x158: {  	s18 =	spop (v2sf);
	(v2sf) =	vpush v11, $0x0  }
0x159: {  	s12 =	sadd.s32 s2, s0;
	s19 =	spop (v2sf)  }
0x15a: {  	p0 =	slt.s32 s2, $0x200;
	s5 =	sadd.s32 s1, s12;
	s20 =	spop (v2sf)  }
0x15b: {  	s2 =	simm.s32 @!p0 $0x200;
	s6 =	sadd.s32 s3, s5;
	s21 =	spop (v2sf)  }
0x15c: {  	p0 =	slt.s32 s12, $0x200;
	s9 =	sadd.s32 s4, s6;
	s22 =	spop (v2sf)  }
0x15d: {  	s12 =	simm.s32 @!p0 $0x200;
	s16 =	sadd.s32 s7, s9;
	s8 =	spop (v2sf)  }
0x15e: {  	p0 =	slt.s32 s5, $0x200;
	s23 =	sadd.s32 s10, s16;
	s1 =	spop (v2sf)  }
0x15f: {  	s5 =	simm.s32 @!p0 $0x200;
	s13 =	sadd.s32 s11, s23;
	s26 =	spop (v2sf)  }
0x160: {  	p0 =	slt.s32 s6, $0x200;
	s3 =	sadd.s32 s14, s13;
	s25 =	spop (v2sf)  }
0x161: {  	s6 =	simm.s32 @!p0 $0x200;
	s17 =	sadd.s32 s15, s3;
	s0 =	spop (v2sf)  }
0x162: {  	p0 =	slt.s32 s9, $0x200;
	s11 =	sadd.s32 s18, s17;
	v11 =	vmpcnt.ones.xlane vm4;
	s10 =	spop (v2sf)  }
0x163: {  	s9 =	simm.s32 @!p0 $0x200;
	s7 =	sadd.s32 s19, s11;
	s28 =	spop (v2sf)  }
0x164: {  	p0 =	slt.s32 s16, $0x200;
	s4 =	sadd.s32 s20, s7;
	(v2sf) =	vpush v11, $0x0;
	s31 =	spop (v2sf)  }
0x165: {  	v43 =	vmpcnt.ones.xlane vm13;
	s16 =	simm.s32 @!p0 $0x200;
	s14 =	sadd.s32 s21, s4;
	s30 =	spop (v2sf)  }
0x166: {  	p0 =	slt.s32 s23, $0x200;
	s21 =	sadd.s32 s22, s14;
	v11 =	vmpcnt.ones.xlane vm5;
	s18 =	spop (v2sf)  }
0x167: {  	v44 =	vmpcnt.ones.xlane vm2;
	s23 =	simm.s32 @!p0 $0x200;
	s20 =	sadd.s32 s8, s21;
	(v2sf) =	vpush v43, $0x0;
	s19 =	spop (v2sf)  }
0x168: {  	p0 =	slt.s32 s13, $0x200;
	(v2sf) =	vpush v11, $0x0;
	v11 =	vmpcnt.ones.xlane vm7;
	[dreg:$0xe] =	wrdreg s19;
	s19 =	sadd.s32 s1, s20  }
0x169: {  	v47 =	vld [tilespmem:$0x1FEB0];
	v45 =	vmpcnt.ones.xlane vm3;
	s13 =	simm.s32 @!p0 $0x200;
	(v2sf) =	vpush v44, $0x0;
	[dreg:$0xf] =	wrdreg s18;
	s18 =	sadd.s32 s26, s19  }
0x16a: {  	v48 =	vld [tilespmem:$0x1FEC0];
	p0 =	slt.s32 s3, $0x200;
	(v2sf) =	vpush v11, $0x0;
	s15 =	sadd.s32 s25, s18;
	s25 =	sadd.s32 $0xFFFFFE10, s24  }
0x16b: {  	v49 =	vld [tilespmem:$0x1FED0];
	s3 =	simm.s32 @!p0 $0x200;
	p0 =	slt.s32 s17, $0x200;
	(v2sf) =	vpush v45, $0x0;
	s26 =	sadd.s32 $0xFFFFFE20, s24;
	v11 =	vor.u32 s25, v2  }
0x16c: {  	v50 =	vld [tilespmem:$0x1FEE0];
	s17 =	simm.s32 @!p0 $0x200;
	p0 =	slt.s32 s11, $0x200;
	s8 =	sadd.s32 $0xFFFFFE30, s24;
	[tilespmem:s2+$0xC200] =	vst.msk vm8, v11;
	v11 =	vor.u32 s26, v2  }
0x16d: {  	v51 =	vld [tilespmem:$0x1FEF0];
	s11 =	simm.s32 @!p0 $0x200;
	p0 =	slt.s32 s7, $0x200;
	s25 =	sadd.s32 $0xFFFFFE40, s24;
	[tilespmem:s12+$0xC200] =	vst.msk vm14, v11;
	v11 =	vor.u32 s8, v2  }
0x16e: {  	v52 =	vld [tilespmem:$0x1FF00];
	s7 =	simm.s32 @!p0 $0x200;
	p0 =	slt.s32 s4, $0x200;
	s2 =	sadd.s32 $0xFFFFFE50, s24;
	vm14 =	vnez.u8 v47;
	[tilespmem:s5+$0xC200] =	vst.msk vm15, v11;
	v11 =	vor.u32 s25, v2  }
0x16f: {  	v53 =	vld [tilespmem:$0x1FF10];
	s4 =	simm.s32 @!p0 $0x200;
	p0 =	slt.s32 s14, $0x200;
	s8 =	sadd.s32 $0xFFFFFE60, s24;
	vm15 =	vnez.u8 v48;
	[tilespmem:s6+$0xC200] =	vst.msk vm14, v11;
	v11 =	vor.u32 s2, v2  }
0x170: {  	v54 =	vld [tilespmem:$0x1FF20];
	s14 =	simm.s32 @!p0 $0x200;
	p0 =	slt.s32 s21, $0x200;
	vm8 =	vnez.u8 v49;
	s25 =	sadd.s32 $0xFFFFFE70, s24;
	[tilespmem:s9+$0xC200] =	vst.msk vm15, v11;
	v11 =	vor.u32 s8, v2  }
0x171: {  	v55 =	vld [tilespmem:$0x1FF30];
	s21 =	simm.s32 @!p0 $0x200;
	p0 =	slt.s32 s20, $0x200;
	s2 =	sadd.s32 $0xFFFFFE80, s24;
	vm14 =	vnez.u8 v50;
	[tilespmem:s16+$0xC200] =	vst.msk vm8, v11;
	v11 =	vor.u32 s25, v2  }
0x172: {  	v56 =	vld [tilespmem:$0x1FF40];
	s20 =	simm.s32 @!p0 $0x200;
	p0 =	slt.s32 s19, $0x200;
	s8 =	sadd.s32 $0xFFFFFE90, s24;
	vm15 =	vnez.u8 v51;
	[tilespmem:s23+$0xC200] =	vst.msk vm14, v11;
	v11 =	vor.u32 s2, v2  }
0x173: {  	v57 =	vld [tilespmem:$0x1FF50];
	s1 =	spop (v2sf);
	s19 =	simm.s32 @!p0 $0x200;
	s16 =	sadd.s32 $0xFFFFFEA0, s24;
	vm8 =	vnez.u8 v52;
	[tilespmem:s13+$0xC200] =	vst.msk vm15, v11;
	v11 =	vor.u32 s8, v2  }
0x174: {  	v58 =	vld [tilespmem:$0x1FF60];
	p0 =	slt.s32 s18, $0x200;
	s22 =	sadd.s32 s0, s15;
	s23 =	sadd.s32 $0xFFFFFEB0, s24;
	vm14 =	vnez.u8 v53;
	[tilespmem:s3+$0xC200] =	vst.msk vm8, v11;
	v11 =	vor.u32 s16, v2  }
0x175: {  	v59 =	vld [tilespmem:$0x1FF70];
	s0 =	sadd.s32 $0xFFFFFEE0, s24;
	s18 =	simm.s32 @!p0 $0x200;
	s25 =	sadd.s32 $0xFFFFFEC0, s24;
	vm15 =	vnez.u8 v54;
	[tilespmem:s17+$0xC200] =	vst.msk vm14, v11;
	v11 =	vor.u32 s23, v2  }
0x176: {  	v60 =	vld [tilespmem:$0x1FF80];
	p0 =	slt.s32 s15, $0x200;
	s26 =	spop (v2sf);
	s13 =	sadd.s32 $0xFFFFFED0, s24;
	vm8 =	vnez.u8 v55;
	[tilespmem:s11+$0xC200] =	vst.msk vm15, v11;
	v11 =	vor.u32 s25, v2  }
0x177: {  	v61 =	vld [tilespmem:$0x1FF90];
	s10 =	sadd.s32 s10, s22;
	s15 =	simm.s32 @!p0 $0x200;
	s12 =	spop (v2sf);
	vm14 =	vnez.u8 v56;
	[tilespmem:s7+$0xC200] =	vst.msk vm8, v11;
	v11 =	vor.u32 s13, v2  }
0x178: {  	v62 =	vld [tilespmem:$0x1FFA0];
	p0 =	slt.s32 s22, $0x200;
	s5 =	spop (v2sf);
	s3 =	sadd.s32 $0xFFFFFEF0, s24;
	vm15 =	vnez.u8 v57;
	[tilespmem:s4+$0xC200] =	vst.msk vm14, v11;
	v11 =	vor.u32 s0, v2  }
0x179: {  	s22 =	simm.s32 @!p0 $0x200;
	s6 =	spop (v2sf);
	s17 =	sadd.s32 $0xFFFFFF00, s24;
	vm8 =	vnez.u8 v58;
	[tilespmem:s14+$0xC200] =	vst.msk vm15, v11;
	v11 =	vor.u32 s3, v2  }
0x17a: {  	v46 =	vmpcnt.ones.xlane vm6;
	p0 =	slt.s32 s10, $0x200;
	s9 =	spop (v2sf);
	s16 =	sadd.s32 $0xFFFFFF10, s24;
	vm14 =	vnez.u8 v59;
	[tilespmem:s21+$0xC200] =	vst.msk vm8, v11;
	v11 =	vor.u32 s17, v2  }
0x17b: {  	s8 =	sadd.s32 $0xFFFFFFA0, s24;
	s23 =	sadd.s32 $0xFFFFFF20, s24;
	s25 =	sadd.s32 $0xFFFFFF30, s24;
	vm15 =	vnez.u8 v60;
	[tilespmem:s20+$0xC200] =	vst.msk vm14, v11;
	v11 =	vor.u32 s16, v2  }
0x17c: {  	(v2sf) =	vpush v46, $0x0;
	s7 =	sadd.s32 $0xFFFFFF40, s24;
	s13 =	sadd.s32 $0xFFFFFF50, s24;
	s0 =	sadd.s32 $0xFFFFFF60, s24;
	vm8 =	vnez.u8 v61;
	[tilespmem:s19+$0xC200] =	vst.msk vm15, v11;
	v11 =	vor.u32 s23, v2  }
0x17d: {  	s4 =	sadd.s32 $0xFFFFFF70, s24;
	s3 =	sadd.s32 $0xFFFFFF80, s24;
	s14 =	sadd.s32 $0xFFFFFF90, s24;
	vm14 =	vnez.u8 v62;
	[tilespmem:s18+$0xC200] =	vst.msk vm8, v11;
	v11 =	vor.u32 s25, v2  }
0x17e: {  	s17 =	sadd.s32 $0xFFFFFFB0, s24;
	s21 =	sadd.s32 $0xFFFFFFE0, s24;
	[tilespmem:s15+$0xC200] =	vst.msk vm14, v11;
	v11 =	vor.u32 s7, v2;
	s7 =	sadd.s32 s28, s10  }
0x17f: {  	v63 =	vld [tilespmem:$0x1FFF0];
	s16 =	sadd.s32 $0xFFFFFFC0, s24;
	s10 =	simm.s32 @!p0 $0x200;
	[tilespmem:s22+$0xC200] =	vst.msk vm0, v11;
	v11 =	vor.u32 s13, v2;
	s13 =	sadd.s32 s31, s7  }
0x180: {  	s28 =	rddreg [dreg:$0xf];
	p0 =	slt.s32 s7, $0x200;
	[tilespmem:s10+$0xC200] =	vst.msk vm10, v11;
	v11 =	vor.u32 s0, v2;
	s0 =	sadd.s32 s30, s13  }
0x181: {  	s7 =	simm.s32 @!p0 $0x200;
	p0 =	slt.s32 s13, $0x200;
	s30 =	rddreg [dreg:$0xe]  }
0x182: {  	[tilespmem:s7+$0xC200] =	vst.msk vm12, v11;
	v11 =	vor.u32 s4, v2;
	s4 =	sadd.s32 s28, s0;
	s13 =	simm.s32 @!p0 $0x200;
	p0 =	slt.s32 s0, $0x200  }
0x183: {  	[tilespmem:s13+$0xC200] =	vst.msk vm9, v11;
	v11 =	vor.u32 s3, v2;
	s3 =	sadd.s32 s30, s4;
	s0 =	simm.s32 @!p0 $0x200;
	p0 =	slt.s32 s4, $0x200  }
0x184: {  	vm15 =	vnez.u8 v63;
	[tilespmem:s0+$0xC200] =	vst.msk vm11, v11;
	v11 =	vor.u32 s14, v2;
	s0 =	sadd.s32 s1, s3;
	s4 =	simm.s32 @!p0 $0x200;
	p0 =	slt.s32 s3, $0x200  }
0x185: {  	vm1 =	vmmov vm4;
	[tilespmem:s4+$0xC200] =	vst.msk vm15, v11;
	v11 =	vor.u32 s8, v2;
	s1 =	sadd.s32 s26, s0;
	s3 =	simm.s32 @!p0 $0x200;
	p0 =	slt.s32 s0, $0x200  }
0x186: {  	[tilespmem:s3+$0xC200] =	vst.msk vm1, v11;
	v11 =	vor.u32 s17, v2;
	s3 =	sadd.s32 s12, s1;
	s0 =	simm.s32 @!p0 $0x200;
	p0 =	slt.s32 s1, $0x200  }
0x187: {  	s20 =	sadd.s32 $0xFFFFFFD0, s24;
	[tilespmem:s0+$0xC200] =	vst.msk vm13, v11;
	v11 =	vor.u32 s16, v2;
	s0 =	sadd.s32 s5, s3;
	s1 =	simm.s32 @!p0 $0x200  }
0x188: {  	s23 =	sadd.s32 $0xFFFFFFF0, s24;
	p0 =	slt.s32 s3, $0x200;
	[tilespmem:s1+$0xC200] =	vst.msk vm5, v11;
	s1 =	sadd.s32 s6, s0  }
.Ltmp5:
0x189: {  	v11 =	vor.u32 s20, v2;
	s3 =	simm.s32 @!p0 $0x200;
	p0 =	slt.s32 s0, $0x200;
	(pc) =	sbr.rel .LBB2_5-.Ltmp5, $4  }
0x18a: {  	[tilespmem:s3+$0xC200] =	vst.msk vm2, v11;
	v11 =	vor.u32 s21, v2;
	s2 =	sadd.s32 s9, s1;
	s0 =	simm.s32 @!p0 $0x200;
	p0 =	slt.s32 s1, $0x200  }
0x18b: {  	vm4 =	vmmov vm3;
	s25 =	spop (v2sf);
	[tilespmem:s0+$0xC200] =	vst.msk vm7, v11;
	v11 =	vor.u32 s23, v2;
	s1 =	simm.s32 @!p0 $0x200;
	p0 =	slt.s32 s2, $0x200  }
0x18c: {  	s31 =	sadd.s32 s25, s2;
	[tilespmem:s1+$0xC200] =	vst.msk vm4, v11;
	v11 =	vor.u32 s24, v2;
	s2 =	simm.s32 @!p0 $0x200  }
0x18d: {  	[tilespmem:s2+$0xC200] =	vst.msk vm6, v11;
	s2 =	smov.u32 s31  }
.LBB2_6:
0x18e: {  	p1 =	sgt.s32 s2, $0x1  }
0x18f: {  	p0 =	seq.s32 s2, $0x0;
	s2 =	simm.s32 @!p1 $0x1  }
0x190: {  	s24 =	smin.u32 s2, $0x200  }
0x191: {  	v3 =	vmov s24  }
0x192: {  	(v2sf) =	vpush v3, $0x0  }
0x193: {  	(v2sf) =	vpush v2, $0x0  }
0x194: {  	(v2sf) =	vpush v3, $0xF  }
0x195: {  	(v2sf) =	vpush v2, $0xF  }
0x196: {  	s23 =	simm.s32 $0x10;
	(v2sf) =	vpush v3, $0x1  }
0x197: {  	(drf) =	srem.u32 s23, s24;
	(v2sf) =	vpush v2, $0x1  }
0x198: {  	(v2sf) =	vpush v3, $0x2  }
0x199: {  	(v2sf) =	vpush v2, $0x2  }
0x19a: {  	(v2sf) =	vpush v3, $0x3  }
0x19b: {  	(v2sf) =	vpush v2, $0x3  }
0x19c: {  	(v2sf) =	vpush v3, $0x4  }
0x19d: {  	(v2sf) =	vpush v2, $0x4;
	_ =	sdelay $0x1  }
0x19e: {  	(v2sf) =	vpush v3, $0x5  }
0x19f: {  	s26 =	spop (drf);
	(v2sf) =	vpush v2, $0x5  }
0x1a0: {  	s0 =	spop (v2sf)  }
0x1a1: {  	(v2sf) =	vpush v3, $0x6;
	s1 =	spop (v2sf)  }
0x1a2: {  	(v2sf) =	vpush v2, $0x6;
	s31 =	spop (v2sf)  }
0x1a3: {  	(drf) =	srem.u32 s1, s0;
	s3 =	spop (v2sf)  }
0x1a4: {  	(v2sf) =	vpush v3, $0x7;
	s4 =	spop (v2sf)  }
0x1a5: {  	(v2sf) =	vpush v2, $0x7;
	s5 =	spop (v2sf)  }
0x1a6: {  	(drf) =	srem.u32 s3, s31;
	s6 =	spop (v2sf)  }
0x1a7: {  	(v2sf) =	vpush v3, $0x8;
	s7 =	spop (v2sf)  }
0x1a8: {  	(v2sf) =	vpush v2, $0x8;
	s8 =	spop (v2sf)  }
0x1a9: {  	(drf) =	srem.u32 s5, s4;
	s9 =	spop (v2sf)  }
0x1aa: {  	(v2sf) =	vpush v3, $0x9;
	s10 =	spop (v2sf)  }
0x1ab: {  	(v2sf) =	vpush v2, $0x9;
	s11 =	spop (v2sf)  }
0x1ac: {  	(drf) =	srem.u32 s7, s6;
	s31 =	spop (drf)  }
0x1ad: {  	(v2sf) =	vpush v3, $0xA;
	s12 =	spop (v2sf)  }
0x1ae: {  	(v2sf) =	vpush v2, $0xA;
	(drf) =	srem.u32 s9, s8;
	s13 =	spop (v2sf)  }
0x1af: {  	(v2sf) =	vpush v3, $0xB;
	(drf) =	srem.u32 s11, s10;
	s10 =	spop (drf)  }
0x1b0: {  	(v2sf) =	vpush v2, $0xB;
	s14 =	spop (v2sf)  }
0x1b1: {  	(v2sf) =	vpush v3, $0xC;
	s15 =	spop (v2sf)  }
0x1b2: {  	(v2sf) =	vpush v2, $0xC;
	s11 =	spop (drf)  }
0x1b3: {  	(v2sf) =	vpush v3, $0xD;
	s16 =	spop (v2sf)  }
0x1b4: {  	(v2sf) =	vpush v2, $0xD;
	s17 =	spop (v2sf)  }
0x1b5: {  	(drf) =	srem.u32 s13, s12;
	(v2sf) =	vpush v3, $0xE;
	s12 =	spop (drf)  }
0x1b6: {  	(v2sf) =	vpush v2, $0xE;
	s18 =	spop (v2sf)  }
0x1b7: {  	s19 =	spop (v2sf)  }
0x1b8: {  	s13 =	spop (drf)  }
0x1b9: {  	s20 =	spop (v2sf)  }
0x1ba: {  	s21 =	spop (v2sf)  }
0x1bb: {  	(drf) =	srem.u32 s15, s14;
	s14 =	spop (drf)  }
0x1bc: {  	s22 =	spop (v2sf)  }
0x1bd: {  	s1 =	spop (v2sf)  }
0x1be: {  	s3 =	spop (v2sf)  }
0x1bf: {  	(drf) =	srem.u32 s17, s16;
	s5 =	spop (v2sf)  }
0x1c0: {  	(drf) =	srem.u32 s19, s18;
	s23 =	spop (v2sf)  }
0x1c1: {  	vm0 =	vcmask $0x300;
	v4 =	vmov s10;
	(drf) =	srem.u32 s21, s20;
	s25 =	spop (v2sf)  }
0x1c2: {  	vm8 =	vcmask $0x704;
	v4 =	vsel vm0, s31, v4;
	(drf) =	srem.u32 s1, s22;
	s28 =	spop (v2sf)  }
0x1c3: {  	vm9 =	vcmask $0xB08;
	v4 =	vsel vm8, s11, v4;
	(drf) =	srem.u32 s5, s3;
	s29 =	spop (v2sf)  }
0x1c4: {  	vm10 =	vcmask $0xF0C;
	v4 =	vsel vm9, s12, v4;
	(drf) =	srem.u32 s25, s23;
	s30 =	spop (v2sf)  }
0x1c5: {  	vm11 =	vcmask $0x1310;
	v4 =	vsel vm10, s13, v4;
	(drf) =	srem.u32 s29, s28;
	s15 =	spop (v2sf)  }
0x1c6: {  	vm12 =	vcmask $0x1714;
	v4 =	vsel vm11, s14, v4;
	s16 =	spop (drf);
	(drf) =	srem.u32 s15, s30  }
0x1c7: {  	vm13 =	vcmask $0x1B18;
	v4 =	vsel vm12, s16, v4;
	s17 =	spop (drf)  }
0x1c8: {  	vm14 =	vcmask $0x1F1C;
	v4 =	vsel vm13, s17, v4;
	s18 =	spop (drf)  }
0x1c9: {  	vm15 =	vcmask $0x2320;
	v4 =	vsel vm14, s18, v4;
	s19 =	spop (drf)  }
0x1ca: {  	vm4 =	vcmask $0x2724;
	v4 =	vsel vm15, s19, v4;
	s20 =	spop (drf)  }
0x1cb: {  	vm5 =	vcmask $0x2B28;
	v4 =	vsel vm4, s20, v4;
	s21 =	spop (drf)  }
0x1cc: {  	vm6 =	vcmask $0x2F2C;
	v4 =	vsel vm5, s21, v4;
	s22 =	spop (drf)  }
0x1cd: {  	vm7 =	vcmask $0x3330;
	v4 =	vsel vm6, s22, v4;
	s23 =	spop (drf)  }
0x1ce: {  	s6 =	rddreg [dreg:$0xd];
	vm8 =	vcmask $0x3734;
	v4 =	vsel vm7, s23, v4;
	s25 =	spop (drf)  }
0x1cf: {  	v5 =	vmov s6;
	vm9 =	vcmask $0x3B38;
	v4 =	vsel vm8, s25, v4;
	s28 =	spop (drf)  }
0x1d0: {  	v4 =	vsel vm9, s28, v4  }
0x1d1: {  	s0 =	simm.s32 $0x1  }
0x1d2: {  	s0 =	simm.s32 @!p0 $0x0  }
0x1d3: {  	v6 =	vmov s0;
	s29 =	simm.s32 $0x1C820  }
0x1d4: {  	[tilespmem:v5+s29+$0x0] =	vst.idx.msk $0x1, v6;
	s30 =	simm.s32 $0xC200  }
0x1d5: {  	v5 =	vld.idx.msk [tilespmem:v4+s30+$0x0], $0xffff;
	v4 =	vadd.s32 s26, v4  }
0x1d6: {  	v58 =	vsub.s32 v4, v3  }
0x1d7: {  	v4 =	vmin.u32 v4, v58;
	_ =	sdelay $0x1  }
0x1d8: {  	s31 =	sshll.u32 s6, $0x9  }
0x1d9: {  	s25 =	sand.u32 $0x200, s31;
	v5 =	vadd.s32 v1, v5  }
0x1da: {  	v59 =	vadd.s32 s26, v4;
	[tilespmem:s25+$0xC420] =	vst v5  }
0x1db: {  	vm10 =	vlt.s32 v59, s24;
	v4 =	vld.idx.msk [tilespmem:v4+s30+$0x0], $0xffff  }
0x1dc: {  	v60 =	vsel vm10, $0x0, v3  }
0x1dd: {  	v5 =	vsub.s32 v59, v60;
	_ =	sdelay $0x2  }
0x1de: {  	v4 =	vadd.s32 v1, v4  }
0x1df: {  	v61 =	vadd.s32 s26, v5;
	[tilespmem:s25+$0xC430] =	vst v4  }
0x1e0: {  	vm11 =	vlt.s32 v61, s24;
	v5 =	vld.idx.msk [tilespmem:v5+s30+$0x0], $0xffff  }
0x1e1: {  	v62 =	vsel vm11, $0x0, v3  }
0x1e2: {  	v4 =	vsub.s32 v61, v62;
	_ =	sdelay $0x2  }
0x1e3: {  	v5 =	vadd.s32 v1, v5  }
0x1e4: {  	v63 =	vadd.s32 s26, v4;
	[tilespmem:s25+$0xC440] =	vst v5  }
0x1e5: {  	vm12 =	vlt.s32 v63, s24;
	v4 =	vld.idx.msk [tilespmem:v4+s30+$0x0], $0xffff  }
0x1e6: {  	v9 =	vsel vm12, $0x0, v3  }
0x1e7: {  	v5 =	vsub.s32 v63, v9;
	_ =	sdelay $0x2  }
0x1e8: {  	v4 =	vadd.s32 v1, v4  }
0x1e9: {  	v10 =	vadd.s32 s26, v5;
	[tilespmem:s25+$0xC450] =	vst v4  }
0x1ea: {  	vm13 =	vlt.s32 v10, s24;
	v5 =	vld.idx.msk [tilespmem:v5+s30+$0x0], $0xffff  }
0x1eb: {  	v11 =	vsel vm13, $0x0, v3  }
0x1ec: {  	v4 =	vsub.s32 v10, v11;
	_ =	sdelay $0x2  }
0x1ed: {  	v5 =	vadd.s32 v1, v5  }
0x1ee: {  	v12 =	vadd.s32 s26, v4;
	[tilespmem:s25+$0xC460] =	vst v5  }
0x1ef: {  	vm14 =	vlt.s32 v12, s24;
	v4 =	vld.idx.msk [tilespmem:v4+s30+$0x0], $0xffff  }
0x1f0: {  	v13 =	vsel vm14, $0x0, v3  }
0x1f1: {  	v5 =	vsub.s32 v12, v13;
	_ =	sdelay $0x2  }
0x1f2: {  	v4 =	vadd.s32 v1, v4  }
0x1f3: {  	v14 =	vadd.s32 s26, v5;
	[tilespmem:s25+$0xC470] =	vst v4  }
0x1f4: {  	vm15 =	vlt.s32 v14, s24;
	v5 =	vld.idx.msk [tilespmem:v5+s30+$0x0], $0xffff  }
0x1f5: {  	v15 =	vsel vm15, $0x0, v3  }
0x1f6: {  	v4 =	vsub.s32 v14, v15;
	_ =	sdelay $0x2  }
0x1f7: {  	v5 =	vadd.s32 v1, v5  }
0x1f8: {  	v16 =	vadd.s32 s26, v4;
	[tilespmem:s25+$0xC480] =	vst v5  }
0x1f9: {  	vm4 =	vlt.s32 v16, s24;
	v4 =	vld.idx.msk [tilespmem:v4+s30+$0x0], $0xffff  }
0x1fa: {  	v17 =	vsel vm4, $0x0, v3  }
0x1fb: {  	v5 =	vsub.s32 v16, v17;
	_ =	sdelay $0x2  }
0x1fc: {  	v4 =	vadd.s32 v1, v4  }
0x1fd: {  	v18 =	vadd.s32 s26, v5;
	[tilespmem:s25+$0xC490] =	vst v4  }
0x1fe: {  	vm5 =	vlt.s32 v18, s24;
	v5 =	vld.idx.msk [tilespmem:v5+s30+$0x0], $0xffff  }
0x1ff: {  	v19 =	vsel vm5, $0x0, v3  }
0x200: {  	v4 =	vsub.s32 v18, v19;
	_ =	sdelay $0x2  }
0x201: {  	v5 =	vadd.s32 v1, v5  }
0x202: {  	v20 =	vadd.s32 s26, v4;
	[tilespmem:s25+$0xC4A0] =	vst v5  }
0x203: {  	vm6 =	vlt.s32 v20, s24;
	v4 =	vld.idx.msk [tilespmem:v4+s30+$0x0], $0xffff  }
0x204: {  	v21 =	vsel vm6, $0x0, v3  }
0x205: {  	v5 =	vsub.s32 v20, v21;
	_ =	sdelay $0x2  }
0x206: {  	v4 =	vadd.s32 v1, v4  }
0x207: {  	v22 =	vadd.s32 s26, v5;
	[tilespmem:s25+$0xC4B0] =	vst v4  }
0x208: {  	vm7 =	vlt.s32 v22, s24;
	v5 =	vld.idx.msk [tilespmem:v5+s30+$0x0], $0xffff  }
0x209: {  	v23 =	vsel vm7, $0x0, v3  }
0x20a: {  	v4 =	vsub.s32 v22, v23;
	_ =	sdelay $0x2  }
0x20b: {  	v5 =	vadd.s32 v1, v5  }
0x20c: {  	v24 =	vadd.s32 s26, v4;
	[tilespmem:s25+$0xC4C0] =	vst v5  }
0x20d: {  	vm8 =	vlt.s32 v24, s24;
	v4 =	vld.idx.msk [tilespmem:v4+s30+$0x0], $0xffff  }
0x20e: {  	v25 =	vsel vm8, $0x0, v3  }
0x20f: {  	v5 =	vsub.s32 v24, v25;
	_ =	sdelay $0x2  }
0x210: {  	v4 =	vadd.s32 v1, v4  }
0x211: {  	v26 =	vadd.s32 s26, v5;
	[tilespmem:s25+$0xC4D0] =	vst v4  }
0x212: {  	vm9 =	vlt.s32 v26, s24;
	v5 =	vld.idx.msk [tilespmem:v5+s30+$0x0], $0xffff  }
0x213: {  	v27 =	vsel vm9, $0x0, v3  }
0x214: {  	v4 =	vsub.s32 v26, v27;
	_ =	sdelay $0x2  }
0x215: {  	v5 =	vadd.s32 v1, v5  }
0x216: {  	v28 =	vadd.s32 s26, v4;
	[tilespmem:s25+$0xC4E0] =	vst v5  }
0x217: {  	vm10 =	vlt.s32 v28, s24;
	v4 =	vld.idx.msk [tilespmem:v4+s30+$0x0], $0xffff  }
0x218: {  	v29 =	vsel vm10, $0x0, v3  }
0x219: {  	v5 =	vsub.s32 v28, v29;
	_ =	sdelay $0x2  }
0x21a: {  	v4 =	vadd.s32 v1, v4  }
0x21b: {  	v30 =	vadd.s32 s26, v5;
	[tilespmem:s25+$0xC4F0] =	vst v4  }
0x21c: {  	vm11 =	vlt.s32 v30, s24;
	v5 =	vld.idx.msk [tilespmem:v5+s30+$0x0], $0xffff  }
0x21d: {  	v31 =	vsel vm11, $0x0, v3  }
0x21e: {  	v4 =	vsub.s32 v30, v31;
	_ =	sdelay $0x2  }
0x21f: {  	v5 =	vadd.s32 v1, v5  }
0x220: {  	v32 =	vadd.s32 s26, v4;
	[tilespmem:s25+$0xC500] =	vst v5  }
0x221: {  	vm12 =	vlt.s32 v32, s24;
	v4 =	vld.idx.msk [tilespmem:v4+s30+$0x0], $0xffff  }
0x222: {  	v33 =	vsel vm12, $0x0, v3  }
0x223: {  	v5 =	vsub.s32 v32, v33;
	_ =	sdelay $0x2  }
0x224: {  	v4 =	vadd.s32 v1, v4  }
0x225: {  	v34 =	vadd.s32 s26, v5;
	[tilespmem:s25+$0xC510] =	vst v4  }
0x226: {  	vm13 =	vlt.s32 v34, s24;
	v5 =	vld.idx.msk [tilespmem:v5+s30+$0x0], $0xffff  }
0x227: {  	v35 =	vsel vm13, $0x0, v3  }
0x228: {  	v4 =	vsub.s32 v34, v35;
	_ =	sdelay $0x2  }
0x229: {  	v5 =	vadd.s32 v1, v5  }
0x22a: {  	v36 =	vadd.s32 s26, v4;
	[tilespmem:s25+$0xC520] =	vst v5  }
0x22b: {  	vm14 =	vlt.s32 v36, s24;
	v4 =	vld.idx.msk [tilespmem:v4+s30+$0x0], $0xffff  }
0x22c: {  	v37 =	vsel vm14, $0x0, v3  }
0x22d: {  	v5 =	vsub.s32 v36, v37;
	_ =	sdelay $0x2  }
0x22e: {  	v4 =	vadd.s32 v1, v4  }
0x22f: {  	v38 =	vadd.s32 s26, v5;
	[tilespmem:s25+$0xC530] =	vst v4  }
0x230: {  	vm15 =	vlt.s32 v38, s24;
	v5 =	vld.idx.msk [tilespmem:v5+s30+$0x0], $0xffff  }
0x231: {  	v39 =	vsel vm15, $0x0, v3  }
0x232: {  	v4 =	vsub.s32 v38, v39;
	_ =	sdelay $0x2  }
0x233: {  	v5 =	vadd.s32 v1, v5  }
0x234: {  	v40 =	vadd.s32 s26, v4;
	[tilespmem:s25+$0xC540] =	vst v5  }
0x235: {  	vm4 =	vlt.s32 v40, s24;
	v4 =	vld.idx.msk [tilespmem:v4+s30+$0x0], $0xffff  }
0x236: {  	v41 =	vsel vm4, $0x0, v3  }
0x237: {  	v5 =	vsub.s32 v40, v41;
	_ =	sdelay $0x2  }
0x238: {  	v4 =	vadd.s32 v1, v4  }
0x239: {  	v42 =	vadd.s32 s26, v5;
	[tilespmem:s25+$0xC550] =	vst v4  }
0x23a: {  	vm5 =	vlt.s32 v42, s24;
	v5 =	vld.idx.msk [tilespmem:v5+s30+$0x0], $0xffff  }
0x23b: {  	v43 =	vsel vm5, $0x0, v3  }
0x23c: {  	v4 =	vsub.s32 v42, v43;
	_ =	sdelay $0x2  }
0x23d: {  	v5 =	vadd.s32 v1, v5  }
0x23e: {  	v44 =	vadd.s32 s26, v4;
	[tilespmem:s25+$0xC560] =	vst v5  }
0x23f: {  	vm6 =	vlt.s32 v44, s24;
	v4 =	vld.idx.msk [tilespmem:v4+s30+$0x0], $0xffff  }
0x240: {  	v45 =	vsel vm6, $0x0, v3  }
0x241: {  	v5 =	vsub.s32 v44, v45;
	_ =	sdelay $0x2  }
0x242: {  	v4 =	vadd.s32 v1, v4  }
0x243: {  	v46 =	vadd.s32 s26, v5;
	[tilespmem:s25+$0xC570] =	vst v4  }
0x244: {  	vm7 =	vlt.s32 v46, s24;
	v5 =	vld.idx.msk [tilespmem:v5+s30+$0x0], $0xffff  }
0x245: {  	v47 =	vsel vm7, $0x0, v3  }
0x246: {  	v4 =	vsub.s32 v46, v47;
	_ =	sdelay $0x2  }
0x247: {  	v5 =	vadd.s32 v1, v5  }
0x248: {  	v48 =	vadd.s32 s26, v4;
	[tilespmem:s25+$0xC580] =	vst v5  }
0x249: {  	vm8 =	vlt.s32 v48, s24;
	v4 =	vld.idx.msk [tilespmem:v4+s30+$0x0], $0xffff  }
0x24a: {  	v49 =	vsel vm8, $0x0, v3  }
0x24b: {  	v5 =	vsub.s32 v48, v49;
	_ =	sdelay $0x2  }
0x24c: {  	v4 =	vadd.s32 v1, v4  }
0x24d: {  	v50 =	vadd.s32 s26, v5;
	[tilespmem:s25+$0xC590] =	vst v4  }
0x24e: {  	vm9 =	vlt.s32 v50, s24;
	v5 =	vld.idx.msk [tilespmem:v5+s30+$0x0], $0xffff  }
0x24f: {  	v51 =	vsel vm9, $0x0, v3  }
0x250: {  	v4 =	vsub.s32 v50, v51;
	_ =	sdelay $0x2  }
0x251: {  	v5 =	vadd.s32 v1, v5  }
0x252: {  	v52 =	vadd.s32 s26, v4;
	[tilespmem:s25+$0xC5A0] =	vst v5  }
0x253: {  	vm10 =	vlt.s32 v52, s24;
	v4 =	vld.idx.msk [tilespmem:v4+s30+$0x0], $0xffff  }
0x254: {  	v53 =	vsel vm10, $0x0, v3  }
0x255: {  	v5 =	vsub.s32 v52, v53;
	_ =	sdelay $0x2  }
0x256: {  	v4 =	vadd.s32 v1, v4  }
0x257: {  	v54 =	vadd.s32 s26, v5;
	[tilespmem:s25+$0xC5B0] =	vst v4  }
0x258: {  	vm11 =	vlt.s32 v54, s24;
	v5 =	vld.idx.msk [tilespmem:v5+s30+$0x0], $0xffff  }
0x259: {  	v55 =	vsel vm11, $0x0, v3  }
0x25a: {  	v4 =	vsub.s32 v54, v55;
	_ =	sdelay $0x2  }
0x25b: {  	v5 =	vadd.s32 v1, v5  }
0x25c: {  	v56 =	vadd.s32 s26, v4;
	[tilespmem:s25+$0xC5C0] =	vst v5  }
0x25d: {  	vm12 =	vlt.s32 v56, s24;
	v4 =	vld.idx.msk [tilespmem:v4+s30+$0x0], $0xffff  }
0x25e: {  	v57 =	vsel vm12, $0x0, v3  }
0x25f: {  	v5 =	vsub.s32 v56, v57;
	_ =	sdelay $0x2  }
0x260: {  	v4 =	vadd.s32 v1, v4  }
0x261: {  	v58 =	vadd.s32 s26, v5;
	[tilespmem:s25+$0xC5D0] =	vst v4  }
0x262: {  	vm13 =	vlt.s32 v58, s24;
	v5 =	vld.idx.msk [tilespmem:v5+s30+$0x0], $0xffff  }
0x263: {  	v59 =	vsel vm13, $0x0, v3  }
0x264: {  	v4 =	vsub.s32 v58, v59;
	_ =	sdelay $0x2  }
0x265: {  	v5 =	vadd.s32 v1, v5  }
0x266: {  	v60 =	vadd.s32 s26, v4;
	[tilespmem:s25+$0xC5E0] =	vst v5  }
0x267: {  	vm14 =	vlt.s32 v60, s24;
	v4 =	vld.idx.msk [tilespmem:v4+s30+$0x0], $0xffff  }
0x268: {  	v61 =	vsel vm14, $0x0, v3  }
0x269: {  	v5 =	vsub.s32 v60, v61;
	_ =	sdelay $0x2  }
0x26a: {  	v4 =	vadd.s32 v1, v4  }
0x26b: {  	v62 =	vadd.s32 s26, v5;
	[tilespmem:s25+$0xC5F0] =	vst v4  }
0x26c: {  	vm15 =	vlt.s32 v62, s24;
	v5 =	vld.idx.msk [tilespmem:v5+s30+$0x0], $0xffff  }
0x26d: {  	v3 =	vsel vm15, $0x0, v3  }
0x26e: {  	v3 =	vsub.s32 v62, v3;
	_ =	sdelay $0x2  }
0x26f: {  	v63 =	vadd.s32 v1, v5  }
0x270: {  	[tilespmem:s25+$0xC600] =	vst v63  }
0x271: {  	v3 =	vld.idx.msk [tilespmem:v3+s30+$0x0], $0xffff  }
0x272: {  	p0 =	seq.s32 s6, $0x0  }
.Ltmp6:
0x273: {  	_ = 	snop;
	(pc) =	sbr.rel @p0 .LBB2_10-.Ltmp6, $3  }
0x274: {  	_ =	sdelay $0x1  }
0x275: {  	v3 =	vadd.s32 v1, v3  }
0x276: {  	s10 =	simm.s32 $0x0;
	[tilespmem:s25+$0xC610] =	vst v3  }
0x277: {  	s2 =	simm.s32 $0x1  }
0x278: {  	_ =	swait.ge [sflag:s2], $0x4000  }
0x279: {  	[sflag:s2] =	ssyncset.done $0x0  }
0x27a: {  	[sflag:s2] =	ssyncadd.s32 $0xFFFFC000  }
0x27b: {  	_ =	swait.ge [sflag:s2], $0x4000  }
0x27c: {  	[sflag:s2] =	ssyncset.done $0x0  }
0x27d: {  	[sflag:s2] =	ssyncadd.s32 $0xFFFFC000  }
0x27e: {  	_ =	swait.ge [sflag:s2], $0x4000  }
0x27f: {  	[sflag:s2] =	ssyncset.done $0x0  }
0x280: {  	[sflag:s2] =	ssyncadd.s32 $0xFFFFC000  }
0x281: {  	_ =	swait.ge [sflag:s2], $0x4000  }
0x282: {  	s0 =	sshll.u32 s6, $0x10;
	s1 =	rddreg [dreg:$0x8]  }
0x283: {  	s0 =	sadd.s32 s0, s1  }
0x284: {  	s3 =	simm.s32 $0x10;
	s31 =	rddreg [dreg:$0x5];
	s0 =	sshrl.u32 s0, $0x3  }
0x285: {  	s4 =	simm.s32 $0xC8A0;
	[sflag:s2] =	ssyncset.done $0x0;
	s0 =	sadd.s32 s31, s0  }
0x286: {  	[sflag:s2] =	ssyncadd.s32 $0xFFFFC000;
	s1 =	simm.s32 $0xC820;
	s5 =	sadd.s32 $0x0, s0  }
.LBB2_8:
0x287: {  	[hbm4b:s5+s10] =	stream.linear.scatter [tilespmem:s1], [sflag:$0x2], $0x18, $0x38;
	[tilespmem:$0x1C840] =	vst v63  }
0x288: {  	s2 =	smov.u32 s3;
	s1 =	smov.u32 s4;
	p0 =	sne.s32 s3, $0x1FF0  }
.Ltmp7:
0x289: {  	s3 =	sadd.s32 $0x10, s3;
	(pc) =	sbr.rel @p0 .LBB2_8-.Ltmp7, $2  }
0x28a: {  	_ =	sdelay $0x2  }
0x28b: {  	s4 =	sadd.s32 $0x80, s4;
	s5 =	sadd.s32 s2, s0  }
0x28c: {  	[hbm4b:s5+s10] =	stream.linear.scatter [tilespmem:s1], [sflag:$0x2], $0x18, $0x38;
	[tilespmem:$0x1C840] =	vst v63  }
.Ltmp8:
0x28d: {  	_ = 	snop;
	(pc) =	sbr.rel .LBB2_10-.Ltmp8, $4  }
0x28e: {  	s0 =	simm.s32 $0x2  }
0x28f: {  	_ =	swait.ge [sflag:s0], $0x3000  }
0x290: {  	[sflag:s0] =	ssyncset.done $0x0  }
0x291: {  	[sflag:s0] =	ssyncadd.s32 $0xFFFFD000  }
.LBB2_11:
0x292: {  	s0 =	simm.s32 $0x1  }
0x293: {  	_ =	swait.ge [sflag:s0], $0x4000  }
0x294: {  	[sflag:s0] =	ssyncset.done $0x0  }
0x295: {  	[sflag:s0] =	ssyncadd.s32 $0xFFFFC000  }
0x296: {  	_ =	swait.ge [sflag:s0], $0x4000  }
0x297: {  	[sflag:s0] =	ssyncset.done $0x0  }
0x298: {  	[sflag:s0] =	ssyncadd.s32 $0xFFFFC000  }
0x299: {  	_ =	swait.ge [sflag:s0], $0x4000  }
0x29a: {  	[sflag:s0] =	ssyncset.done $0x0  }
0x29b: {  	[sflag:s0] =	ssyncadd.s32 $0xFFFFC000  }
0x29c: {  	s1 =	simm.s32 $0x10;
	_ =	swait.ge [sflag:s0], $0x4000  }
0x29d: {  	s3 =	simm.s32 $0xC8A0;
	[sflag:s0] =	ssyncset.done $0x0;
	s5 =	rddreg [dreg:$0x9]  }
0x29e: {  	[sflag:s0] =	ssyncadd.s32 $0xFFFFC000;
	s0 =	simm.s32 $0xC820;
	s4 =	sadd.s32 $0x0, s5  }
.LBB2_12:
0x29f: {  	[hbm4b:s4+s10] =	stream.linear.scatter [tilespmem:s0], [sflag:$0x2], $0x18, $0x38;
	[tilespmem:$0x1C840] =	vst v63  }
0x2a0: {  	s2 =	smov.u32 s1;
	s0 =	smov.u32 s3;
	p0 =	sne.s32 s1, $0x1FF0  }
.Ltmp9:
0x2a1: {  	s1 =	sadd.s32 $0x10, s1;
	(pc) =	sbr.rel @p0 .LBB2_12-.Ltmp9, $2  }
0x2a2: {  	_ =	sdelay $0x2  }
0x2a3: {  	s3 =	sadd.s32 $0x80, s3;
	s4 =	sadd.s32 s2, s5  }
0x2a4: {  	[hbm4b:s4+s10] =	stream.linear.scatter [tilespmem:s0], [sflag:$0x2], $0x18, $0x38;
	[tilespmem:$0x1C840] =	vst v63  }
0x2a5: {  	s1 =	simm.s32 $0x2  }
0x2a6: {  	_ =	swait.ge [sflag:s1], $0x3000  }
0x2a7: {  	[sflag:s1] =	ssyncset.done $0x0  }
0x2a8: {  	s2 =	simm.s32 $0x1C820;
	s29 =	rddreg [dreg:$0xa];
	[sflag:s1] =	ssyncadd.s32 $0xFFFFD000  }
0x2a9: {  	[hbm4b:s29+s10] =	stream.linear.scatter [tilespmem:s2], [sflag:$0x2], $0x20, $0x38;
	[tilespmem:$0x1C840] =	vst v63  }
0x2aa: {  	_ =	swait.ge [sflag:s1], $0x20  }
0x2ab: {  	s30 =	rddreg [dreg:$0xc]  }
0x2ac: {  	s31 =	rddreg [dreg:$0xb];
	s2 =	sadd.s32 $0x1, s30  }
0x2ad: {  	p0 =	sne.s32 s2, s31  }
.Ltmp10:
0x2ae: {  	_ = 	snop;
	(pc) =	sbr.rel @p0 .LBB2_1-.Ltmp10, $3  }
0x2af: {  	_ =	sdelay $0x1  }
0x2b0: {  	[sflag:s1] =	ssyncset.done $0x0  }
0x2b1: {  	[sflag:s1] =	ssyncadd.s32 $0xFFFFFFE0  }
0x2b2: {  	_ =	sfence.sel $0x180000  }
0x2b3: {  	[bflag:$0x0] =	sbarrier.arrive $0xFFFF  }
0x2b4: {  	_ =	strace $0x90000047  }
0x2b5: {  	s0 =	stileid.u32;
	[bflag:$0x2] =	sbarrier.arrive $0xFFFF  }
0x2b6: {  	p0 =	sne.s32 s0, $0x0;
	s0 =	rddreg [dreg:$0x3]  }
0x2b7: {  	s0 =	sadd.s32 @!p0 $0x100000, s0  }
0x2b8: {  	[sflag:s0] =	ssyncadd.tile.s32 @!p0 $0x1;
	_ =	shalt  }
.Lfunc_end2:
_tile_overlayer_lowered:
.L_overlay_start_2:
0x2b9: {  	(tag) =	ssettag $0x2  }
0x2ba: {  	s0 =	rddreg [dreg:$0x0];
	s2 =	stileid.u32  }
0x2bb: {  	s1 =	rddreg [dreg:$0x1];
	p0 =	sne.s32 s2, $0x0  }
0x2bc: {  	s3 =	rddreg [dreg:$0x2];
	[bflag:$0x3] =	sbarrier.arrive $0xFFFF;
	s2 =	simm.s32 @!p0 $0x1C02  }
0x2bd: {  	[timem:s3], [sflag:s2] =	dma.local @!p0 [hbm:s0], s1  }
0x2be: {  	s0 =	simm.s32 @!p0 $0x2  }
0x2bf: {  	_ =	swait.ge @!p0 [sflag:s0], s1  }
0x2c0: {  	s1 =	ssub.s32 @!p0 $0x0, s1;
	[sflag:s0] =	ssyncset.done @!p0 $0x0  }
0x2c1: {  	[sflag:s0] =	ssyncadd.s32 @!p0 s1  }
0x2c2: {  	[bflag:$0x3] =	sbarrier.arrive $0xFFFF  }
0x2c3: {  	_ =	shalt  }

// kernel: sparse-core-data-format-call.cloned.1.call-start
scs
called_computation_lowered:
.L_overlay_start_0:
0x0: {  	s2 =	sld [smem:$0x3FD9]  }
0x1: {  	s3 =	sld [smem:$0x3FFE];
	_ =	sdelay $0x1  }
0x2: {  	s1 =	srdreg.scid  }
0x3: {  	s0 =	sand.u32 $0x1, s1  }
0x4: {  	s15 =	sshll.u32 s0, $0xA;
	s2 =	sadd.s32 s3, s2  }
0x5: {  	s2 =	sadd.s32 s2, s15  }
0x6: {  	[smem:$0x3FC5] =	sst s2  }
0x7: {  	_ = 	snop  }
0x8: {  	s2 =	sld [smem:$0x3FD0];
	_ =	sdelay $0x2  }
0x9: {  	s16 =	simm.s32 $0xA;
	s4 =	simm.s32 $0x10  }
0xa: {  	[smem:s4], [sflag:s16] =	dma.local [hbm:s2], $0x1  }
0xb: {  	_ =	swait.eq [sflag:s16], $0x1  }
0xc: {  	[sflag:s16] =	ssyncset.done $0x0  }
0xd: {  	[sflag:s16] =	ssyncadd.s32 $0xFFFFFFFF  }
0xe: {  	s17 =	sld [smem:$0x10];
	(tm) =	ssettm $0x1  }
0xf: {  	s18 =	sld [smem:$0x3FFB];
	_ =	sdelay $0x3  }
0x10: {  	_ =	strace s18  }
0x11: {  	s3 =	sld [smem:$0x3FFC];
	_ =	sdelay $0x3  }
0x12: {  	_ =	strace s3  }
0x13: {  	s3 =	sld [smem:$0x3FFD];
	_ =	sdelay $0x3  }
0x14: {  	_ =	strace s3  }
0x15: {  	_ =	strace $0x8FFFFFFF  }
0x16: {  	s19 =	sld [smem:$0x3FDB];
	_ =	sdelay $0x1  }
0x17: {  	s20 =	simm.s32 $_scs_section_size  }
0x18: {  	s5 =	simm.s32 $_size__tile_overlayer_lowered;
	s6 =	simm.s32 $_tile_overlayer_lowered  }
0x19: {  	s23 =	simm.s32 $0x1BFF;
	s22 =	sshll.u32 s6, $0x1;
	s3 =	sadd.s32 s20, s19  }
0x1a: {  	s7 =	simm.s32 $0x0;
	s21 =	sshll.u32 s5, $0x1;
	s5 =	sadd.s32 s22, s3  }
0x1b: {  	[timem:s7], [sflag:s23] =	dma.local [hbm:s5], s21  }
0x1c: {  	_ =	swait.ge [sflag:s23], s21  }
0x1d: {  	s4 =	ssub.s32 $0x0, s21;
	[sflag:s23] =	ssyncset.done $0x0  }
0x1e: {  	[sflag:s23] =	ssyncadd.s32 s4;
	_ =	sdelay $0x1  }
0x1f: {  	s24 =	simm.s32 $0x1B8B  }
0x20: {  	_ =	swait.ge [sflag:s24], $0x1  }
0x21: {  	[sflag:s24] =	ssyncset.done $0x0  }
0x22: {  	s26 =	simm.s32 $0x1B8E;
	s25 =	sld [smem:$0x3FFE];
	[sflag:s24] =	ssyncadd.s32 $0xFFFFFFFF  }
0x23: {  	s27 =	simm.s32 $execute0_lowered;
	[smem:$0x3FD2] =	sst s26  }
0x24: {  	s5 =	sshll.u32 s27, $0x1;
	_ =	strace $0x80000049;
	[dreg:$0x1] =	wrdreg $0xFFFFFFFF  }
0x25: {  	s28 =	simm.s32 $_size_execute0_lowered;
	s3 =	sadd.s32 s3, s5;
	[dreg:$0x0] =	wrdreg $0x0  }
0x26: {  	s5 =	sshll.u32 s28, $0x1;
	[dreg:$0x2] =	wrdreg s3  }
0x27: {  	[dreg:$0x3] =	wrdreg s5  }
0x28: {  	[dreg:$0x4] =	wrdreg $0xC0  }
0x29: {  	_ =	task [dreg:s7], $0x5FFFF  }
0x2a: {  	[dreg:$0x1] =	wrdreg $0xFFFFFFFF  }
0x2b: {  	[dreg:$0x0] =	wrdreg $0x60  }
0x2c: {  	[dreg:$0x2] =	wrdreg s25  }
0x2d: {  	[dreg:$0x3] =	wrdreg s17  }
0x2e: {  	[dreg:$0x4] =	wrdreg $0x9  }
0x2f: {  	_ =	task.clear_ibuf [dreg:s7], $0x5FFFF;
	_ =	strace $0x90000049  }
0x30: {  	s29 =	simm.s32 $0x9;
	_ =	strace $0x8000004B  }
0x31: {  	_ =	swait.ge [sflag:s29], $0x1  }
0x32: {  	[sflag:s29] =	ssyncadd.s32 $0xFFFFFFFF  }
0x33: {  	_ =	strace $0x9000004B  }
0x34: {  	_ =	sfence  }
0x35: {  	s30 =	sld [smem:$0x0];
	_ =	sdelay $0x2  }
0x36: {  	s31 =	sshll.u32 s1, $0xD;
	s1 =	sshrl.u32 s1, $0x2  }
0x37: {  	s3 =	sand.u32 $0x4000, s31;
	s1 =	sadd.s32 s1, s30  }
0x38: {  	s0 =	sor.u32 s3, s0;
	s1 =	sshll.u32 s1, $0x11  }
0x39: {  	s0 =	sor.u32 s1, s0  }
0x3a: {  	s0 =	sadd.s32 $0x8F2B, s0  }
0x3b: {  	[sflag:s0] =	ssyncadd.remote.s32 $0x1  }
0x3c: {  	_ =	sfence.sel $0xFFFF  }
0x3d: {  	[dreg:$0x0] =	wrdreg $0xFFFFFFFF;
	(pc) =	sbr.abs _section_cstart, $3  }
0x3e: {  	[dreg:$0x1] =	wrdreg $0xFFFFFFFF  }
0x3f: {  	_ =	task.clear_ibuf [dreg:s7], $0x2FFFF;
	_ =	strace $0x9FFFFFFF  }
0x40: {  	(tm) =	ssettm $0x7FFFFFFF  }
0x41: {  	_ =	shalt  }
tec
execute0_lowered:
.L_overlay_start_1:
0x0: {  	(tag) =	ssettag $0x1  }
0x1: {  	s1 =	srdreg.scid;
	s10 =	rddreg [dreg:$0x0]  }
0x2: {  	s0 =	stileid.u32;
	s2 =	rddreg [dreg:$0x1];
	s5 =	simm.s32 $0x1  }
0x3: {  	s8 =	simm.s32 $0x2;
	s20 =	simm.s32 $0x0;
	s12 =	simm.s32 $0x10000  }
0x4: {  	s21 =	simm.s32 $0x0;
	s22 =	simm.s32 $0x0;
	s1 =	sshll.u32 s1, $0x4  }
0x5: {  	s13 =	simm.s32 $0x0;
	s14 =	simm.s32 $0x0;
	s1 =	sor.u32 s0, s1  }
0x6: {  	s15 =	simm.s32 $0x0;
	s16 =	simm.s32 $0x0;
	s3 =	sshrl.u32 s1, $0x1  }
0x7: {  	s1 =	rddreg [dreg:$0x2];
	_ =	strace $0x8000004A;
	s3 =	sand.u32 $0xC, s3  }
0x8: {  	s19 =	simm.s32 $0x0;
	[sflag:s5] =	ssyncpa.u1 $0x0;
	s6 =	ssub.s32 $0x80, s3  }
0x9: {  	s4 =	sadd.s32 $0x402200, s10;
	[sflag:s8] =	ssyncpa.u1 $0x0;
	s7 =	sand.u32 $0xC, s6  }
.Ltmp0:
0xa: {  	p0 =	sne.s32 s7, $0x0;
	s7 =	simm.s32 $0x1;
	(pc) =	sbr.rel .LBB1_1-.Ltmp0, $4  }
0xb: {  	s8 =	sadd.s32 $0x404200, s10;
	s9 =	sshrl.u32 s6, $0x4;
	s7 =	simm.s32 @!p0 $0x0  }
0xc: {  	s17 =	smov.u32 s3;
	s6 =	sand.u32 $0x7, s0;
	s7 =	sadd.s32 s7, s9  }
0xd: {  	s18 =	smov.u32 s6;
	p0 =	por $0x0, $0x0;
	s7 =	sshll.u32 s7, $0x2  }
0xe: {  	s9 =	sadd.s32 $0x406200, s10;
	s10 =	sadd.s32 $0x408200, s10;
	s11 =	sor.u32 $0x1, s7  }
.LBB1_7:
0xf: {  	p1 =	slt.u32 s19, $0x2  }
0x10: {  	s23 =	smov.u32 s22;
	p2 =	sgt.s32 @!p1 s22, $0x7;
	s24 =	sshra.s32 @!p1 s22, $0x1F  }
0x11: {  	p3 =	sgt.s32 @!p1 s20, $0x180;
	p2 =	por !p2, p1;
	s22 =	sand.u32 @!p1 s24, s22  }
0x12: {  	s24 =	sshra.s32 @!p1 s21, $0x1F;
	s23 =	simm.s32 @p2 $0x7;
	p2 =	sgt.s32 @!p1 s21, $0x7C  }
0x13: {  	s22 =	ssub.s32 @!p1 s23, s22;
	p2 =	por !p2, p1;
	s23 =	smov.u32 s21  }
0x14: {  	p3 =	por !p3, p1;
	s21 =	sand.u32 @!p1 s24, s21;
	s23 =	simm.s32 @p2 $0x7C  }
0x15: {  	s24 =	sadd.s32 @!p1 $0xFFFFFFF9, s22;
	s22 =	ssub.s32 @!p1 $0x8, s22;
	s21 =	ssub.s32 @!p1 s23, s21  }
0x16: {  	p2 =	sgt.s32 @!p1 s24, $0x0;
	s24 =	smov.u32 s20;
	s23 =	sadd.s32 @!p1 $0xFFFFFF84, s21  }
0x17: {  	s24 =	simm.s32 @p3 $0x180;
	p3 =	sgt.s32 @!p1 s23, $0x3;
	s23 =	sshra.s32 @!p1 s20, $0x1F  }
0x18: {  	s22 =	smul.u32 @!p1 $0x13, s22;
	p2 =	por !p2, p1;
	s20 =	sand.u32 @!p1 s23, s20  }
0x19: {  	s21 =	ssub.s32 @!p1 $0x80, s21;
	p3 =	por !p3, p1;
	s20 =	ssub.s32 @!p1 s24, s20  }
0x1a: {  	s22 =	simm.s32 @!p2 $0x0;
	s21 =	simm.s32 @!p3 $0x0;
	s23 =	sadd.s32 @!p1 $0xFFFFFE80, s20  }
0x1b: {  	s24 =	smov.u32 s17;
	s21 =	smul.u32 @!p1 s21, s22;
	p2 =	sgt.s32 @!p1 s23, $0x7F  }
0x1c: {  	s20 =	ssub.s32 @!p1 $0x200, s20;
	s23 =	sadd.s32 $0x80, s16;
	p2 =	por !p2, p1  }
0x1d: {  	s22 =	sadd.s32 $0x10, s17;
	s20 =	simm.s32 @!p2 $0x0;
	p2 =	sgt.s32 s23, $0x1FF  }
0x1e: {  	s25 =	smov.u32 s18;
	s24 =	smov.u32 @p2 s22  }
0x1f: {  	s20 =	smul.u32 @!p1 s20, s21;
	s21 =	sadd.s32 $0x8, s18;
	p3 =	sgt.s32 s24, $0x7F  }
0x20: {  	p0 =	por !p0, !p0;
	s26 =	simm.s32 @!p1 $0x2;
	s25 =	smov.u32 @p3 s21  }
0x21: {  	s23 =	simm.s32 @p2 $0x0;
	s22 =	smov.u32 s15;
	p2 =	sgt.s32 s25, $0x7  }
0x22: {  	s15 =	smov.u32 s18;
	s25 =	smov.u32 @p2 s6;
	p2 =	sne.s32 s19, s11  }
.Ltmp1:
0x23: {  	s20 =	sand.u32 @!p1 $0x3FFFFFFF, s20;
	s24 =	smov.u32 @p3 s3;
	(pc) =	sbr.rel @!p2 .LBB1_8-.Ltmp1, $4  }
0x24: {  	s21 =	smov.u32 s14;
	s14 =	smov.u32 s17;
	_ =	swait.ge @!p1 [sflag:s26], s20  }
0x25: {  	s27 =	ssub.s32 @!p1 $0x0, s20;
	s20 =	smov.u32 s13;
	s13 =	smov.u32 s16  }
0x26: {  	s16 =	smov.u32 s23;
	s17 =	smov.u32 s24;
	[sflag:s26] =	ssyncset.done @!p1 $0x0  }
0x27: {  	s19 =	sadd.s32 $0x1, s19;
	[sflag:s26] =	ssyncadd.s32 @!p1 s27;
	s18 =	smov.u32 s25  }
.LBB1_1:
0x28: {  	p1 =	sge.u32 s19, s7  }
0x29: {  	s23 =	sxor.u32 @!p1 $0xFFFFFFFF, s19;
	s24 =	sshll.u32 @!p1 s18, $0x14;
	s25 =	sshll.u32 @!p1 s17, $0xD  }
0x2a: {  	s27 =	sshll.u32 @!p1 s16, $0x4;
	s28 =	simm.s32 @!p1 $0x20;
	s26 =	sadd.s32 @!p1 s24, s25  }
0x2b: {  	s23 =	sshll.u32 @!p1 s23, $0xE;
	s27 =	sand.u32 @!p1 $0x1FF0, s27;
	s26 =	sadd.s32 @!p1 s4, s26  }
0x2c: {  	s29 =	simm.s32 @!p1 $0x80;
	s23 =	sand.u32 @!p1 $0x4000, s23;
	s26 =	sadd.s32 @!p1 s27, s26  }
0x2d: {  	[tilespmem:s23], [sflag:$0x1] =	stream.strided.gather @!p1 [hbm4b:s26+s28], $0x1000, s29, s28, $0x38;
	[tilespmem:$0x10100] =	vst v63  }
0x2e: {  	s26 =	sadd.s32 @!p1 s24, s8  }
0x2f: {  	s26 =	sadd.s32 @!p1 s25, s26  }
0x30: {  	s30 =	sor.u32 @!p1 $0x1000, s23;
	s26 =	sadd.s32 @!p1 s27, s26  }
0x31: {  	[tilespmem:s30], [sflag:$0x1] =	stream.strided.gather @!p1 [hbm4b:s26+s28], $0x1000, s29, s28, $0x38;
	[tilespmem:$0x10100] =	vst v63  }
0x32: {  	s26 =	sadd.s32 @!p1 s24, s9  }
0x33: {  	s24 =	sadd.s32 @!p1 s24, s10;
	s26 =	sadd.s32 @!p1 s25, s26  }
0x34: {  	s30 =	sor.u32 @!p1 $0x2000, s23;
	s24 =	sadd.s32 @!p1 s25, s24;
	s26 =	sadd.s32 @!p1 s27, s26  }
0x35: {  	[tilespmem:s30], [sflag:$0x1] =	stream.strided.gather @!p1 [hbm4b:s26+s28], $0x1000, s29, s28, $0x38;
	[tilespmem:$0x10100] =	vst v63  }
0x36: {  	s31 =	sadd.s32 $0xFFFFFFFF, s19;
	s23 =	sor.u32 @!p1 $0x3000, s23;
	s24 =	sadd.s32 @!p1 s27, s24  }
0x37: {  	[tilespmem:s23], [sflag:$0x1] =	stream.strided.gather @!p1 [hbm4b:s24+s28], $0x1000, s29, s28, $0x38;
	[tilespmem:$0x10100] =	vst v63  }
0x38: {  	p1 =	sge.u32 s31, s7  }
.Ltmp2:
0x39: {  	_ = 	snop;
	(pc) =	sbr.rel @p1 .LBB1_7-.Ltmp2, $1  }
0x3a: {  	_ =	sdelay $0x3  }
0x3b: {  	s23 =	simm.s32 $0x1;
	s25 =	sand.u32 $0x1, s19  }
0x3c: {  	_ =	swait.ge [sflag:s5], $0x4000;
	s23 =	simm.s32 @!p0 $0x0;
	s26 =	smul.u32 $0x10200, s25  }
0x3d: {  	[sflag:s5] =	ssyncset.done $0x0;
	s24 =	smul.u32 $0x10200, s23  }
0x3e: {  	s23 =	sshll.u32 s23, $0xE;
	[sflag:s5] =	ssyncadd.s32 $0xFFFFC000  }
0x3f: {  	s25 =	sor.u32 $0x10, s23;
	s31 =	sshrl.u32 s26, $0x2;
	s24 =	sshrl.u32 s24, $0x2  }
0x40: {  	s26 =	simm.s32 $0x0;
	s23 =	sor.u32 $0x8000, s31;
	s24 =	sor.u32 $0x8000, s24  }
.LBB1_3:
0x41: {  	v1 =	vld [tilespmem:s25+$0x0]  }
0x42: {  	v0 =	vld [tilespmem:s25+$0xFFFFFFF0];
	_ =	sdelay $0x2  }
0x43: {  	s29 =	sadd.s32 $0x0, s24  }
0x44: {  	s27 =	simm.s32 $0x4;
	s28 =	sadd.s32 $0x20, s25;
	[tilespmem:s29+$0x2040 ss:$0x204] =	vst.msk $0xffff, v1  }
.LBB1_4:
0x45: {  	v1 =	vld [tilespmem:s28+$0x0];
	p1 =	sne.s32 s27, $0x1FC;
	[tilespmem:s29+$0x0 ss:$0x204] =	vst.msk $0xffff, v0;
	s29 =	smov.u32 s27;
	s27 =	sadd.s32 $0x4, s27  }
.Ltmp3:
0x46: {  	v0 =	vld [tilespmem:s28+$0xFFFFFFF0];
	(pc) =	sbr.rel @p1 .LBB1_4-.Ltmp3, $4  }
0x47: {  	_ = 	snop  }
0x48: {  	s29 =	sshra.s32 s29, $0x2  }
0x49: {  	s29 =	sadd.s32 s29, s24  }
0x4a: {  	s28 =	sadd.s32 $0x20, s28;
	[tilespmem:s29+$0x2040 ss:$0x204] =	vst.msk $0xffff, v1  }
0x4b: {  	s26 =	sadd.s32 $0x1, s26  }
0x4c: {  	p1 =	sne.s32 s26, $0x4  }
.Ltmp4:
0x4d: {  	_ = 	snop;
	(pc) =	sbr.rel @p1 .LBB1_3-.Ltmp4, $2  }
0x4e: {  	_ =	sdelay $0x2  }
0x4f: {  	[tilespmem:s29+$0x0 ss:$0x204] =	vst.msk $0xffff, v0;
	s24 =	sadd.s32 $0x81, s24;
	s25 =	sadd.s32 $0x1000, s25  }
0x50: {  	p1 =	sgt.s32 s15, $0x7;
	s24 =	smov.u32 s15  }
0x51: {  	s25 =	sshra.s32 s15, $0x1F;
	s26 =	sshll.u32 s14, $0x9;
	s27 =	sshll.u32 s13, $0x3  }
0x52: {  	s28 =	smov.u32 s14;
	s29 =	sshra.s32 s14, $0x1F;
	s24 =	simm.s32 @!p1 $0x7  }
0x53: {  	s25 =	sand.u32 s25, s15;
	s26 =	sand.u32 $0xF000, s26;
	s30 =	sand.u32 $0xFC00, s27  }
0x54: {  	p1 =	sgt.s32 s14, $0x7C;
	s29 =	sand.u32 s29, s14;
	s24 =	ssub.s32 s24, s25  }
0x55: {  	s28 =	simm.s32 @!p1 $0x7C;
	s25 =	sadd.s32 s26, s30;
	s31 =	sadd.s32 $0xFFFFFFF9, s24  }
0x56: {  	s24 =	ssub.s32 $0x8, s24;
	s26 =	ssub.s32 s28, s29;
	s28 =	smov.u32 s13  }
0x57: {  	s29 =	sshll.u32 s14, $0x7;
	s24 =	smul.u32 $0x13, s24;
	p1 =	sgt.s32 s31, $0x0  }
0x58: {  	s30 =	sadd.s32 $0xFFFFFF84, s26;
	s31 =	sshra.s32 s13, $0x1F;
	s26 =	ssub.s32 $0x80, s26  }
0x59: {  	s27 =	sand.u32 s31, s13;
	s24 =	simm.s32 @p1 $0x0;
	p1 =	sgt.s32 s13, $0x180  }
0x5a: {  	s28 =	simm.s32 @!p1 $0x180;
	p1 =	sgt.s32 s30, $0x3;
	s30 =	sand.u32 $0x200, s29  }
0x5b: {  	s27 =	ssub.s32 s28, s27;
	s26 =	simm.s32 @p1 $0x0;
	s25 =	sor.u32 s30, s25  }
0x5c: {  	s28 =	sand.u32 $0x78, s13;
	s30 =	sand.u32 $0x180, s29;
	s29 =	sand.u32 $0x7, s13  }
0x5d: {  	s24 =	smul.u32 s26, s24;
	s31 =	sadd.s32 $0xFFFFFE80, s27;
	s26 =	ssub.s32 $0x200, s27  }
0x5e: {  	s27 =	sor.u32 s28, s30;
	p1 =	sgt.s32 s31, $0x7F;
	s31 =	smul.u32 $0x26000, s15  }
.Ltmp5:
0x5f: {  	s25 =	sshrl.u32 s25, $0x3;
	s26 =	simm.s32 @p1 $0x0;
	(pc) =	sbr.rel .LBB1_7-.Ltmp5, $4  }
0x60: {  	s30 =	sshrl.u32 s27, $0x3;
	s24 =	smul.u32 s26, s24;
	s31 =	sadd.s32 s2, s31  }
0x61: {  	s25 =	sand.u32 $0x1FC0, s25;
	s26 =	sadd.s32 s30, s31;
	s30 =	sshll.u32 s29, $0x12  }
0x62: {  	s24 =	sand.u32 $0x3FFFFFFF, s24;
	s25 =	sadd.s32 s25, s26;
	s31 =	sor.u32 $0x200, s30  }
0x63: {  	[hbm4b:s25+s31] =	stream.strided.scatter [tilespmem:s23], [sflag:$0x2], s24, s12, s31, $0x20;
	[tilespmem:$0x10100] =	vst v63  }
.LBB1_8:
0x64: {  	_ =	sfence.sel $0x180000  }
0x65: {  	s2 =	simm.s32 $0x1;
	[bflag:$0x0] =	sbarrier.arrive $0xFFFF  }
0x66: {  	s31 =	simm.s32 $0x2;
	[sflag:s2] =	ssyncpa.u1 $0x1  }
0x67: {  	[sflag:s31] =	ssyncpa.u1 $0x1  }
0x68: {  	p0 =	sne.s32 s0, $0x0;
	_ =	strace $0x9000004A  }
0x69: {  	s0 =	sadd.s32 @!p0 $0x100000, s1;
	[bflag:$0x2] =	sbarrier.arrive $0xFFFF  }
0x6a: {  	[sflag:s0] =	ssyncadd.tile.s32 @!p0 $0x1;
	_ =	shalt  }
.Lfunc_end1:
_tile_overlayer_lowered:
.L_overlay_start_2:
0x6b: {  	(tag) =	ssettag $0x2  }
0x6c: {  	s0 =	rddreg [dreg:$0x0];
	s2 =	stileid.u32  }
0x6d: {  	s1 =	rddreg [dreg:$0x1];
	p0 =	sne.s32 s2, $0x0  }
0x6e: {  	s3 =	rddreg [dreg:$0x2];
	[bflag:$0x3] =	sbarrier.arrive $0xFFFF;
	s2 =	simm.s32 @!p0 $0x1C01  }
0x6f: {  	[timem:s3], [sflag:s2] =	dma.local @!p0 [hbm:s0], s1  }
0x70: {  	s0 =	simm.s32 @!p0 $0x1  }
0x71: {  	_ =	swait.ge @!p0 [sflag:s0], s1  }
0x72: {  	s1 =	ssub.s32 @!p0 $0x0, s1;
	[sflag:s0] =	ssyncset.done @!p0 $0x0  }
0x73: {  	[sflag:s0] =	ssyncadd.s32 @!p0 s1  }
0x74: {  	[bflag:$0x3] =	sbarrier.arrive $0xFFFF  }
0x75: {  	_ =	shalt  }

</sc_bundles>
